<compile_context>
chip_gen: v7x
topology: tpu7x:2x2x1
jax: 0.10.2.dev20260603
libtpu: 0.0.44.dev20260713+nightly
codegen_flags: <defaults>
</compile_context>

<pallas_src>
import functools

import jax
import jax.numpy as jnp
from jax import lax
from jax.experimental import pallas as pl
from jax.experimental.pallas import tpu as pltpu
from jax.experimental.pallas import tpu_sc as plsc

N_NODES = 10000
IN_DIM = 128
HID_DIM = 128
NUM_CLASS = 47
N_EDGES = 320000

NC = 2
NS = 16
NW = NC * NS

C = 128
ROWS_PER_W = 80
NPAIR = ROWS_PER_W // 2
EP = ROWS_PER_W * NW * C
NP = 10240
ZROWS = NP // NS
ZCH = ZROWS // C

_MESH = dict(core_axis_name="c", subcore_axis_name="s")


@functools.partial(
    pl.kernel,
    out_type=[jax.ShapeDtypeStruct((NC * NP, IN_DIM), jnp.float32)],
    mesh=plsc.VectorSubcoreMesh(**_MESH),
    scratch_types=[
        pltpu.VMEM((C, IN_DIM), jnp.float32),
        pltpu.VMEM((C, IN_DIM), jnp.float32),
        pltpu.VMEM_SHARED((NP, IN_DIM), jnp.float32),
        pltpu.VMEM((C,), jnp.int32),
        pltpu.VMEM((C,), jnp.int32),
        pltpu.VMEM((C,), jnp.int32),
        pltpu.VMEM((C,), jnp.int32),
        pltpu.SemaphoreType.DMA,
        pltpu.SemaphoreType.DMA,
    ])
def _sc_agg(z, src, dst, table, out, rows, rows_b, agg_sh,
            idx_s, idx_d, idxs_b, idxd_b, sem, sem_b):
    c = lax.axis_index("c")
    s = lax.axis_index("s")
    wid = s * NC + c
    base0 = wid * ROWS_PER_W * C

    pltpu.sync_copy(z, rows)
    for k in range(ZCH):
        pltpu.sync_copy(rows, agg_sh.at[pl.ds(s * ZROWS + k * C, C)])
    plsc.subcore_barrier()

    pltpu.sync_copy(src.at[pl.ds(base0, C)], idx_s)
    pltpu.sync_copy(dst.at[pl.ds(base0, C)], idx_d)
    pltpu.async_copy(table.at[idx_s], rows, sem)

    def body(i2, carry):
        cb = base0 + (2 * i2 + 1) * C
        cn = cb + C
        pltpu.sync_copy(src.at[pl.ds(cb, C)], idxs_b)
        pltpu.sync_copy(dst.at[pl.ds(cb, C)], idxd_b)
        pltpu.async_copy(table.at[idxs_b], rows_b, sem_b)
        pltpu.make_async_copy(table.at[idx_s], rows, sem).wait()
        pltpu.sync_copy(rows, agg_sh.at[idx_d], add=True)
        @pl.when(i2 < NPAIR - 1)
        def _():
            pltpu.sync_copy(src.at[pl.ds(cn, C)], idx_s)
            pltpu.sync_copy(dst.at[pl.ds(cn, C)], idx_d)
            pltpu.async_copy(table.at[idx_s], rows, sem)
        pltpu.make_async_copy(table.at[idxs_b], rows_b, sem_b).wait()
        pltpu.sync_copy(rows_b, agg_sh.at[idxd_b], add=True)
        return carry

    lax.fori_loop(0, NPAIR, body, 0)
    plsc.subcore_barrier()

    for k in range(ZCH):
        r0 = s * ZROWS + k * C
        pltpu.sync_copy(agg_sh.at[pl.ds(r0, C)], rows)
        pltpu.sync_copy(rows, out.at[pl.ds(c * NP + r0, C)])


@functools.partial(
    pl.kernel,
    out_type=[jax.ShapeDtypeStruct((NC * NP, IN_DIM), jnp.float32)],
    mesh=plsc.VectorSubcoreMesh(**_MESH),
    scratch_types=[
        pltpu.VMEM((C, IN_DIM), jnp.float32),
        pltpu.VMEM_SHARED((NP, IN_DIM), jnp.float32),
        pltpu.VMEM((C,), jnp.int32),
    ])
def _sc_deg(z, ones, dst, out, rows, deg_sh, idx_d):
    c = lax.axis_index("c")
    s = lax.axis_index("s")
    wid = s * NC + c
    base0 = wid * (EP // NW)

    pltpu.sync_copy(z, rows)
    for k in range(ZCH):
        pltpu.sync_copy(rows, deg_sh.at[pl.ds(s * ZROWS + k * C, C)])
    plsc.subcore_barrier()
    pltpu.sync_copy(ones, rows)

    def body(i, carry):
        base = base0 + i * C
        pltpu.sync_copy(dst.at[pl.ds(base, C)], idx_d)
        pltpu.sync_copy(rows, deg_sh.at[idx_d], add=True)
        return carry

    lax.fori_loop(0, EP // NW // C, body, 0)
    plsc.subcore_barrier()

    for k in range(ZCH):
        r0 = s * ZROWS + k * C
        pltpu.sync_copy(deg_sh.at[pl.ds(r0, C)], rows)
        pltpu.sync_copy(rows, out.at[pl.ds(c * NP + r0, C)])


def _tc_layer1(aggp, degp, x, W1l, b1l, W1r):
    R = 1000
    grid = (N_NODES // R,)

    def body(a_ref, d_ref, x_ref, wl_ref, b_ref, wr_ref, h_ref):
        a = a_ref[0] + a_ref[1]
        deg = jnp.maximum(d_ref[0, :, 0:1] + d_ref[1, :, 0:1], 1.0)
        mean = a / deg
        out = (lax.dot_general(mean, wl_ref[...], (((1,), (1,)), ((), ())),
                               preferred_element_type=jnp.float32,
                               precision=lax.Precision.HIGHEST)
               + lax.dot_general(x_ref[...], wr_ref[...],
                                 (((1,), (1,)), ((), ())),
                                 preferred_element_type=jnp.float32,
                                 precision=lax.Precision.HIGHEST)
               + b_ref[...])
        h_ref[...] = jnp.where(out >= 0, out, 0.01 * out)

    return pl.pallas_call(
        body,
        grid=grid,
        in_specs=[
            pl.BlockSpec((NC, R, IN_DIM), lambda i: (0, i, 0)),
            pl.BlockSpec((NC, R, IN_DIM), lambda i: (0, i, 0)),
            pl.BlockSpec((R, IN_DIM), lambda i: (i, 0)),
            pl.BlockSpec((HID_DIM, IN_DIM), lambda i: (0, 0)),
            pl.BlockSpec((1, HID_DIM), lambda i: (0, 0)),
            pl.BlockSpec((HID_DIM, IN_DIM), lambda i: (0, 0)),
        ],
        out_specs=pl.BlockSpec((R, HID_DIM), lambda i: (i, 0)),
        out_shape=jax.ShapeDtypeStruct((N_NODES, HID_DIM), jnp.float32),
    )(aggp, degp, x, W1l, b1l, W1r)


def _tc_layer2(aggp, degp, h, W2l, b2l, W2r):
    R = 1000
    grid = (N_NODES // R,)

    def body(a_ref, d_ref, h_ref, wl_ref, b_ref, wr_ref, o_ref):
        agg = a_ref[0] + a_ref[1]
        deg = jnp.maximum(d_ref[0, :, 0:1] + d_ref[1, :, 0:1], 1.0)
        mean = agg / deg
        logits = (lax.dot_general(mean, wl_ref[...], (((1,), (1,)), ((), ())),
                                  preferred_element_type=jnp.float32,
                                  precision=lax.Precision.HIGHEST)
                  + lax.dot_general(h_ref[...], wr_ref[...],
                                    (((1,), (1,)), ((), ())),
                                    preferred_element_type=jnp.float32,
                                    precision=lax.Precision.HIGHEST)
                  + b_ref[...])
        z = logits - jnp.max(logits, axis=1, keepdims=True)
        lse = jnp.log(jnp.sum(jnp.exp(z), axis=1, keepdims=True))
        o_ref[...] = z - lse

    return pl.pallas_call(
        body,
        grid=grid,
        in_specs=[
            pl.BlockSpec((NC, R, HID_DIM), lambda i: (0, i, 0)),
            pl.BlockSpec((NC, R, IN_DIM), lambda i: (0, i, 0)),
            pl.BlockSpec((R, HID_DIM), lambda i: (i, 0)),
            pl.BlockSpec((NUM_CLASS, HID_DIM), lambda i: (0, 0)),
            pl.BlockSpec((1, NUM_CLASS), lambda i: (0, 0)),
            pl.BlockSpec((NUM_CLASS, HID_DIM), lambda i: (0, 0)),
        ],
        out_specs=pl.BlockSpec((R, NUM_CLASS), lambda i: (i, 0)),
        out_shape=jax.ShapeDtypeStruct((N_NODES, NUM_CLASS), jnp.float32),
    )(aggp, degp, h, W2l, b2l, W2r)


def kernel(x, edge_index, W1l, b1l, W1r, W2l, b2l, W2r):
    src = edge_index[0].astype(jnp.int32)
    dst = edge_index[1].astype(jnp.int32)
    npad = EP - N_EDGES
    pads = jnp.arange(npad, dtype=jnp.int32) * 131 % N_NODES
    srcp = jnp.concatenate([src, pads])
    padd = N_NODES + jnp.arange(npad, dtype=jnp.int32) % (NP - N_NODES)
    dstp = jnp.concatenate([dst, padd])

    z = jnp.zeros((C, IN_DIM), jnp.float32)
    ones = jnp.ones((C, IN_DIM), jnp.float32)

    (degp,) = _sc_deg(z, ones, dstp)
    (agg1,) = _sc_agg(z, srcp, dstp, x)
    degp = degp.reshape(NC, NP, IN_DIM)
    h = _tc_layer1(agg1.reshape(NC, NP, IN_DIM), degp, x, W1l,
                   b1l.reshape(1, -1), W1r)
    (agg2,) = _sc_agg(z, srcp, dstp, h)
    out = _tc_layer2(agg2.reshape(NC, NP, HID_DIM), degp, h, W2l,
                     b2l.reshape(1, -1), W2r)
    return out

# --- scband reference (transcript-rebuilt; emitter-appended) ---
"""Pipeline reference for scband-graph-sage-net-76776835383827 (READ-ONLY COPY).

The authoritative reference and input builder live on the scoring server;
editing this copy changes nothing except your own understanding.
"""

import jax, jax.numpy as jnp
import numpy as np

N_NODES = 10000
IN_DIM = 128
HID_DIM = 128
NUM_CLASS = 47
N_EDGES = 320000


def setup_inputs(seed: int = 0) -> dict:
    key = jax.random.key(seed)
    ks = jax.random.split(key, 8)
    x = jax.random.normal(ks[0], (N_NODES, IN_DIM), dtype=jnp.float32)
    edge_index = jax.random.randint(ks[1], (2, N_EDGES), 0, N_NODES, dtype=jnp.int64 if jax.config.jax_enable_x64 else jnp.int32)
    s1 = 1.0 / np.sqrt(IN_DIM)
    s2 = 1.0 / np.sqrt(HID_DIM)
    W1l = jax.random.uniform(ks[2], (HID_DIM, IN_DIM), dtype=jnp.float32, minval=-s1, maxval=s1)
    b1l = jnp.zeros((HID_DIM,), dtype=jnp.float32)
    W1r = jax.random.uniform(ks[3], (HID_DIM, IN_DIM), dtype=jnp.float32, minval=-s1, maxval=s1)
    W2l = jax.random.uniform(ks[4], (NUM_CLASS, HID_DIM), dtype=jnp.float32, minval=-s2, maxval=s2)
    b2l = jnp.zeros((NUM_CLASS,), dtype=jnp.float32)
    W2r = jax.random.uniform(ks[5], (NUM_CLASS, HID_DIM), dtype=jnp.float32, minval=-s2, maxval=s2)
    return {"x": x, "edge_index": edge_index, "W1l": W1l, "b1l": b1l, "W1r": W1r, "W2l": W2l, "b2l": b2l, "W2r": W2r}


def _sage_conv(x, edge_index, Wl, bl, Wr):
    # PyG SAGEConv (mean aggregation): out = lin_l(mean_j x_j) + lin_r(x_root)
    src = edge_index[0]
    dst = edge_index[1]
    n = x.shape[0]
    msgs = jnp.take(x, src, axis=0)                      # gather (SparseCore)
    agg = jax.ops.segment_sum(msgs, dst, num_segments=n) # scatter-add (SparseCore)
    deg = jax.ops.segment_sum(jnp.ones((src.shape[0],), dtype=x.dtype), dst, num_segments=n)
    mean = agg / jnp.clip(deg, 1.0, None)[:, None]
    return mean @ Wl.T + bl + x @ Wr.T


def reference(x, edge_index, W1l, b1l, W1r, W2l, b2l, W2r):
    h = _sage_conv(x, edge_index, W1l, b1l, W1r)
    h = jax.nn.leaky_relu(h, negative_slope=0.01)
    # dropout omitted for deterministic reference (identity at eval)
    h = _sage_conv(h, edge_index, W2l, b2l, W2r)
    return jax.nn.log_softmax(h, axis=1)

if __name__ == "__main__":
    import jax
    _d = setup_inputs()
    print(jax.jit(kernel)(*tuple(_d.values())))

</pallas_src>

<mosaic_0001>
#map = affine_map<(d0, d1) -> (0, 0)>
#map1 = affine_map<(d0, d1) -> (0)>
module attributes {stable_mosaic.version = 14 : i64} {
  func.func @_sc_agg(%arg0: i32, %arg1: i32, %arg2: memref<128x128xf32, #tpu.memory_space<hbm>>, %arg3: memref<327680xi32, #tpu.memory_space<hbm>>, %arg4: memref<327680xi32, #tpu.memory_space<hbm>>, %arg5: memref<10000x128xf32, #tpu.memory_space<hbm>>, %arg6: memref<20480x128xf32, #tpu.memory_space<hbm>>, %arg7: memref<128x128xf32, #tpu.memory_space<vmem>>, %arg8: memref<128x128xf32, #tpu.memory_space<vmem>>, %arg9: memref<10240x128xf32, #tpu.memory_space<vmem_shared>>, %arg10: memref<128xi32, #tpu.memory_space<vmem>>, %arg11: memref<128xi32, #tpu.memory_space<vmem>>, %arg12: memref<128xi32, #tpu.memory_space<vmem>>, %arg13: memref<128xi32, #tpu.memory_space<vmem>>, %arg14: memref<!tpu.dma_semaphore, #tpu.memory_space<semaphore_mem>>, %arg15: memref<!tpu.dma_semaphore, #tpu.memory_space<semaphore_mem>>) attributes {dimension_semantics = [#tpu.dimension_semantics<core_parallel>, #tpu.dimension_semantics<subcore_parallel>], iteration_bounds = array<i64: 2, 16>, scalar_prefetch = 0 : i64, scratch_operands = 9 : i64, tpu.core_type = #tpu.core_type<sc_vector_subcore>, window_params = [{transform_indices = #map}, {transform_indices = #map1}, {transform_indices = #map1}, {transform_indices = #map}, {transform_indices = #map}]} {
    %mul3A = arith.constant 2 : i32
    %mul3A_0 = arith.muli %arg1, %mul3A : i32
    %add3A = arith.addi %mul3A_0, %arg0 : i32
    %mul3A_1 = arith.constant 80 : i32
    %mul3A_2 = arith.muli %add3A, %mul3A_1 : i32
    %mul3A_3 = arith.constant 128 : i32
    %mul3A_4 = arith.muli %mul3A_2, %mul3A_3 : i32
    "tpu.region"() ({
      %run_scoped3A = tpu.sem_alloc : memref<!tpu.dma_semaphore, #tpu.memory_space<semaphore_mem>>
      tpu.enqueue_dma source(%arg2 : memref<128x128xf32, #tpu.memory_space<hbm>>) target(%arg7 : memref<128x128xf32, #tpu.memory_space<vmem>>) target_semaphore(%run_scoped3A : memref<!tpu.dma_semaphore, #tpu.memory_space<semaphore_mem>>)
      tpu.wait_dma2 semaphore(%run_scoped3A : memref<!tpu.dma_semaphore, #tpu.memory_space<semaphore_mem>>) src(%arg2 : memref<128x128xf32, #tpu.memory_space<hbm>>) dst(%arg7 : memref<128x128xf32, #tpu.memory_space<vmem>>)
      tpu.yield
    }) : () -> ()
    %mul3A_5 = arith.constant 640 : i32
    %mul3A_6 = arith.muli %arg1, %mul3A_5 : i32
    %add3A_7 = arith.constant 0 : i32
    %add3A_8 = arith.addi %mul3A_6, %add3A_7 : i32
    "tpu.region"() ({
      %run_scoped3A = tpu.sem_alloc : memref<!tpu.dma_semaphore, #tpu.memory_space<semaphore_mem>>
      %dma_start3A_68 = arith.constant 0 : i32
      %dma_start3A_69 = tpu.memref_slice %arg9[%add3A_8, %dma_start3A_68] : memref<10240x128xf32, #tpu.memory_space<vmem_shared>> -> memref<128x128xf32, #tpu.memory_space<vmem_shared>>
      %dma_start3A_70 = arith.constant 0 : i32
      %dma_start3A_71 = tpu.memref_slice %arg9[%add3A_8, %dma_start3A_70] : memref<10240x128xf32, #tpu.memory_space<vmem_shared>> -> memref<128x128xf32, #tpu.memory_space<vmem_shared>>
      tpu.enqueue_dma source(%arg7 : memref<128x128xf32, #tpu.memory_space<vmem>>) target(%dma_start3A_71 : memref<128x128xf32, #tpu.memory_space<vmem_shared>>) target_semaphore(%run_scoped3A : memref<!tpu.dma_semaphore, #tpu.memory_space<semaphore_mem>>)
      %dma_wait3A = arith.constant 0 : i32
      %dma_wait3A_72 = tpu.memref_slice %arg9[%add3A_8, %dma_wait3A] : memref<10240x128xf32, #tpu.memory_space<vmem_shared>> -> memref<128x128xf32, #tpu.memory_space<vmem_shared>>
      %dma_wait3A_73 = arith.constant 0 : i32
      %dma_wait3A_74 = tpu.memref_slice %arg9[%add3A_8, %dma_wait3A_73] : memref<10240x128xf32, #tpu.memory_space<vmem_shared>> -> memref<128x128xf32, #tpu.memory_space<vmem_shared>>
      tpu.wait_dma2 semaphore(%run_scoped3A : memref<!tpu.dma_semaphore, #tpu.memory_space<semaphore_mem>>) src(%arg7 : memref<128x128xf32, #tpu.memory_space<vmem>>) dst(%dma_wait3A_74 : memref<128x128xf32, #tpu.memory_space<vmem_shared>>)
      tpu.yield
    }) : () -> ()
    %mul3A_9 = arith.constant 640 : i32
    %mul3A_10 = arith.muli %arg1, %mul3A_9 : i32
    %add3A_11 = arith.constant 128 : i32
    %add3A_12 = arith.addi %mul3A_10, %add3A_11 : i32
    "tpu.region"() ({
      %run_scoped3A = tpu.sem_alloc : memref<!tpu.dma_semaphore, #tpu.memory_space<semaphore_mem>>
      %dma_start3A_68 = arith.constant 0 : i32
      %dma_start3A_69 = tpu.memref_slice %arg9[%add3A_12, %dma_start3A_68] : memref<10240x128xf32, #tpu.memory_space<vmem_shared>> -> memref<128x128xf32, #tpu.memory_space<vmem_shared>>
      %dma_start3A_70 = arith.constant 0 : i32
      %dma_start3A_71 = tpu.memref_slice %arg9[%add3A_12, %dma_start3A_70] : memref<10240x128xf32, #tpu.memory_space<vmem_shared>> -> memref<128x128xf32, #tpu.memory_space<vmem_shared>>
      tpu.enqueue_dma source(%arg7 : memref<128x128xf32, #tpu.memory_space<vmem>>) target(%dma_start3A_71 : memref<128x128xf32, #tpu.memory_space<vmem_shared>>) target_semaphore(%run_scoped3A : memref<!tpu.dma_semaphore, #tpu.memory_space<semaphore_mem>>)
      %dma_wait3A = arith.constant 0 : i32
      %dma_wait3A_72 = tpu.memref_slice %arg9[%add3A_12, %dma_wait3A] : memref<10240x128xf32, #tpu.memory_space<vmem_shared>> -> memref<128x128xf32, #tpu.memory_space<vmem_shared>>
      %dma_wait3A_73 = arith.constant 0 : i32
      %dma_wait3A_74 = tpu.memref_slice %arg9[%add3A_12, %dma_wait3A_73] : memref<10240x128xf32, #tpu.memory_space<vmem_shared>> -> memref<128x128xf32, #tpu.memory_space<vmem_shared>>
      tpu.wait_dma2 semaphore(%run_scoped3A : memref<!tpu.dma_semaphore, #tpu.memory_space<semaphore_mem>>) src(%arg7 : memref<128x128xf32, #tpu.memory_space<vmem>>) dst(%dma_wait3A_74 : memref<128x128xf32, #tpu.memory_space<vmem_shared>>)
      tpu.yield
    }) : () -> ()
    %mul3A_13 = arith.constant 640 : i32
    %mul3A_14 = arith.muli %arg1, %mul3A_13 : i32
    %add3A_15 = arith.constant 256 : i32
    %add3A_16 = arith.addi %mul3A_14, %add3A_15 : i32
    "tpu.region"() ({
      %run_scoped3A = tpu.sem_alloc : memref<!tpu.dma_semaphore, #tpu.memory_space<semaphore_mem>>
      %dma_start3A_68 = arith.constant 0 : i32
      %dma_start3A_69 = tpu.memref_slice %arg9[%add3A_16, %dma_start3A_68] : memref<10240x128xf32, #tpu.memory_space<vmem_shared>> -> memref<128x128xf32, #tpu.memory_space<vmem_shared>>
      %dma_start3A_70 = arith.constant 0 : i32
      %dma_start3A_71 = tpu.memref_slice %arg9[%add3A_16, %dma_start3A_70] : memref<10240x128xf32, #tpu.memory_space<vmem_shared>> -> memref<128x128xf32, #tpu.memory_space<vmem_shared>>
      tpu.enqueue_dma source(%arg7 : memref<128x128xf32, #tpu.memory_space<vmem>>) target(%dma_start3A_71 : memref<128x128xf32, #tpu.memory_space<vmem_shared>>) target_semaphore(%run_scoped3A : memref<!tpu.dma_semaphore, #tpu.memory_space<semaphore_mem>>)
      %dma_wait3A = arith.constant 0 : i32
      %dma_wait3A_72 = tpu.memref_slice %arg9[%add3A_16, %dma_wait3A] : memref<10240x128xf32, #tpu.memory_space<vmem_shared>> -> memref<128x128xf32, #tpu.memory_space<vmem_shared>>
      %dma_wait3A_73 = arith.constant 0 : i32
      %dma_wait3A_74 = tpu.memref_slice %arg9[%add3A_16, %dma_wait3A_73] : memref<10240x128xf32, #tpu.memory_space<vmem_shared>> -> memref<128x128xf32, #tpu.memory_space<vmem_shared>>
      tpu.wait_dma2 semaphore(%run_scoped3A : memref<!tpu.dma_semaphore, #tpu.memory_space<semaphore_mem>>) src(%arg7 : memref<128x128xf32, #tpu.memory_space<vmem>>) dst(%dma_wait3A_74 : memref<128x128xf32, #tpu.memory_space<vmem_shared>>)
      tpu.yield
    }) : () -> ()
    %mul3A_17 = arith.constant 640 : i32
    %mul3A_18 = arith.muli %arg1, %mul3A_17 : i32
    %add3A_19 = arith.constant 384 : i32
    %add3A_20 = arith.addi %mul3A_18, %add3A_19 : i32
    "tpu.region"() ({
      %run_scoped3A = tpu.sem_alloc : memref<!tpu.dma_semaphore, #tpu.memory_space<semaphore_mem>>
      %dma_start3A_68 = arith.constant 0 : i32
      %dma_start3A_69 = tpu.memref_slice %arg9[%add3A_20, %dma_start3A_68] : memref<10240x128xf32, #tpu.memory_space<vmem_shared>> -> memref<128x128xf32, #tpu.memory_space<vmem_shared>>
      %dma_start3A_70 = arith.constant 0 : i32
      %dma_start3A_71 = tpu.memref_slice %arg9[%add3A_20, %dma_start3A_70] : memref<10240x128xf32, #tpu.memory_space<vmem_shared>> -> memref<128x128xf32, #tpu.memory_space<vmem_shared>>
      tpu.enqueue_dma source(%arg7 : memref<128x128xf32, #tpu.memory_space<vmem>>) target(%dma_start3A_71 : memref<128x128xf32, #tpu.memory_space<vmem_shared>>) target_semaphore(%run_scoped3A : memref<!tpu.dma_semaphore, #tpu.memory_space<semaphore_mem>>)
      %dma_wait3A = arith.constant 0 : i32
      %dma_wait3A_72 = tpu.memref_slice %arg9[%add3A_20, %dma_wait3A] : memref<10240x128xf32, #tpu.memory_space<vmem_shared>> -> memref<128x128xf32, #tpu.memory_space<vmem_shared>>
      %dma_wait3A_73 = arith.constant 0 : i32
      %dma_wait3A_74 = tpu.memref_slice %arg9[%add3A_20, %dma_wait3A_73] : memref<10240x128xf32, #tpu.memory_space<vmem_shared>> -> memref<128x128xf32, #tpu.memory_space<vmem_shared>>
      tpu.wait_dma2 semaphore(%run_scoped3A : memref<!tpu.dma_semaphore, #tpu.memory_space<semaphore_mem>>) src(%arg7 : memref<128x128xf32, #tpu.memory_space<vmem>>) dst(%dma_wait3A_74 : memref<128x128xf32, #tpu.memory_space<vmem_shared>>)
      tpu.yield
    }) : () -> ()
    %mul3A_21 = arith.constant 640 : i32
    %mul3A_22 = arith.muli %arg1, %mul3A_21 : i32
    %add3A_23 = arith.constant 512 : i32
    %add3A_24 = arith.addi %mul3A_22, %add3A_23 : i32
    "tpu.region"() ({
      %run_scoped3A = tpu.sem_alloc : memref<!tpu.dma_semaphore, #tpu.memory_space<semaphore_mem>>
      %dma_start3A_68 = arith.constant 0 : i32
      %dma_start3A_69 = tpu.memref_slice %arg9[%add3A_24, %dma_start3A_68] : memref<10240x128xf32, #tpu.memory_space<vmem_shared>> -> memref<128x128xf32, #tpu.memory_space<vmem_shared>>
      %dma_start3A_70 = arith.constant 0 : i32
      %dma_start3A_71 = tpu.memref_slice %arg9[%add3A_24, %dma_start3A_70] : memref<10240x128xf32, #tpu.memory_space<vmem_shared>> -> memref<128x128xf32, #tpu.memory_space<vmem_shared>>
      tpu.enqueue_dma source(%arg7 : memref<128x128xf32, #tpu.memory_space<vmem>>) target(%dma_start3A_71 : memref<128x128xf32, #tpu.memory_space<vmem_shared>>) target_semaphore(%run_scoped3A : memref<!tpu.dma_semaphore, #tpu.memory_space<semaphore_mem>>)
      %dma_wait3A = arith.constant 0 : i32
      %dma_wait3A_72 = tpu.memref_slice %arg9[%add3A_24, %dma_wait3A] : memref<10240x128xf32, #tpu.memory_space<vmem_shared>> -> memref<128x128xf32, #tpu.memory_space<vmem_shared>>
      %dma_wait3A_73 = arith.constant 0 : i32
      %dma_wait3A_74 = tpu.memref_slice %arg9[%add3A_24, %dma_wait3A_73] : memref<10240x128xf32, #tpu.memory_space<vmem_shared>> -> memref<128x128xf32, #tpu.memory_space<vmem_shared>>
      tpu.wait_dma2 semaphore(%run_scoped3A : memref<!tpu.dma_semaphore, #tpu.memory_space<semaphore_mem>>) src(%arg7 : memref<128x128xf32, #tpu.memory_space<vmem>>) dst(%dma_wait3A_74 : memref<128x128xf32, #tpu.memory_space<vmem_shared>>)
      tpu.yield
    }) : () -> ()
    %barrier3A = arith.constant 0 : index
    tpu.barrier barrier_id(%barrier3A)
    "tpu.region"() ({
      %run_scoped3A = tpu.sem_alloc : memref<!tpu.dma_semaphore, #tpu.memory_space<semaphore_mem>>
      %dma_start3A_68 = tpu.memref_slice %arg3[%mul3A_4] : memref<327680xi32, #tpu.memory_space<hbm>> -> memref<128xi32, #tpu.memory_space<hbm>>
      %dma_start3A_69 = tpu.memref_slice %arg3[%mul3A_4] : memref<327680xi32, #tpu.memory_space<hbm>> -> memref<128xi32, #tpu.memory_space<hbm>>
      tpu.enqueue_dma source(%dma_start3A_69 : memref<128xi32, #tpu.memory_space<hbm>>) target(%arg10 : memref<128xi32, #tpu.memory_space<vmem>>) target_semaphore(%run_scoped3A : memref<!tpu.dma_semaphore, #tpu.memory_space<semaphore_mem>>)
      %dma_wait3A = tpu.memref_slice %arg3[%mul3A_4] : memref<327680xi32, #tpu.memory_space<hbm>> -> memref<128xi32, #tpu.memory_space<hbm>>
      %dma_wait3A_70 = tpu.memref_slice %arg3[%mul3A_4] : memref<327680xi32, #tpu.memory_space<hbm>> -> memref<128xi32, #tpu.memory_space<hbm>>
      tpu.wait_dma2 semaphore(%run_scoped3A : memref<!tpu.dma_semaphore, #tpu.memory_space<semaphore_mem>>) src(%dma_wait3A_70 : memref<128xi32, #tpu.memory_space<hbm>>) dst(%arg10 : memref<128xi32, #tpu.memory_space<vmem>>)
      tpu.yield
    }) : () -> ()
    "tpu.region"() ({
      %run_scoped3A = tpu.sem_alloc : memref<!tpu.dma_semaphore, #tpu.memory_space<semaphore_mem>>
      %dma_start3A_68 = tpu.memref_slice %arg4[%mul3A_4] : memref<327680xi32, #tpu.memory_space<hbm>> -> memref<128xi32, #tpu.memory_space<hbm>>
      %dma_start3A_69 = tpu.memref_slice %arg4[%mul3A_4] : memref<327680xi32, #tpu.memory_space<hbm>> -> memref<128xi32, #tpu.memory_space<hbm>>
      tpu.enqueue_dma source(%dma_start3A_69 : memref<128xi32, #tpu.memory_space<hbm>>) target(%arg11 : memref<128xi32, #tpu.memory_space<vmem>>) target_semaphore(%run_scoped3A : memref<!tpu.dma_semaphore, #tpu.memory_space<semaphore_mem>>)
      %dma_wait3A = tpu.memref_slice %arg4[%mul3A_4] : memref<327680xi32, #tpu.memory_space<hbm>> -> memref<128xi32, #tpu.memory_space<hbm>>
      %dma_wait3A_70 = tpu.memref_slice %arg4[%mul3A_4] : memref<327680xi32, #tpu.memory_space<hbm>> -> memref<128xi32, #tpu.memory_space<hbm>>
      tpu.wait_dma2 semaphore(%run_scoped3A : memref<!tpu.dma_semaphore, #tpu.memory_space<semaphore_mem>>) src(%dma_wait3A_70 : memref<128xi32, #tpu.memory_space<hbm>>) dst(%arg11 : memref<128xi32, #tpu.memory_space<vmem>>)
      tpu.yield
    }) : () -> ()
    %dma_start3A = arith.constant 0 : i32
    %dma_start3A_25 = arith.constant 0 : i32
    %dma_start3A_26 = tpu.memref_slice %arg5[%dma_start3A, %dma_start3A_25] : memref<10000x128xf32, #tpu.memory_space<hbm>> -> memref<10000x128xf32, #tpu.memory_space<hbm>>
    tpu.enqueue_indirect_dma source(%dma_start3A_26 : memref<10000x128xf32, #tpu.memory_space<hbm>>) target(%arg7 : memref<128x128xf32, #tpu.memory_space<vmem>>) offsets(%arg10 : memref<128xi32, #tpu.memory_space<vmem>>) semaphore(%arg14 : memref<!tpu.dma_semaphore, #tpu.memory_space<semaphore_mem>>)
    %scan3A = arith.constant 0 : i32
    %scan3A_27 = arith.constant 0 : i32
    %scan3A_28 = arith.constant 40 : i32
    %scan3A_29 = arith.addi %scan3A_27, %scan3A_28 : i32
    %scan3A_30 = arith.constant 1 : i32
    scf.for %scan3A_68 = %scan3A_27 to %scan3A_29 step %scan3A_30  : i32 {
      %mul3A_69 = arith.constant 2 : i32
      %mul3A_70 = arith.muli %mul3A_69, %scan3A_68 : i32
      %add3A_71 = arith.constant 1 : i32
      %add3A_72 = arith.addi %mul3A_70, %add3A_71 : i32
      %mul3A_73 = arith.constant 128 : i32
      %mul3A_74 = arith.muli %add3A_72, %mul3A_73 : i32
      %add3A_75 = arith.addi %mul3A_4, %mul3A_74 : i32
      %add3A_76 = arith.constant 128 : i32
      %add3A_77 = arith.addi %add3A_75, %add3A_76 : i32
      "tpu.region"() ({
        %run_scoped3A = tpu.sem_alloc : memref<!tpu.dma_semaphore, #tpu.memory_space<semaphore_mem>>
        %dma_start3A_88 = tpu.memref_slice %arg3[%add3A_75] : memref<327680xi32, #tpu.memory_space<hbm>> -> memref<128xi32, #tpu.memory_space<hbm>>
        %dma_start3A_89 = tpu.memref_slice %arg3[%add3A_75] : memref<327680xi32, #tpu.memory_space<hbm>> -> memref<128xi32, #tpu.memory_space<hbm>>
        tpu.enqueue_dma source(%dma_start3A_89 : memref<128xi32, #tpu.memory_space<hbm>>) target(%arg12 : memref<128xi32, #tpu.memory_space<vmem>>) target_semaphore(%run_scoped3A : memref<!tpu.dma_semaphore, #tpu.memory_space<semaphore_mem>>)
        %dma_wait3A_90 = tpu.memref_slice %arg3[%add3A_75] : memref<327680xi32, #tpu.memory_space<hbm>> -> memref<128xi32, #tpu.memory_space<hbm>>
        %dma_wait3A_91 = tpu.memref_slice %arg3[%add3A_75] : memref<327680xi32, #tpu.memory_space<hbm>> -> memref<128xi32, #tpu.memory_space<hbm>>
        tpu.wait_dma2 semaphore(%run_scoped3A : memref<!tpu.dma_semaphore, #tpu.memory_space<semaphore_mem>>) src(%dma_wait3A_91 : memref<128xi32, #tpu.memory_space<hbm>>) dst(%arg12 : memref<128xi32, #tpu.memory_space<vmem>>)
        tpu.yield
      }) : () -> ()
      "tpu.region"() ({
        %run_scoped3A = tpu.sem_alloc : memref<!tpu.dma_semaphore, #tpu.memory_space<semaphore_mem>>
        %dma_start3A_88 = tpu.memref_slice %arg4[%add3A_75] : memref<327680xi32, #tpu.memory_space<hbm>> -> memref<128xi32, #tpu.memory_space<hbm>>
        %dma_start3A_89 = tpu.memref_slice %arg4[%add3A_75] : memref<327680xi32, #tpu.memory_space<hbm>> -> memref<128xi32, #tpu.memory_space<hbm>>
        tpu.enqueue_dma source(%dma_start3A_89 : memref<128xi32, #tpu.memory_space<hbm>>) target(%arg13 : memref<128xi32, #tpu.memory_space<vmem>>) target_semaphore(%run_scoped3A : memref<!tpu.dma_semaphore, #tpu.memory_space<semaphore_mem>>)
        %dma_wait3A_90 = tpu.memref_slice %arg4[%add3A_75] : memref<327680xi32, #tpu.memory_space<hbm>> -> memref<128xi32, #tpu.memory_space<hbm>>
        %dma_wait3A_91 = tpu.memref_slice %arg4[%add3A_75] : memref<327680xi32, #tpu.memory_space<hbm>> -> memref<128xi32, #tpu.memory_space<hbm>>
        tpu.wait_dma2 semaphore(%run_scoped3A : memref<!tpu.dma_semaphore, #tpu.memory_space<semaphore_mem>>) src(%dma_wait3A_91 : memref<128xi32, #tpu.memory_space<hbm>>) dst(%arg13 : memref<128xi32, #tpu.memory_space<vmem>>)
        tpu.yield
      }) : () -> ()
      %dma_start3A_78 = arith.constant 0 : i32
      %dma_start3A_79 = arith.constant 0 : i32
      %dma_start3A_80 = tpu.memref_slice %arg5[%dma_start3A_78, %dma_start3A_79] : memref<10000x128xf32, #tpu.memory_space<hbm>> -> memref<10000x128xf32, #tpu.memory_space<hbm>>
      tpu.enqueue_indirect_dma source(%dma_start3A_80 : memref<10000x128xf32, #tpu.memory_space<hbm>>) target(%arg8 : memref<128x128xf32, #tpu.memory_space<vmem>>) offsets(%arg12 : memref<128xi32, #tpu.memory_space<vmem>>) semaphore(%arg15 : memref<!tpu.dma_semaphore, #tpu.memory_space<semaphore_mem>>)
      %dma_wait3A = arith.constant 0 : i32
      %dma_wait3A_81 = arith.constant 0 : i32
      %dma_wait3A_82 = tpu.memref_slice %arg5[%dma_wait3A, %dma_wait3A_81] : memref<10000x128xf32, #tpu.memory_space<hbm>> -> memref<10000x128xf32, #tpu.memory_space<hbm>>
      tpu.wait_indirect_dma semaphore(%arg14 : memref<!tpu.dma_semaphore, #tpu.memory_space<semaphore_mem>>) src(%dma_wait3A_82 : memref<10000x128xf32, #tpu.memory_space<hbm>>) dst(%arg7 : memref<128x128xf32, #tpu.memory_space<vmem>>)
      "tpu.region"() ({
        %run_scoped3A = tpu.sem_alloc : memref<!tpu.dma_semaphore, #tpu.memory_space<semaphore_mem>>
        %dma_start3A_88 = arith.constant 0 : i32
        %dma_start3A_89 = arith.constant 0 : i32
        %dma_start3A_90 = tpu.memref_slice %arg9[%dma_start3A_88, %dma_start3A_89] : memref<10240x128xf32, #tpu.memory_space<vmem_shared>> -> memref<10240x128xf32, #tpu.memory_space<vmem_shared>>
        tpu.enqueue_indirect_dma source(%arg7 : memref<128x128xf32, #tpu.memory_space<vmem>>) target(%dma_start3A_90 : memref<10240x128xf32, #tpu.memory_space<vmem_shared>>) offsets(%arg11 : memref<128xi32, #tpu.memory_space<vmem>>) semaphore(%run_scoped3A : memref<!tpu.dma_semaphore, #tpu.memory_space<semaphore_mem>>) {add = true}
        %dma_wait3A_91 = arith.constant 0 : i32
        %dma_wait3A_92 = arith.constant 0 : i32
        %dma_wait3A_93 = tpu.memref_slice %arg9[%dma_wait3A_91, %dma_wait3A_92] : memref<10240x128xf32, #tpu.memory_space<vmem_shared>> -> memref<10240x128xf32, #tpu.memory_space<vmem_shared>>
        tpu.wait_indirect_dma semaphore(%run_scoped3A : memref<!tpu.dma_semaphore, #tpu.memory_space<semaphore_mem>>) src(%arg7 : memref<128x128xf32, #tpu.memory_space<vmem>>) dst(%dma_wait3A_93 : memref<10240x128xf32, #tpu.memory_space<vmem_shared>>)
        tpu.yield
      }) : () -> ()
      %lt3A = arith.constant 39 : i32
      %lt3A_83 = arith.cmpi slt, %scan3A_68, %lt3A : i32
      %convert_element_type3A = arith.extui %lt3A_83 : i1 to i32
      %cond3A = arith.constant 0 : i32
      %cond3A_84 = arith.cmpi ne, %convert_element_type3A, %cond3A : i32
      scf.if %cond3A_84 {
        "tpu.region"() ({
          %run_scoped3A = tpu.sem_alloc : memref<!tpu.dma_semaphore, #tpu.memory_space<semaphore_mem>>
          %dma_start3A_91 = tpu.memref_slice %arg3[%add3A_77] : memref<327680xi32, #tpu.memory_space<hbm>> -> memref<128xi32, #tpu.memory_space<hbm>>
          %dma_start3A_92 = tpu.memref_slice %arg3[%add3A_77] : memref<327680xi32, #tpu.memory_space<hbm>> -> memref<128xi32, #tpu.memory_space<hbm>>
          tpu.enqueue_dma source(%dma_start3A_92 : memref<128xi32, #tpu.memory_space<hbm>>) target(%arg10 : memref<128xi32, #tpu.memory_space<vmem>>) target_semaphore(%run_scoped3A : memref<!tpu.dma_semaphore, #tpu.memory_space<semaphore_mem>>)
          %dma_wait3A_93 = tpu.memref_slice %arg3[%add3A_77] : memref<327680xi32, #tpu.memory_space<hbm>> -> memref<128xi32, #tpu.memory_space<hbm>>
          %dma_wait3A_94 = tpu.memref_slice %arg3[%add3A_77] : memref<327680xi32, #tpu.memory_space<hbm>> -> memref<128xi32, #tpu.memory_space<hbm>>
          tpu.wait_dma2 semaphore(%run_scoped3A : memref<!tpu.dma_semaphore, #tpu.memory_space<semaphore_mem>>) src(%dma_wait3A_94 : memref<128xi32, #tpu.memory_space<hbm>>) dst(%arg10 : memref<128xi32, #tpu.memory_space<vmem>>)
          tpu.yield
        }) : () -> ()
        "tpu.region"() ({
          %run_scoped3A = tpu.sem_alloc : memref<!tpu.dma_semaphore, #tpu.memory_space<semaphore_mem>>
          %dma_start3A_91 = tpu.memref_slice %arg4[%add3A_77] : memref<327680xi32, #tpu.memory_space<hbm>> -> memref<128xi32, #tpu.memory_space<hbm>>
          %dma_start3A_92 = tpu.memref_slice %arg4[%add3A_77] : memref<327680xi32, #tpu.memory_space<hbm>> -> memref<128xi32, #tpu.memory_space<hbm>>
          tpu.enqueue_dma source(%dma_start3A_92 : memref<128xi32, #tpu.memory_space<hbm>>) target(%arg11 : memref<128xi32, #tpu.memory_space<vmem>>) target_semaphore(%run_scoped3A : memref<!tpu.dma_semaphore, #tpu.memory_space<semaphore_mem>>)
          %dma_wait3A_93 = tpu.memref_slice %arg4[%add3A_77] : memref<327680xi32, #tpu.memory_space<hbm>> -> memref<128xi32, #tpu.memory_space<hbm>>
          %dma_wait3A_94 = tpu.memref_slice %arg4[%add3A_77] : memref<327680xi32, #tpu.memory_space<hbm>> -> memref<128xi32, #tpu.memory_space<hbm>>
          tpu.wait_dma2 semaphore(%run_scoped3A : memref<!tpu.dma_semaphore, #tpu.memory_space<semaphore_mem>>) src(%dma_wait3A_94 : memref<128xi32, #tpu.memory_space<hbm>>) dst(%arg11 : memref<128xi32, #tpu.memory_space<vmem>>)
          tpu.yield
        }) : () -> ()
        %dma_start3A_88 = arith.constant 0 : i32
        %dma_start3A_89 = arith.constant 0 : i32
        %dma_start3A_90 = tpu.memref_slice %arg5[%dma_start3A_88, %dma_start3A_89] : memref<10000x128xf32, #tpu.memory_space<hbm>> -> memref<10000x128xf32, #tpu.memory_space<hbm>>
        tpu.enqueue_indirect_dma source(%dma_start3A_90 : memref<10000x128xf32, #tpu.memory_space<hbm>>) target(%arg7 : memref<128x128xf32, #tpu.memory_space<vmem>>) offsets(%arg10 : memref<128xi32, #tpu.memory_space<vmem>>) semaphore(%arg14 : memref<!tpu.dma_semaphore, #tpu.memory_space<semaphore_mem>>)
      } else {
      }
      %dma_wait3A_85 = arith.constant 0 : i32
      %dma_wait3A_86 = arith.constant 0 : i32
      %dma_wait3A_87 = tpu.memref_slice %arg5[%dma_wait3A_85, %dma_wait3A_86] : memref<10000x128xf32, #tpu.memory_space<hbm>> -> memref<10000x128xf32, #tpu.memory_space<hbm>>
      tpu.wait_indirect_dma semaphore(%arg15 : memref<!tpu.dma_semaphore, #tpu.memory_space<semaphore_mem>>) src(%dma_wait3A_87 : memref<10000x128xf32, #tpu.memory_space<hbm>>) dst(%arg8 : memref<128x128xf32, #tpu.memory_space<vmem>>)
      "tpu.region"() ({
        %run_scoped3A = tpu.sem_alloc : memref<!tpu.dma_semaphore, #tpu.memory_space<semaphore_mem>>
        %dma_start3A_88 = arith.constant 0 : i32
        %dma_start3A_89 = arith.constant 0 : i32
        %dma_start3A_90 = tpu.memref_slice %arg9[%dma_start3A_88, %dma_start3A_89] : memref<10240x128xf32, #tpu.memory_space<vmem_shared>> -> memref<10240x128xf32, #tpu.memory_space<vmem_shared>>
        tpu.enqueue_indirect_dma source(%arg8 : memref<128x128xf32, #tpu.memory_space<vmem>>) target(%dma_start3A_90 : memref<10240x128xf32, #tpu.memory_space<vmem_shared>>) offsets(%arg13 : memref<128xi32, #tpu.memory_space<vmem>>) semaphore(%run_scoped3A : memref<!tpu.dma_semaphore, #tpu.memory_space<semaphore_mem>>) {add = true}
        %dma_wait3A_91 = arith.constant 0 : i32
        %dma_wait3A_92 = arith.constant 0 : i32
        %dma_wait3A_93 = tpu.memref_slice %arg9[%dma_wait3A_91, %dma_wait3A_92] : memref<10240x128xf32, #tpu.memory_space<vmem_shared>> -> memref<10240x128xf32, #tpu.memory_space<vmem_shared>>
        tpu.wait_indirect_dma semaphore(%run_scoped3A : memref<!tpu.dma_semaphore, #tpu.memory_space<semaphore_mem>>) src(%arg8 : memref<128x128xf32, #tpu.memory_space<vmem>>) dst(%dma_wait3A_93 : memref<10240x128xf32, #tpu.memory_space<vmem_shared>>)
        tpu.yield
      }) : () -> ()
    }
    %scan3A_31 = arith.constant 40 : i32
    %barrier3A_32 = arith.constant 0 : index
    tpu.barrier barrier_id(%barrier3A_32)
    %mul3A_33 = arith.constant 640 : i32
    %mul3A_34 = arith.muli %arg1, %mul3A_33 : i32
    %add3A_35 = arith.constant 0 : i32
    %add3A_36 = arith.addi %mul3A_34, %add3A_35 : i32
    "tpu.region"() ({
      %run_scoped3A = tpu.sem_alloc : memref<!tpu.dma_semaphore, #tpu.memory_space<semaphore_mem>>
      %dma_start3A_68 = arith.constant 0 : i32
      %dma_start3A_69 = tpu.memref_slice %arg9[%add3A_36, %dma_start3A_68] : memref<10240x128xf32, #tpu.memory_space<vmem_shared>> -> memref<128x128xf32, #tpu.memory_space<vmem_shared>>
      %dma_start3A_70 = arith.constant 0 : i32
      %dma_start3A_71 = tpu.memref_slice %arg9[%add3A_36, %dma_start3A_70] : memref<10240x128xf32, #tpu.memory_space<vmem_shared>> -> memref<128x128xf32, #tpu.memory_space<vmem_shared>>
      tpu.enqueue_dma source(%dma_start3A_71 : memref<128x128xf32, #tpu.memory_space<vmem_shared>>) target(%arg7 : memref<128x128xf32, #tpu.memory_space<vmem>>) target_semaphore(%run_scoped3A : memref<!tpu.dma_semaphore, #tpu.memory_space<semaphore_mem>>)
      %dma_wait3A = arith.constant 0 : i32
      %dma_wait3A_72 = tpu.memref_slice %arg9[%add3A_36, %dma_wait3A] : memref<10240x128xf32, #tpu.memory_space<vmem_shared>> -> memref<128x128xf32, #tpu.memory_space<vmem_shared>>
      %dma_wait3A_73 = arith.constant 0 : i32
      %dma_wait3A_74 = tpu.memref_slice %arg9[%add3A_36, %dma_wait3A_73] : memref<10240x128xf32, #tpu.memory_space<vmem_shared>> -> memref<128x128xf32, #tpu.memory_space<vmem_shared>>
      tpu.wait_dma2 semaphore(%run_scoped3A : memref<!tpu.dma_semaphore, #tpu.memory_space<semaphore_mem>>) src(%dma_wait3A_74 : memref<128x128xf32, #tpu.memory_space<vmem_shared>>) dst(%arg7 : memref<128x128xf32, #tpu.memory_space<vmem>>)
      tpu.yield
    }) : () -> ()
    %mul3A_37 = arith.constant 10240 : i32
    %mul3A_38 = arith.muli %arg0, %mul3A_37 : i32
    %add3A_39 = arith.addi %mul3A_38, %add3A_36 : i32
    "tpu.region"() ({
      %run_scoped3A = tpu.sem_alloc : memref<!tpu.dma_semaphore, #tpu.memory_space<semaphore_mem>>
      %dma_start3A_68 = arith.constant 0 : i32
      %dma_start3A_69 = tpu.memref_slice %arg6[%add3A_39, %dma_start3A_68] : memref<20480x128xf32, #tpu.memory_space<hbm>> -> memref<128x128xf32, #tpu.memory_space<hbm>>
      %dma_start3A_70 = arith.constant 0 : i32
      %dma_start3A_71 = tpu.memref_slice %arg6[%add3A_39, %dma_start3A_70] : memref<20480x128xf32, #tpu.memory_space<hbm>> -> memref<128x128xf32, #tpu.memory_space<hbm>>
      tpu.enqueue_dma source(%arg7 : memref<128x128xf32, #tpu.memory_space<vmem>>) target(%dma_start3A_71 : memref<128x128xf32, #tpu.memory_space<hbm>>) target_semaphore(%run_scoped3A : memref<!tpu.dma_semaphore, #tpu.memory_space<semaphore_mem>>)
      %dma_wait3A = arith.constant 0 : i32
      %dma_wait3A_72 = tpu.memref_slice %arg6[%add3A_39, %dma_wait3A] : memref<20480x128xf32, #tpu.memory_space<hbm>> -> memref<128x128xf32, #tpu.memory_space<hbm>>
      %dma_wait3A_73 = arith.constant 0 : i32
      %dma_wait3A_74 = tpu.memref_slice %arg6[%add3A_39, %dma_wait3A_73] : memref<20480x128xf32, #tpu.memory_space<hbm>> -> memref<128x128xf32, #tpu.memory_space<hbm>>
      tpu.wait_dma2 semaphore(%run_scoped3A : memref<!tpu.dma_semaphore, #tpu.memory_space<semaphore_mem>>) src(%arg7 : memref<128x128xf32, #tpu.memory_space<vmem>>) dst(%dma_wait3A_74 : memref<128x128xf32, #tpu.memory_space<hbm>>)
      tpu.yield
    }) : () -> ()
    %mul3A_40 = arith.constant 640 : i32
    %mul3A_41 = arith.muli %arg1, %mul3A_40 : i32
    %add3A_42 = arith.constant 128 : i32
    %add3A_43 = arith.addi %mul3A_41, %add3A_42 : i32
    "tpu.region"() ({
      %run_scoped3A = tpu.sem_alloc : memref<!tpu.dma_semaphore, #tpu.memory_space<semaphore_mem>>
      %dma_start3A_68 = arith.constant 0 : i32
      %dma_start3A_69 = tpu.memref_slice %arg9[%add3A_43, %dma_start3A_68] : memref<10240x128xf32, #tpu.memory_space<vmem_shared>> -> memref<128x128xf32, #tpu.memory_space<vmem_shared>>
      %dma_start3A_70 = arith.constant 0 : i32
      %dma_start3A_71 = tpu.memref_slice %arg9[%add3A_43, %dma_start3A_70] : memref<10240x128xf32, #tpu.memory_space<vmem_shared>> -> memref<128x128xf32, #tpu.memory_space<vmem_shared>>
      tpu.enqueue_dma source(%dma_start3A_71 : memref<128x128xf32, #tpu.memory_space<vmem_shared>>) target(%arg7 : memref<128x128xf32, #tpu.memory_space<vmem>>) target_semaphore(%run_scoped3A : memref<!tpu.dma_semaphore, #tpu.memory_space<semaphore_mem>>)
      %dma_wait3A = arith.constant 0 : i32
      %dma_wait3A_72 = tpu.memref_slice %arg9[%add3A_43, %dma_wait3A] : memref<10240x128xf32, #tpu.memory_space<vmem_shared>> -> memref<128x128xf32, #tpu.memory_space<vmem_shared>>
      %dma_wait3A_73 = arith.constant 0 : i32
      %dma_wait3A_74 = tpu.memref_slice %arg9[%add3A_43, %dma_wait3A_73] : memref<10240x128xf32, #tpu.memory_space<vmem_shared>> -> memref<128x128xf32, #tpu.memory_space<vmem_shared>>
      tpu.wait_dma2 semaphore(%run_scoped3A : memref<!tpu.dma_semaphore, #tpu.memory_space<semaphore_mem>>) src(%dma_wait3A_74 : memref<128x128xf32, #tpu.memory_space<vmem_shared>>) dst(%arg7 : memref<128x128xf32, #tpu.memory_space<vmem>>)
      tpu.yield
    }) : () -> ()
    %mul3A_44 = arith.constant 10240 : i32
    %mul3A_45 = arith.muli %arg0, %mul3A_44 : i32
    %add3A_46 = arith.addi %mul3A_45, %add3A_43 : i32
    "tpu.region"() ({
      %run_scoped3A = tpu.sem_alloc : memref<!tpu.dma_semaphore, #tpu.memory_space<semaphore_mem>>
      %dma_start3A_68 = arith.constant 0 : i32
      %dma_start3A_69 = tpu.memref_slice %arg6[%add3A_46, %dma_start3A_68] : memref<20480x128xf32, #tpu.memory_space<hbm>> -> memref<128x128xf32, #tpu.memory_space<hbm>>
      %dma_start3A_70 = arith.constant 0 : i32
      %dma_start3A_71 = tpu.memref_slice %arg6[%add3A_46, %dma_start3A_70] : memref<20480x128xf32, #tpu.memory_space<hbm>> -> memref<128x128xf32, #tpu.memory_space<hbm>>
      tpu.enqueue_dma source(%arg7 : memref<128x128xf32, #tpu.memory_space<vmem>>) target(%dma_start3A_71 : memref<128x128xf32, #tpu.memory_space<hbm>>) target_semaphore(%run_scoped3A : memref<!tpu.dma_semaphore, #tpu.memory_space<semaphore_mem>>)
      %dma_wait3A = arith.constant 0 : i32
      %dma_wait3A_72 = tpu.memref_slice %arg6[%add3A_46, %dma_wait3A] : memref<20480x128xf32, #tpu.memory_space<hbm>> -> memref<128x128xf32, #tpu.memory_space<hbm>>
      %dma_wait3A_73 = arith.constant 0 : i32
      %dma_wait3A_74 = tpu.memref_slice %arg6[%add3A_46, %dma_wait3A_73] : memref<20480x128xf32, #tpu.memory_space<hbm>> -> memref<128x128xf32, #tpu.memory_space<hbm>>
      tpu.wait_dma2 semaphore(%run_scoped3A : memref<!tpu.dma_semaphore, #tpu.memory_space<semaphore_mem>>) src(%arg7 : memref<128x128xf32, #tpu.memory_space<vmem>>) dst(%dma_wait3A_74 : memref<128x128xf32, #tpu.memory_space<hbm>>)
      tpu.yield
    }) : () -> ()
    %mul3A_47 = arith.constant 640 : i32
    %mul3A_48 = arith.muli %arg1, %mul3A_47 : i32
    %add3A_49 = arith.constant 256 : i32
    %add3A_50 = arith.addi %mul3A_48, %add3A_49 : i32
    "tpu.region"() ({
      %run_scoped3A = tpu.sem_alloc : memref<!tpu.dma_semaphore, #tpu.memory_space<semaphore_mem>>
      %dma_start3A_68 = arith.constant 0 : i32
      %dma_start3A_69 = tpu.memref_slice %arg9[%add3A_50, %dma_start3A_68] : memref<10240x128xf32, #tpu.memory_space<vmem_shared>> -> memref<128x128xf32, #tpu.memory_space<vmem_shared>>
      %dma_start3A_70 = arith.constant 0 : i32
      %dma_start3A_71 = tpu.memref_slice %arg9[%add3A_50, %dma_start3A_70] : memref<10240x128xf32, #tpu.memory_space<vmem_shared>> -> memref<128x128xf32, #tpu.memory_space<vmem_shared>>
      tpu.enqueue_dma source(%dma_start3A_71 : memref<128x128xf32, #tpu.memory_space<vmem_shared>>) target(%arg7 : memref<128x128xf32, #tpu.memory_space<vmem>>) target_semaphore(%run_scoped3A : memref<!tpu.dma_semaphore, #tpu.memory_space<semaphore_mem>>)
      %dma_wait3A = arith.constant 0 : i32
      %dma_wait3A_72 = tpu.memref_slice %arg9[%add3A_50, %dma_wait3A] : memref<10240x128xf32, #tpu.memory_space<vmem_shared>> -> memref<128x128xf32, #tpu.memory_space<vmem_shared>>
      %dma_wait3A_73 = arith.constant 0 : i32
      %dma_wait3A_74 = tpu.memref_slice %arg9[%add3A_50, %dma_wait3A_73] : memref<10240x128xf32, #tpu.memory_space<vmem_shared>> -> memref<128x128xf32, #tpu.memory_space<vmem_shared>>
      tpu.wait_dma2 semaphore(%run_scoped3A : memref<!tpu.dma_semaphore, #tpu.memory_space<semaphore_mem>>) src(%dma_wait3A_74 : memref<128x128xf32, #tpu.memory_space<vmem_shared>>) dst(%arg7 : memref<128x128xf32, #tpu.memory_space<vmem>>)
      tpu.yield
    }) : () -> ()
    %mul3A_51 = arith.constant 10240 : i32
    %mul3A_52 = arith.muli %arg0, %mul3A_51 : i32
    %add3A_53 = arith.addi %mul3A_52, %add3A_50 : i32
    "tpu.region"() ({
      %run_scoped3A = tpu.sem_alloc : memref<!tpu.dma_semaphore, #tpu.memory_space<semaphore_mem>>
      %dma_start3A_68 = arith.constant 0 : i32
      %dma_start3A_69 = tpu.memref_slice %arg6[%add3A_53, %dma_start3A_68] : memref<20480x128xf32, #tpu.memory_space<hbm>> -> memref<128x128xf32, #tpu.memory_space<hbm>>
      %dma_start3A_70 = arith.constant 0 : i32
      %dma_start3A_71 = tpu.memref_slice %arg6[%add3A_53, %dma_start3A_70] : memref<20480x128xf32, #tpu.memory_space<hbm>> -> memref<128x128xf32, #tpu.memory_space<hbm>>
      tpu.enqueue_dma source(%arg7 : memref<128x128xf32, #tpu.memory_space<vmem>>) target(%dma_start3A_71 : memref<128x128xf32, #tpu.memory_space<hbm>>) target_semaphore(%run_scoped3A : memref<!tpu.dma_semaphore, #tpu.memory_space<semaphore_mem>>)
      %dma_wait3A = arith.constant 0 : i32
      %dma_wait3A_72 = tpu.memref_slice %arg6[%add3A_53, %dma_wait3A] : memref<20480x128xf32, #tpu.memory_space<hbm>> -> memref<128x128xf32, #tpu.memory_space<hbm>>
      %dma_wait3A_73 = arith.constant 0 : i32
      %dma_wait3A_74 = tpu.memref_slice %arg6[%add3A_53, %dma_wait3A_73] : memref<20480x128xf32, #tpu.memory_space<hbm>> -> memref<128x128xf32, #tpu.memory_space<hbm>>
      tpu.wait_dma2 semaphore(%run_scoped3A : memref<!tpu.dma_semaphore, #tpu.memory_space<semaphore_mem>>) src(%arg7 : memref<128x128xf32, #tpu.memory_space<vmem>>) dst(%dma_wait3A_74 : memref<128x128xf32, #tpu.memory_space<hbm>>)
      tpu.yield
    }) : () -> ()
    %mul3A_54 = arith.constant 640 : i32
    %mul3A_55 = arith.muli %arg1, %mul3A_54 : i32
    %add3A_56 = arith.constant 384 : i32
    %add3A_57 = arith.addi %mul3A_55, %add3A_56 : i32
    "tpu.region"() ({
      %run_scoped3A = tpu.sem_alloc : memref<!tpu.dma_semaphore, #tpu.memory_space<semaphore_mem>>
      %dma_start3A_68 = arith.constant 0 : i32
      %dma_start3A_69 = tpu.memref_slice %arg9[%add3A_57, %dma_start3A_68] : memref<10240x128xf32, #tpu.memory_space<vmem_shared>> -> memref<128x128xf32, #tpu.memory_space<vmem_shared>>
      %dma_start3A_70 = arith.constant 0 : i32
      %dma_start3A_71 = tpu.memref_slice %arg9[%add3A_57, %dma_start3A_70] : memref<10240x128xf32, #tpu.memory_space<vmem_shared>> -> memref<128x128xf32, #tpu.memory_space<vmem_shared>>
      tpu.enqueue_dma source(%dma_start3A_71 : memref<128x128xf32, #tpu.memory_space<vmem_shared>>) target(%arg7 : memref<128x128xf32, #tpu.memory_space<vmem>>) target_semaphore(%run_scoped3A : memref<!tpu.dma_semaphore, #tpu.memory_space<semaphore_mem>>)
      %dma_wait3A = arith.constant 0 : i32
      %dma_wait3A_72 = tpu.memref_slice %arg9[%add3A_57, %dma_wait3A] : memref<10240x128xf32, #tpu.memory_space<vmem_shared>> -> memref<128x128xf32, #tpu.memory_space<vmem_shared>>
      %dma_wait3A_73 = arith.constant 0 : i32
      %dma_wait3A_74 = tpu.memref_slice %arg9[%add3A_57, %dma_wait3A_73] : memref<10240x128xf32, #tpu.memory_space<vmem_shared>> -> memref<128x128xf32, #tpu.memory_space<vmem_shared>>
      tpu.wait_dma2 semaphore(%run_scoped3A : memref<!tpu.dma_semaphore, #tpu.memory_space<semaphore_mem>>) src(%dma_wait3A_74 : memref<128x128xf32, #tpu.memory_space<vmem_shared>>) dst(%arg7 : memref<128x128xf32, #tpu.memory_space<vmem>>)
      tpu.yield
    }) : () -> ()
    %mul3A_58 = arith.constant 10240 : i32
    %mul3A_59 = arith.muli %arg0, %mul3A_58 : i32
    %add3A_60 = arith.addi %mul3A_59, %add3A_57 : i32
    "tpu.region"() ({
      %run_scoped3A = tpu.sem_alloc : memref<!tpu.dma_semaphore, #tpu.memory_space<semaphore_mem>>
      %dma_start3A_68 = arith.constant 0 : i32
      %dma_start3A_69 = tpu.memref_slice %arg6[%add3A_60, %dma_start3A_68] : memref<20480x128xf32, #tpu.memory_space<hbm>> -> memref<128x128xf32, #tpu.memory_space<hbm>>
      %dma_start3A_70 = arith.constant 0 : i32
      %dma_start3A_71 = tpu.memref_slice %arg6[%add3A_60, %dma_start3A_70] : memref<20480x128xf32, #tpu.memory_space<hbm>> -> memref<128x128xf32, #tpu.memory_space<hbm>>
      tpu.enqueue_dma source(%arg7 : memref<128x128xf32, #tpu.memory_space<vmem>>) target(%dma_start3A_71 : memref<128x128xf32, #tpu.memory_space<hbm>>) target_semaphore(%run_scoped3A : memref<!tpu.dma_semaphore, #tpu.memory_space<semaphore_mem>>)
      %dma_wait3A = arith.constant 0 : i32
      %dma_wait3A_72 = tpu.memref_slice %arg6[%add3A_60, %dma_wait3A] : memref<20480x128xf32, #tpu.memory_space<hbm>> -> memref<128x128xf32, #tpu.memory_space<hbm>>
      %dma_wait3A_73 = arith.constant 0 : i32
      %dma_wait3A_74 = tpu.memref_slice %arg6[%add3A_60, %dma_wait3A_73] : memref<20480x128xf32, #tpu.memory_space<hbm>> -> memref<128x128xf32, #tpu.memory_space<hbm>>
      tpu.wait_dma2 semaphore(%run_scoped3A : memref<!tpu.dma_semaphore, #tpu.memory_space<semaphore_mem>>) src(%arg7 : memref<128x128xf32, #tpu.memory_space<vmem>>) dst(%dma_wait3A_74 : memref<128x128xf32, #tpu.memory_space<hbm>>)
      tpu.yield
    }) : () -> ()
    %mul3A_61 = arith.constant 640 : i32
    %mul3A_62 = arith.muli %arg1, %mul3A_61 : i32
    %add3A_63 = arith.constant 512 : i32
    %add3A_64 = arith.addi %mul3A_62, %add3A_63 : i32
    "tpu.region"() ({
      %run_scoped3A = tpu.sem_alloc : memref<!tpu.dma_semaphore, #tpu.memory_space<semaphore_mem>>
      %dma_start3A_68 = arith.constant 0 : i32
      %dma_start3A_69 = tpu.memref_slice %arg9[%add3A_64, %dma_start3A_68] : memref<10240x128xf32, #tpu.memory_space<vmem_shared>> -> memref<128x128xf32, #tpu.memory_space<vmem_shared>>
      %dma_start3A_70 = arith.constant 0 : i32
      %dma_start3A_71 = tpu.memref_slice %arg9[%add3A_64, %dma_start3A_70] : memref<10240x128xf32, #tpu.memory_space<vmem_shared>> -> memref<128x128xf32, #tpu.memory_space<vmem_shared>>
      tpu.enqueue_dma source(%dma_start3A_71 : memref<128x128xf32, #tpu.memory_space<vmem_shared>>) target(%arg7 : memref<128x128xf32, #tpu.memory_space<vmem>>) target_semaphore(%run_scoped3A : memref<!tpu.dma_semaphore, #tpu.memory_space<semaphore_mem>>)
      %dma_wait3A = arith.constant 0 : i32
      %dma_wait3A_72 = tpu.memref_slice %arg9[%add3A_64, %dma_wait3A] : memref<10240x128xf32, #tpu.memory_space<vmem_shared>> -> memref<128x128xf32, #tpu.memory_space<vmem_shared>>
      %dma_wait3A_73 = arith.constant 0 : i32
      %dma_wait3A_74 = tpu.memref_slice %arg9[%add3A_64, %dma_wait3A_73] : memref<10240x128xf32, #tpu.memory_space<vmem_shared>> -> memref<128x128xf32, #tpu.memory_space<vmem_shared>>
      tpu.wait_dma2 semaphore(%run_scoped3A : memref<!tpu.dma_semaphore, #tpu.memory_space<semaphore_mem>>) src(%dma_wait3A_74 : memref<128x128xf32, #tpu.memory_space<vmem_shared>>) dst(%arg7 : memref<128x128xf32, #tpu.memory_space<vmem>>)
      tpu.yield
    }) : () -> ()
    %mul3A_65 = arith.constant 10240 : i32
    %mul3A_66 = arith.muli %arg0, %mul3A_65 : i32
    %add3A_67 = arith.addi %mul3A_66, %add3A_64 : i32
    "tpu.region"() ({
      %run_scoped3A = tpu.sem_alloc : memref<!tpu.dma_semaphore, #tpu.memory_space<semaphore_mem>>
      %dma_start3A_68 = arith.constant 0 : i32
      %dma_start3A_69 = tpu.memref_slice %arg6[%add3A_67, %dma_start3A_68] : memref<20480x128xf32, #tpu.memory_space<hbm>> -> memref<128x128xf32, #tpu.memory_space<hbm>>
      %dma_start3A_70 = arith.constant 0 : i32
      %dma_start3A_71 = tpu.memref_slice %arg6[%add3A_67, %dma_start3A_70] : memref<20480x128xf32, #tpu.memory_space<hbm>> -> memref<128x128xf32, #tpu.memory_space<hbm>>
      tpu.enqueue_dma source(%arg7 : memref<128x128xf32, #tpu.memory_space<vmem>>) target(%dma_start3A_71 : memref<128x128xf32, #tpu.memory_space<hbm>>) target_semaphore(%run_scoped3A : memref<!tpu.dma_semaphore, #tpu.memory_space<semaphore_mem>>)
      %dma_wait3A = arith.constant 0 : i32
      %dma_wait3A_72 = tpu.memref_slice %arg6[%add3A_67, %dma_wait3A] : memref<20480x128xf32, #tpu.memory_space<hbm>> -> memref<128x128xf32, #tpu.memory_space<hbm>>
      %dma_wait3A_73 = arith.constant 0 : i32
      %dma_wait3A_74 = tpu.memref_slice %arg6[%add3A_67, %dma_wait3A_73] : memref<20480x128xf32, #tpu.memory_space<hbm>> -> memref<128x128xf32, #tpu.memory_space<hbm>>
      tpu.wait_dma2 semaphore(%run_scoped3A : memref<!tpu.dma_semaphore, #tpu.memory_space<semaphore_mem>>) src(%arg7 : memref<128x128xf32, #tpu.memory_space<vmem>>) dst(%dma_wait3A_74 : memref<128x128xf32, #tpu.memory_space<hbm>>)
      tpu.yield
    }) : () -> ()
    return
  }
}

#map = affine_map<(d0, d1) -> (0, 0)>
#map1 = affine_map<(d0, d1) -> (0)>
module attributes {stable_mosaic.version = 14 : i64} {
  func.func @_sc_deg(%arg0: i32, %arg1: i32, %arg2: memref<128x128xf32, #tpu.memory_space<hbm>>, %arg3: memref<128x128xf32, #tpu.memory_space<hbm>>, %arg4: memref<327680xi32, #tpu.memory_space<hbm>>, %arg5: memref<20480x128xf32, #tpu.memory_space<hbm>>, %arg6: memref<128x128xf32, #tpu.memory_space<vmem>>, %arg7: memref<10240x128xf32, #tpu.memory_space<vmem_shared>>, %arg8: memref<128xi32, #tpu.memory_space<vmem>>) attributes {dimension_semantics = [#tpu.dimension_semantics<core_parallel>, #tpu.dimension_semantics<subcore_parallel>], iteration_bounds = array<i64: 2, 16>, scalar_prefetch = 0 : i64, scratch_operands = 3 : i64, tpu.core_type = #tpu.core_type<sc_vector_subcore>, window_params = [{transform_indices = #map}, {transform_indices = #map}, {transform_indices = #map1}, {transform_indices = #map}]} {
    %mul3A = arith.constant 2 : i32
    %mul3A_0 = arith.muli %arg1, %mul3A : i32
    %add3A = arith.addi %mul3A_0, %arg0 : i32
    %mul3A_1 = arith.constant 10240 : i32
    %mul3A_2 = arith.muli %add3A, %mul3A_1 : i32
    "tpu.region"() ({
      %run_scoped3A = tpu.sem_alloc : memref<!tpu.dma_semaphore, #tpu.memory_space<semaphore_mem>>
      tpu.enqueue_dma source(%arg2 : memref<128x128xf32, #tpu.memory_space<hbm>>) target(%arg6 : memref<128x128xf32, #tpu.memory_space<vmem>>) target_semaphore(%run_scoped3A : memref<!tpu.dma_semaphore, #tpu.memory_space<semaphore_mem>>)
      tpu.wait_dma2 semaphore(%run_scoped3A : memref<!tpu.dma_semaphore, #tpu.memory_space<semaphore_mem>>) src(%arg2 : memref<128x128xf32, #tpu.memory_space<hbm>>) dst(%arg6 : memref<128x128xf32, #tpu.memory_space<vmem>>)
      tpu.yield
    }) : () -> ()
    %mul3A_3 = arith.constant 640 : i32
    %mul3A_4 = arith.muli %arg1, %mul3A_3 : i32
    %add3A_5 = arith.constant 0 : i32
    %add3A_6 = arith.addi %mul3A_4, %add3A_5 : i32
    "tpu.region"() ({
      %run_scoped3A = tpu.sem_alloc : memref<!tpu.dma_semaphore, #tpu.memory_space<semaphore_mem>>
      %dma_start3A = arith.constant 0 : i32
      %dma_start3A_64 = tpu.memref_slice %arg7[%add3A_6, %dma_start3A] : memref<10240x128xf32, #tpu.memory_space<vmem_shared>> -> memref<128x128xf32, #tpu.memory_space<vmem_shared>>
      %dma_start3A_65 = arith.constant 0 : i32
      %dma_start3A_66 = tpu.memref_slice %arg7[%add3A_6, %dma_start3A_65] : memref<10240x128xf32, #tpu.memory_space<vmem_shared>> -> memref<128x128xf32, #tpu.memory_space<vmem_shared>>
      tpu.enqueue_dma source(%arg6 : memref<128x128xf32, #tpu.memory_space<vmem>>) target(%dma_start3A_66 : memref<128x128xf32, #tpu.memory_space<vmem_shared>>) target_semaphore(%run_scoped3A : memref<!tpu.dma_semaphore, #tpu.memory_space<semaphore_mem>>)
      %dma_wait3A = arith.constant 0 : i32
      %dma_wait3A_67 = tpu.memref_slice %arg7[%add3A_6, %dma_wait3A] : memref<10240x128xf32, #tpu.memory_space<vmem_shared>> -> memref<128x128xf32, #tpu.memory_space<vmem_shared>>
      %dma_wait3A_68 = arith.constant 0 : i32
      %dma_wait3A_69 = tpu.memref_slice %arg7[%add3A_6, %dma_wait3A_68] : memref<10240x128xf32, #tpu.memory_space<vmem_shared>> -> memref<128x128xf32, #tpu.memory_space<vmem_shared>>
      tpu.wait_dma2 semaphore(%run_scoped3A : memref<!tpu.dma_semaphore, #tpu.memory_space<semaphore_mem>>) src(%arg6 : memref<128x128xf32, #tpu.memory_space<vmem>>) dst(%dma_wait3A_69 : memref<128x128xf32, #tpu.memory_space<vmem_shared>>)
      tpu.yield
    }) : () -> ()
    %mul3A_7 = arith.constant 640 : i32
    %mul3A_8 = arith.muli %arg1, %mul3A_7 : i32
    %add3A_9 = arith.constant 128 : i32
    %add3A_10 = arith.addi %mul3A_8, %add3A_9 : i32
    "tpu.region"() ({
      %run_scoped3A = tpu.sem_alloc : memref<!tpu.dma_semaphore, #tpu.memory_space<semaphore_mem>>
      %dma_start3A = arith.constant 0 : i32
      %dma_start3A_64 = tpu.memref_slice %arg7[%add3A_10, %dma_start3A] : memref<10240x128xf32, #tpu.memory_space<vmem_shared>> -> memref<128x128xf32, #tpu.memory_space<vmem_shared>>
      %dma_start3A_65 = arith.constant 0 : i32
      %dma_start3A_66 = tpu.memref_slice %arg7[%add3A_10, %dma_start3A_65] : memref<10240x128xf32, #tpu.memory_space<vmem_shared>> -> memref<128x128xf32, #tpu.memory_space<vmem_shared>>
      tpu.enqueue_dma source(%arg6 : memref<128x128xf32, #tpu.memory_space<vmem>>) target(%dma_start3A_66 : memref<128x128xf32, #tpu.memory_space<vmem_shared>>) target_semaphore(%run_scoped3A : memref<!tpu.dma_semaphore, #tpu.memory_space<semaphore_mem>>)
      %dma_wait3A = arith.constant 0 : i32
      %dma_wait3A_67 = tpu.memref_slice %arg7[%add3A_10, %dma_wait3A] : memref<10240x128xf32, #tpu.memory_space<vmem_shared>> -> memref<128x128xf32, #tpu.memory_space<vmem_shared>>
      %dma_wait3A_68 = arith.constant 0 : i32
      %dma_wait3A_69 = tpu.memref_slice %arg7[%add3A_10, %dma_wait3A_68] : memref<10240x128xf32, #tpu.memory_space<vmem_shared>> -> memref<128x128xf32, #tpu.memory_space<vmem_shared>>
      tpu.wait_dma2 semaphore(%run_scoped3A : memref<!tpu.dma_semaphore, #tpu.memory_space<semaphore_mem>>) src(%arg6 : memref<128x128xf32, #tpu.memory_space<vmem>>) dst(%dma_wait3A_69 : memref<128x128xf32, #tpu.memory_space<vmem_shared>>)
      tpu.yield
    }) : () -> ()
    %mul3A_11 = arith.constant 640 : i32
    %mul3A_12 = arith.muli %arg1, %mul3A_11 : i32
    %add3A_13 = arith.constant 256 : i32
    %add3A_14 = arith.addi %mul3A_12, %add3A_13 : i32
    "tpu.region"() ({
      %run_scoped3A = tpu.sem_alloc : memref<!tpu.dma_semaphore, #tpu.memory_space<semaphore_mem>>
      %dma_start3A = arith.constant 0 : i32
      %dma_start3A_64 = tpu.memref_slice %arg7[%add3A_14, %dma_start3A] : memref<10240x128xf32, #tpu.memory_space<vmem_shared>> -> memref<128x128xf32, #tpu.memory_space<vmem_shared>>
      %dma_start3A_65 = arith.constant 0 : i32
      %dma_start3A_66 = tpu.memref_slice %arg7[%add3A_14, %dma_start3A_65] : memref<10240x128xf32, #tpu.memory_space<vmem_shared>> -> memref<128x128xf32, #tpu.memory_space<vmem_shared>>
      tpu.enqueue_dma source(%arg6 : memref<128x128xf32, #tpu.memory_space<vmem>>) target(%dma_start3A_66 : memref<128x128xf32, #tpu.memory_space<vmem_shared>>) target_semaphore(%run_scoped3A : memref<!tpu.dma_semaphore, #tpu.memory_space<semaphore_mem>>)
      %dma_wait3A = arith.constant 0 : i32
      %dma_wait3A_67 = tpu.memref_slice %arg7[%add3A_14, %dma_wait3A] : memref<10240x128xf32, #tpu.memory_space<vmem_shared>> -> memref<128x128xf32, #tpu.memory_space<vmem_shared>>
      %dma_wait3A_68 = arith.constant 0 : i32
      %dma_wait3A_69 = tpu.memref_slice %arg7[%add3A_14, %dma_wait3A_68] : memref<10240x128xf32, #tpu.memory_space<vmem_shared>> -> memref<128x128xf32, #tpu.memory_space<vmem_shared>>
      tpu.wait_dma2 semaphore(%run_scoped3A : memref<!tpu.dma_semaphore, #tpu.memory_space<semaphore_mem>>) src(%arg6 : memref<128x128xf32, #tpu.memory_space<vmem>>) dst(%dma_wait3A_69 : memref<128x128xf32, #tpu.memory_space<vmem_shared>>)
      tpu.yield
    }) : () -> ()
    %mul3A_15 = arith.constant 640 : i32
    %mul3A_16 = arith.muli %arg1, %mul3A_15 : i32
    %add3A_17 = arith.constant 384 : i32
    %add3A_18 = arith.addi %mul3A_16, %add3A_17 : i32
    "tpu.region"() ({
      %run_scoped3A = tpu.sem_alloc : memref<!tpu.dma_semaphore, #tpu.memory_space<semaphore_mem>>
      %dma_start3A = arith.constant 0 : i32
      %dma_start3A_64 = tpu.memref_slice %arg7[%add3A_18, %dma_start3A] : memref<10240x128xf32, #tpu.memory_space<vmem_shared>> -> memref<128x128xf32, #tpu.memory_space<vmem_shared>>
      %dma_start3A_65 = arith.constant 0 : i32
      %dma_start3A_66 = tpu.memref_slice %arg7[%add3A_18, %dma_start3A_65] : memref<10240x128xf32, #tpu.memory_space<vmem_shared>> -> memref<128x128xf32, #tpu.memory_space<vmem_shared>>
      tpu.enqueue_dma source(%arg6 : memref<128x128xf32, #tpu.memory_space<vmem>>) target(%dma_start3A_66 : memref<128x128xf32, #tpu.memory_space<vmem_shared>>) target_semaphore(%run_scoped3A : memref<!tpu.dma_semaphore, #tpu.memory_space<semaphore_mem>>)
      %dma_wait3A = arith.constant 0 : i32
      %dma_wait3A_67 = tpu.memref_slice %arg7[%add3A_18, %dma_wait3A] : memref<10240x128xf32, #tpu.memory_space<vmem_shared>> -> memref<128x128xf32, #tpu.memory_space<vmem_shared>>
      %dma_wait3A_68 = arith.constant 0 : i32
      %dma_wait3A_69 = tpu.memref_slice %arg7[%add3A_18, %dma_wait3A_68] : memref<10240x128xf32, #tpu.memory_space<vmem_shared>> -> memref<128x128xf32, #tpu.memory_space<vmem_shared>>
      tpu.wait_dma2 semaphore(%run_scoped3A : memref<!tpu.dma_semaphore, #tpu.memory_space<semaphore_mem>>) src(%arg6 : memref<128x128xf32, #tpu.memory_space<vmem>>) dst(%dma_wait3A_69 : memref<128x128xf32, #tpu.memory_space<vmem_shared>>)
      tpu.yield
    }) : () -> ()
    %mul3A_19 = arith.constant 640 : i32
    %mul3A_20 = arith.muli %arg1, %mul3A_19 : i32
    %add3A_21 = arith.constant 512 : i32
    %add3A_22 = arith.addi %mul3A_20, %add3A_21 : i32
    "tpu.region"() ({
      %run_scoped3A = tpu.sem_alloc : memref<!tpu.dma_semaphore, #tpu.memory_space<semaphore_mem>>
      %dma_start3A = arith.constant 0 : i32
      %dma_start3A_64 = tpu.memref_slice %arg7[%add3A_22, %dma_start3A] : memref<10240x128xf32, #tpu.memory_space<vmem_shared>> -> memref<128x128xf32, #tpu.memory_space<vmem_shared>>
      %dma_start3A_65 = arith.constant 0 : i32
      %dma_start3A_66 = tpu.memref_slice %arg7[%add3A_22, %dma_start3A_65] : memref<10240x128xf32, #tpu.memory_space<vmem_shared>> -> memref<128x128xf32, #tpu.memory_space<vmem_shared>>
      tpu.enqueue_dma source(%arg6 : memref<128x128xf32, #tpu.memory_space<vmem>>) target(%dma_start3A_66 : memref<128x128xf32, #tpu.memory_space<vmem_shared>>) target_semaphore(%run_scoped3A : memref<!tpu.dma_semaphore, #tpu.memory_space<semaphore_mem>>)
      %dma_wait3A = arith.constant 0 : i32
      %dma_wait3A_67 = tpu.memref_slice %arg7[%add3A_22, %dma_wait3A] : memref<10240x128xf32, #tpu.memory_space<vmem_shared>> -> memref<128x128xf32, #tpu.memory_space<vmem_shared>>
      %dma_wait3A_68 = arith.constant 0 : i32
      %dma_wait3A_69 = tpu.memref_slice %arg7[%add3A_22, %dma_wait3A_68] : memref<10240x128xf32, #tpu.memory_space<vmem_shared>> -> memref<128x128xf32, #tpu.memory_space<vmem_shared>>
      tpu.wait_dma2 semaphore(%run_scoped3A : memref<!tpu.dma_semaphore, #tpu.memory_space<semaphore_mem>>) src(%arg6 : memref<128x128xf32, #tpu.memory_space<vmem>>) dst(%dma_wait3A_69 : memref<128x128xf32, #tpu.memory_space<vmem_shared>>)
      tpu.yield
    }) : () -> ()
    %barrier3A = arith.constant 0 : index
    tpu.barrier barrier_id(%barrier3A)
    "tpu.region"() ({
      %run_scoped3A = tpu.sem_alloc : memref<!tpu.dma_semaphore, #tpu.memory_space<semaphore_mem>>
      tpu.enqueue_dma source(%arg3 : memref<128x128xf32, #tpu.memory_space<hbm>>) target(%arg6 : memref<128x128xf32, #tpu.memory_space<vmem>>) target_semaphore(%run_scoped3A : memref<!tpu.dma_semaphore, #tpu.memory_space<semaphore_mem>>)
      tpu.wait_dma2 semaphore(%run_scoped3A : memref<!tpu.dma_semaphore, #tpu.memory_space<semaphore_mem>>) src(%arg3 : memref<128x128xf32, #tpu.memory_space<hbm>>) dst(%arg6 : memref<128x128xf32, #tpu.memory_space<vmem>>)
      tpu.yield
    }) : () -> ()
    %scan3A = arith.constant 0 : i32
    %scan3A_23 = arith.constant 0 : i32
    %scan3A_24 = arith.constant 80 : i32
    %scan3A_25 = arith.addi %scan3A_23, %scan3A_24 : i32
    %scan3A_26 = arith.constant 1 : i32
    scf.for %scan3A_64 = %scan3A_23 to %scan3A_25 step %scan3A_26  : i32 {
      %mul3A_65 = arith.constant 128 : i32
      %mul3A_66 = arith.muli %scan3A_64, %mul3A_65 : i32
      %add3A_67 = arith.addi %mul3A_2, %mul3A_66 : i32
      "tpu.region"() ({
        %run_scoped3A = tpu.sem_alloc : memref<!tpu.dma_semaphore, #tpu.memory_space<semaphore_mem>>
        %dma_start3A = tpu.memref_slice %arg4[%add3A_67] : memref<327680xi32, #tpu.memory_space<hbm>> -> memref<128xi32, #tpu.memory_space<hbm>>
        %dma_start3A_68 = tpu.memref_slice %arg4[%add3A_67] : memref<327680xi32, #tpu.memory_space<hbm>> -> memref<128xi32, #tpu.memory_space<hbm>>
        tpu.enqueue_dma source(%dma_start3A_68 : memref<128xi32, #tpu.memory_space<hbm>>) target(%arg8 : memref<128xi32, #tpu.memory_space<vmem>>) target_semaphore(%run_scoped3A : memref<!tpu.dma_semaphore, #tpu.memory_space<semaphore_mem>>)
        %dma_wait3A = tpu.memref_slice %arg4[%add3A_67] : memref<327680xi32, #tpu.memory_space<hbm>> -> memref<128xi32, #tpu.memory_space<hbm>>
        %dma_wait3A_69 = tpu.memref_slice %arg4[%add3A_67] : memref<327680xi32, #tpu.memory_space<hbm>> -> memref<128xi32, #tpu.memory_space<hbm>>
        tpu.wait_dma2 semaphore(%run_scoped3A : memref<!tpu.dma_semaphore, #tpu.memory_space<semaphore_mem>>) src(%dma_wait3A_69 : memref<128xi32, #tpu.memory_space<hbm>>) dst(%arg8 : memref<128xi32, #tpu.memory_space<vmem>>)
        tpu.yield
      }) : () -> ()
      "tpu.region"() ({
        %run_scoped3A = tpu.sem_alloc : memref<!tpu.dma_semaphore, #tpu.memory_space<semaphore_mem>>
        %dma_start3A = arith.constant 0 : i32
        %dma_start3A_68 = arith.constant 0 : i32
        %dma_start3A_69 = tpu.memref_slice %arg7[%dma_start3A, %dma_start3A_68] : memref<10240x128xf32, #tpu.memory_space<vmem_shared>> -> memref<10240x128xf32, #tpu.memory_space<vmem_shared>>
        tpu.enqueue_indirect_dma source(%arg6 : memref<128x128xf32, #tpu.memory_space<vmem>>) target(%dma_start3A_69 : memref<10240x128xf32, #tpu.memory_space<vmem_shared>>) offsets(%arg8 : memref<128xi32, #tpu.memory_space<vmem>>) semaphore(%run_scoped3A : memref<!tpu.dma_semaphore, #tpu.memory_space<semaphore_mem>>) {add = true}
        %dma_wait3A = arith.constant 0 : i32
        %dma_wait3A_70 = arith.constant 0 : i32
        %dma_wait3A_71 = tpu.memref_slice %arg7[%dma_wait3A, %dma_wait3A_70] : memref<10240x128xf32, #tpu.memory_space<vmem_shared>> -> memref<10240x128xf32, #tpu.memory_space<vmem_shared>>
        tpu.wait_indirect_dma semaphore(%run_scoped3A : memref<!tpu.dma_semaphore, #tpu.memory_space<semaphore_mem>>) src(%arg6 : memref<128x128xf32, #tpu.memory_space<vmem>>) dst(%dma_wait3A_71 : memref<10240x128xf32, #tpu.memory_space<vmem_shared>>)
        tpu.yield
      }) : () -> ()
    }
    %scan3A_27 = arith.constant 80 : i32
    %barrier3A_28 = arith.constant 0 : index
    tpu.barrier barrier_id(%barrier3A_28)
    %mul3A_29 = arith.constant 640 : i32
    %mul3A_30 = arith.muli %arg1, %mul3A_29 : i32
    %add3A_31 = arith.constant 0 : i32
    %add3A_32 = arith.addi %mul3A_30, %add3A_31 : i32
    "tpu.region"() ({
      %run_scoped3A = tpu.sem_alloc : memref<!tpu.dma_semaphore, #tpu.memory_space<semaphore_mem>>
      %dma_start3A = arith.constant 0 : i32
      %dma_start3A_64 = tpu.memref_slice %arg7[%add3A_32, %dma_start3A] : memref<10240x128xf32, #tpu.memory_space<vmem_shared>> -> memref<128x128xf32, #tpu.memory_space<vmem_shared>>
      %dma_start3A_65 = arith.constant 0 : i32
      %dma_start3A_66 = tpu.memref_slice %arg7[%add3A_32, %dma_start3A_65] : memref<10240x128xf32, #tpu.memory_space<vmem_shared>> -> memref<128x128xf32, #tpu.memory_space<vmem_shared>>
      tpu.enqueue_dma source(%dma_start3A_66 : memref<128x128xf32, #tpu.memory_space<vmem_shared>>) target(%arg6 : memref<128x128xf32, #tpu.memory_space<vmem>>) target_semaphore(%run_scoped3A : memref<!tpu.dma_semaphore, #tpu.memory_space<semaphore_mem>>)
      %dma_wait3A = arith.constant 0 : i32
      %dma_wait3A_67 = tpu.memref_slice %arg7[%add3A_32, %dma_wait3A] : memref<10240x128xf32, #tpu.memory_space<vmem_shared>> -> memref<128x128xf32, #tpu.memory_space<vmem_shared>>
      %dma_wait3A_68 = arith.constant 0 : i32
      %dma_wait3A_69 = tpu.memref_slice %arg7[%add3A_32, %dma_wait3A_68] : memref<10240x128xf32, #tpu.memory_space<vmem_shared>> -> memref<128x128xf32, #tpu.memory_space<vmem_shared>>
      tpu.wait_dma2 semaphore(%run_scoped3A : memref<!tpu.dma_semaphore, #tpu.memory_space<semaphore_mem>>) src(%dma_wait3A_69 : memref<128x128xf32, #tpu.memory_space<vmem_shared>>) dst(%arg6 : memref<128x128xf32, #tpu.memory_space<vmem>>)
      tpu.yield
    }) : () -> ()
    %mul3A_33 = arith.constant 10240 : i32
    %mul3A_34 = arith.muli %arg0, %mul3A_33 : i32
    %add3A_35 = arith.addi %mul3A_34, %add3A_32 : i32
    "tpu.region"() ({
      %run_scoped3A = tpu.sem_alloc : memref<!tpu.dma_semaphore, #tpu.memory_space<semaphore_mem>>
      %dma_start3A = arith.constant 0 : i32
      %dma_start3A_64 = tpu.memref_slice %arg5[%add3A_35, %dma_start3A] : memref<20480x128xf32, #tpu.memory_space<hbm>> -> memref<128x128xf32, #tpu.memory_space<hbm>>
      %dma_start3A_65 = arith.constant 0 : i32
      %dma_start3A_66 = tpu.memref_slice %arg5[%add3A_35, %dma_start3A_65] : memref<20480x128xf32, #tpu.memory_space<hbm>> -> memref<128x128xf32, #tpu.memory_space<hbm>>
      tpu.enqueue_dma source(%arg6 : memref<128x128xf32, #tpu.memory_space<vmem>>) target(%dma_start3A_66 : memref<128x128xf32, #tpu.memory_space<hbm>>) target_semaphore(%run_scoped3A : memref<!tpu.dma_semaphore, #tpu.memory_space<semaphore_mem>>)
      %dma_wait3A = arith.constant 0 : i32
      %dma_wait3A_67 = tpu.memref_slice %arg5[%add3A_35, %dma_wait3A] : memref<20480x128xf32, #tpu.memory_space<hbm>> -> memref<128x128xf32, #tpu.memory_space<hbm>>
      %dma_wait3A_68 = arith.constant 0 : i32
      %dma_wait3A_69 = tpu.memref_slice %arg5[%add3A_35, %dma_wait3A_68] : memref<20480x128xf32, #tpu.memory_space<hbm>> -> memref<128x128xf32, #tpu.memory_space<hbm>>
      tpu.wait_dma2 semaphore(%run_scoped3A : memref<!tpu.dma_semaphore, #tpu.memory_space<semaphore_mem>>) src(%arg6 : memref<128x128xf32, #tpu.memory_space<vmem>>) dst(%dma_wait3A_69 : memref<128x128xf32, #tpu.memory_space<hbm>>)
      tpu.yield
    }) : () -> ()
    %mul3A_36 = arith.constant 640 : i32
    %mul3A_37 = arith.muli %arg1, %mul3A_36 : i32
    %add3A_38 = arith.constant 128 : i32
    %add3A_39 = arith.addi %mul3A_37, %add3A_38 : i32
    "tpu.region"() ({
      %run_scoped3A = tpu.sem_alloc : memref<!tpu.dma_semaphore, #tpu.memory_space<semaphore_mem>>
      %dma_start3A = arith.constant 0 : i32
      %dma_start3A_64 = tpu.memref_slice %arg7[%add3A_39, %dma_start3A] : memref<10240x128xf32, #tpu.memory_space<vmem_shared>> -> memref<128x128xf32, #tpu.memory_space<vmem_shared>>
      %dma_start3A_65 = arith.constant 0 : i32
      %dma_start3A_66 = tpu.memref_slice %arg7[%add3A_39, %dma_start3A_65] : memref<10240x128xf32, #tpu.memory_space<vmem_shared>> -> memref<128x128xf32, #tpu.memory_space<vmem_shared>>
      tpu.enqueue_dma source(%dma_start3A_66 : memref<128x128xf32, #tpu.memory_space<vmem_shared>>) target(%arg6 : memref<128x128xf32, #tpu.memory_space<vmem>>) target_semaphore(%run_scoped3A : memref<!tpu.dma_semaphore, #tpu.memory_space<semaphore_mem>>)
      %dma_wait3A = arith.constant 0 : i32
      %dma_wait3A_67 = tpu.memref_slice %arg7[%add3A_39, %dma_wait3A] : memref<10240x128xf32, #tpu.memory_space<vmem_shared>> -> memref<128x128xf32, #tpu.memory_space<vmem_shared>>
      %dma_wait3A_68 = arith.constant 0 : i32
      %dma_wait3A_69 = tpu.memref_slice %arg7[%add3A_39, %dma_wait3A_68] : memref<10240x128xf32, #tpu.memory_space<vmem_shared>> -> memref<128x128xf32, #tpu.memory_space<vmem_shared>>
      tpu.wait_dma2 semaphore(%run_scoped3A : memref<!tpu.dma_semaphore, #tpu.memory_space<semaphore_mem>>) src(%dma_wait3A_69 : memref<128x128xf32, #tpu.memory_space<vmem_shared>>) dst(%arg6 : memref<128x128xf32, #tpu.memory_space<vmem>>)
      tpu.yield
    }) : () -> ()
    %mul3A_40 = arith.constant 10240 : i32
    %mul3A_41 = arith.muli %arg0, %mul3A_40 : i32
    %add3A_42 = arith.addi %mul3A_41, %add3A_39 : i32
    "tpu.region"() ({
      %run_scoped3A = tpu.sem_alloc : memref<!tpu.dma_semaphore, #tpu.memory_space<semaphore_mem>>
      %dma_start3A = arith.constant 0 : i32
      %dma_start3A_64 = tpu.memref_slice %arg5[%add3A_42, %dma_start3A] : memref<20480x128xf32, #tpu.memory_space<hbm>> -> memref<128x128xf32, #tpu.memory_space<hbm>>
      %dma_start3A_65 = arith.constant 0 : i32
      %dma_start3A_66 = tpu.memref_slice %arg5[%add3A_42, %dma_start3A_65] : memref<20480x128xf32, #tpu.memory_space<hbm>> -> memref<128x128xf32, #tpu.memory_space<hbm>>
      tpu.enqueue_dma source(%arg6 : memref<128x128xf32, #tpu.memory_space<vmem>>) target(%dma_start3A_66 : memref<128x128xf32, #tpu.memory_space<hbm>>) target_semaphore(%run_scoped3A : memref<!tpu.dma_semaphore, #tpu.memory_space<semaphore_mem>>)
      %dma_wait3A = arith.constant 0 : i32
      %dma_wait3A_67 = tpu.memref_slice %arg5[%add3A_42, %dma_wait3A] : memref<20480x128xf32, #tpu.memory_space<hbm>> -> memref<128x128xf32, #tpu.memory_space<hbm>>
      %dma_wait3A_68 = arith.constant 0 : i32
      %dma_wait3A_69 = tpu.memref_slice %arg5[%add3A_42, %dma_wait3A_68] : memref<20480x128xf32, #tpu.memory_space<hbm>> -> memref<128x128xf32, #tpu.memory_space<hbm>>
      tpu.wait_dma2 semaphore(%run_scoped3A : memref<!tpu.dma_semaphore, #tpu.memory_space<semaphore_mem>>) src(%arg6 : memref<128x128xf32, #tpu.memory_space<vmem>>) dst(%dma_wait3A_69 : memref<128x128xf32, #tpu.memory_space<hbm>>)
      tpu.yield
    }) : () -> ()
    %mul3A_43 = arith.constant 640 : i32
    %mul3A_44 = arith.muli %arg1, %mul3A_43 : i32
    %add3A_45 = arith.constant 256 : i32
    %add3A_46 = arith.addi %mul3A_44, %add3A_45 : i32
    "tpu.region"() ({
      %run_scoped3A = tpu.sem_alloc : memref<!tpu.dma_semaphore, #tpu.memory_space<semaphore_mem>>
      %dma_start3A = arith.constant 0 : i32
      %dma_start3A_64 = tpu.memref_slice %arg7[%add3A_46, %dma_start3A] : memref<10240x128xf32, #tpu.memory_space<vmem_shared>> -> memref<128x128xf32, #tpu.memory_space<vmem_shared>>
      %dma_start3A_65 = arith.constant 0 : i32
      %dma_start3A_66 = tpu.memref_slice %arg7[%add3A_46, %dma_start3A_65] : memref<10240x128xf32, #tpu.memory_space<vmem_shared>> -> memref<128x128xf32, #tpu.memory_space<vmem_shared>>
      tpu.enqueue_dma source(%dma_start3A_66 : memref<128x128xf32, #tpu.memory_space<vmem_shared>>) target(%arg6 : memref<128x128xf32, #tpu.memory_space<vmem>>) target_semaphore(%run_scoped3A : memref<!tpu.dma_semaphore, #tpu.memory_space<semaphore_mem>>)
      %dma_wait3A = arith.constant 0 : i32
      %dma_wait3A_67 = tpu.memref_slice %arg7[%add3A_46, %dma_wait3A] : memref<10240x128xf32, #tpu.memory_space<vmem_shared>> -> memref<128x128xf32, #tpu.memory_space<vmem_shared>>
      %dma_wait3A_68 = arith.constant 0 : i32
      %dma_wait3A_69 = tpu.memref_slice %arg7[%add3A_46, %dma_wait3A_68] : memref<10240x128xf32, #tpu.memory_space<vmem_shared>> -> memref<128x128xf32, #tpu.memory_space<vmem_shared>>
      tpu.wait_dma2 semaphore(%run_scoped3A : memref<!tpu.dma_semaphore, #tpu.memory_space<semaphore_mem>>) src(%dma_wait3A_69 : memref<128x128xf32, #tpu.memory_space<vmem_shared>>) dst(%arg6 : memref<128x128xf32, #tpu.memory_space<vmem>>)
      tpu.yield
    }) : () -> ()
    %mul3A_47 = arith.constant 10240 : i32
    %mul3A_48 = arith.muli %arg0, %mul3A_47 : i32
    %add3A_49 = arith.addi %mul3A_48, %add3A_46 : i32
    "tpu.region"() ({
      %run_scoped3A = tpu.sem_alloc : memref<!tpu.dma_semaphore, #tpu.memory_space<semaphore_mem>>
      %dma_start3A = arith.constant 0 : i32
      %dma_start3A_64 = tpu.memref_slice %arg5[%add3A_49, %dma_start3A] : memref<20480x128xf32, #tpu.memory_space<hbm>> -> memref<128x128xf32, #tpu.memory_space<hbm>>
      %dma_start3A_65 = arith.constant 0 : i32
      %dma_start3A_66 = tpu.memref_slice %arg5[%add3A_49, %dma_start3A_65] : memref<20480x128xf32, #tpu.memory_space<hbm>> -> memref<128x128xf32, #tpu.memory_space<hbm>>
      tpu.enqueue_dma source(%arg6 : memref<128x128xf32, #tpu.memory_space<vmem>>) target(%dma_start3A_66 : memref<128x128xf32, #tpu.memory_space<hbm>>) target_semaphore(%run_scoped3A : memref<!tpu.dma_semaphore, #tpu.memory_space<semaphore_mem>>)
      %dma_wait3A = arith.constant 0 : i32
      %dma_wait3A_67 = tpu.memref_slice %arg5[%add3A_49, %dma_wait3A] : memref<20480x128xf32, #tpu.memory_space<hbm>> -> memref<128x128xf32, #tpu.memory_space<hbm>>
      %dma_wait3A_68 = arith.constant 0 : i32
      %dma_wait3A_69 = tpu.memref_slice %arg5[%add3A_49, %dma_wait3A_68] : memref<20480x128xf32, #tpu.memory_space<hbm>> -> memref<128x128xf32, #tpu.memory_space<hbm>>
      tpu.wait_dma2 semaphore(%run_scoped3A : memref<!tpu.dma_semaphore, #tpu.memory_space<semaphore_mem>>) src(%arg6 : memref<128x128xf32, #tpu.memory_space<vmem>>) dst(%dma_wait3A_69 : memref<128x128xf32, #tpu.memory_space<hbm>>)
      tpu.yield
    }) : () -> ()
    %mul3A_50 = arith.constant 640 : i32
    %mul3A_51 = arith.muli %arg1, %mul3A_50 : i32
    %add3A_52 = arith.constant 384 : i32
    %add3A_53 = arith.addi %mul3A_51, %add3A_52 : i32
    "tpu.region"() ({
      %run_scoped3A = tpu.sem_alloc : memref<!tpu.dma_semaphore, #tpu.memory_space<semaphore_mem>>
      %dma_start3A = arith.constant 0 : i32
      %dma_start3A_64 = tpu.memref_slice %arg7[%add3A_53, %dma_start3A] : memref<10240x128xf32, #tpu.memory_space<vmem_shared>> -> memref<128x128xf32, #tpu.memory_space<vmem_shared>>
      %dma_start3A_65 = arith.constant 0 : i32
      %dma_start3A_66 = tpu.memref_slice %arg7[%add3A_53, %dma_start3A_65] : memref<10240x128xf32, #tpu.memory_space<vmem_shared>> -> memref<128x128xf32, #tpu.memory_space<vmem_shared>>
      tpu.enqueue_dma source(%dma_start3A_66 : memref<128x128xf32, #tpu.memory_space<vmem_shared>>) target(%arg6 : memref<128x128xf32, #tpu.memory_space<vmem>>) target_semaphore(%run_scoped3A : memref<!tpu.dma_semaphore, #tpu.memory_space<semaphore_mem>>)
      %dma_wait3A = arith.constant 0 : i32
      %dma_wait3A_67 = tpu.memref_slice %arg7[%add3A_53, %dma_wait3A] : memref<10240x128xf32, #tpu.memory_space<vmem_shared>> -> memref<128x128xf32, #tpu.memory_space<vmem_shared>>
      %dma_wait3A_68 = arith.constant 0 : i32
      %dma_wait3A_69 = tpu.memref_slice %arg7[%add3A_53, %dma_wait3A_68] : memref<10240x128xf32, #tpu.memory_space<vmem_shared>> -> memref<128x128xf32, #tpu.memory_space<vmem_shared>>
      tpu.wait_dma2 semaphore(%run_scoped3A : memref<!tpu.dma_semaphore, #tpu.memory_space<semaphore_mem>>) src(%dma_wait3A_69 : memref<128x128xf32, #tpu.memory_space<vmem_shared>>) dst(%arg6 : memref<128x128xf32, #tpu.memory_space<vmem>>)
      tpu.yield
    }) : () -> ()
    %mul3A_54 = arith.constant 10240 : i32
    %mul3A_55 = arith.muli %arg0, %mul3A_54 : i32
    %add3A_56 = arith.addi %mul3A_55, %add3A_53 : i32
    "tpu.region"() ({
      %run_scoped3A = tpu.sem_alloc : memref<!tpu.dma_semaphore, #tpu.memory_space<semaphore_mem>>
      %dma_start3A = arith.constant 0 : i32
      %dma_start3A_64 = tpu.memref_slice %arg5[%add3A_56, %dma_start3A] : memref<20480x128xf32, #tpu.memory_space<hbm>> -> memref<128x128xf32, #tpu.memory_space<hbm>>
      %dma_start3A_65 = arith.constant 0 : i32
      %dma_start3A_66 = tpu.memref_slice %arg5[%add3A_56, %dma_start3A_65] : memref<20480x128xf32, #tpu.memory_space<hbm>> -> memref<128x128xf32, #tpu.memory_space<hbm>>
      tpu.enqueue_dma source(%arg6 : memref<128x128xf32, #tpu.memory_space<vmem>>) target(%dma_start3A_66 : memref<128x128xf32, #tpu.memory_space<hbm>>) target_semaphore(%run_scoped3A : memref<!tpu.dma_semaphore, #tpu.memory_space<semaphore_mem>>)
      %dma_wait3A = arith.constant 0 : i32
      %dma_wait3A_67 = tpu.memref_slice %arg5[%add3A_56, %dma_wait3A] : memref<20480x128xf32, #tpu.memory_space<hbm>> -> memref<128x128xf32, #tpu.memory_space<hbm>>
      %dma_wait3A_68 = arith.constant 0 : i32
      %dma_wait3A_69 = tpu.memref_slice %arg5[%add3A_56, %dma_wait3A_68] : memref<20480x128xf32, #tpu.memory_space<hbm>> -> memref<128x128xf32, #tpu.memory_space<hbm>>
      tpu.wait_dma2 semaphore(%run_scoped3A : memref<!tpu.dma_semaphore, #tpu.memory_space<semaphore_mem>>) src(%arg6 : memref<128x128xf32, #tpu.memory_space<vmem>>) dst(%dma_wait3A_69 : memref<128x128xf32, #tpu.memory_space<hbm>>)
      tpu.yield
    }) : () -> ()
    %mul3A_57 = arith.constant 640 : i32
    %mul3A_58 = arith.muli %arg1, %mul3A_57 : i32
    %add3A_59 = arith.constant 512 : i32
    %add3A_60 = arith.addi %mul3A_58, %add3A_59 : i32
    "tpu.region"() ({
      %run_scoped3A = tpu.sem_alloc : memref<!tpu.dma_semaphore, #tpu.memory_space<semaphore_mem>>
      %dma_start3A = arith.constant 0 : i32
      %dma_start3A_64 = tpu.memref_slice %arg7[%add3A_60, %dma_start3A] : memref<10240x128xf32, #tpu.memory_space<vmem_shared>> -> memref<128x128xf32, #tpu.memory_space<vmem_shared>>
      %dma_start3A_65 = arith.constant 0 : i32
      %dma_start3A_66 = tpu.memref_slice %arg7[%add3A_60, %dma_start3A_65] : memref<10240x128xf32, #tpu.memory_space<vmem_shared>> -> memref<128x128xf32, #tpu.memory_space<vmem_shared>>
      tpu.enqueue_dma source(%dma_start3A_66 : memref<128x128xf32, #tpu.memory_space<vmem_shared>>) target(%arg6 : memref<128x128xf32, #tpu.memory_space<vmem>>) target_semaphore(%run_scoped3A : memref<!tpu.dma_semaphore, #tpu.memory_space<semaphore_mem>>)
      %dma_wait3A = arith.constant 0 : i32
      %dma_wait3A_67 = tpu.memref_slice %arg7[%add3A_60, %dma_wait3A] : memref<10240x128xf32, #tpu.memory_space<vmem_shared>> -> memref<128x128xf32, #tpu.memory_space<vmem_shared>>
      %dma_wait3A_68 = arith.constant 0 : i32
      %dma_wait3A_69 = tpu.memref_slice %arg7[%add3A_60, %dma_wait3A_68] : memref<10240x128xf32, #tpu.memory_space<vmem_shared>> -> memref<128x128xf32, #tpu.memory_space<vmem_shared>>
      tpu.wait_dma2 semaphore(%run_scoped3A : memref<!tpu.dma_semaphore, #tpu.memory_space<semaphore_mem>>) src(%dma_wait3A_69 : memref<128x128xf32, #tpu.memory_space<vmem_shared>>) dst(%arg6 : memref<128x128xf32, #tpu.memory_space<vmem>>)
      tpu.yield
    }) : () -> ()
    %mul3A_61 = arith.constant 10240 : i32
    %mul3A_62 = arith.muli %arg0, %mul3A_61 : i32
    %add3A_63 = arith.addi %mul3A_62, %add3A_60 : i32
    "tpu.region"() ({
      %run_scoped3A = tpu.sem_alloc : memref<!tpu.dma_semaphore, #tpu.memory_space<semaphore_mem>>
      %dma_start3A = arith.constant 0 : i32
      %dma_start3A_64 = tpu.memref_slice %arg5[%add3A_63, %dma_start3A] : memref<20480x128xf32, #tpu.memory_space<hbm>> -> memref<128x128xf32, #tpu.memory_space<hbm>>
      %dma_start3A_65 = arith.constant 0 : i32
      %dma_start3A_66 = tpu.memref_slice %arg5[%add3A_63, %dma_start3A_65] : memref<20480x128xf32, #tpu.memory_space<hbm>> -> memref<128x128xf32, #tpu.memory_space<hbm>>
      tpu.enqueue_dma source(%arg6 : memref<128x128xf32, #tpu.memory_space<vmem>>) target(%dma_start3A_66 : memref<128x128xf32, #tpu.memory_space<hbm>>) target_semaphore(%run_scoped3A : memref<!tpu.dma_semaphore, #tpu.memory_space<semaphore_mem>>)
      %dma_wait3A = arith.constant 0 : i32
      %dma_wait3A_67 = tpu.memref_slice %arg5[%add3A_63, %dma_wait3A] : memref<20480x128xf32, #tpu.memory_space<hbm>> -> memref<128x128xf32, #tpu.memory_space<hbm>>
      %dma_wait3A_68 = arith.constant 0 : i32
      %dma_wait3A_69 = tpu.memref_slice %arg5[%add3A_63, %dma_wait3A_68] : memref<20480x128xf32, #tpu.memory_space<hbm>> -> memref<128x128xf32, #tpu.memory_space<hbm>>
      tpu.wait_dma2 semaphore(%run_scoped3A : memref<!tpu.dma_semaphore, #tpu.memory_space<semaphore_mem>>) src(%arg6 : memref<128x128xf32, #tpu.memory_space<vmem>>) dst(%dma_wait3A_69 : memref<128x128xf32, #tpu.memory_space<hbm>>)
      tpu.yield
    }) : () -> ()
    return
  }
}

#map = affine_map<(d0, d1) -> (0, 0)>
#map1 = affine_map<(d0, d1) -> (0)>
module attributes {stable_mosaic.version = 14 : i64} {
  func.func @_sc_agg(%arg0: i32, %arg1: i32, %arg2: memref<128x128xf32, #tpu.memory_space<hbm>>, %arg3: memref<327680xi32, #tpu.memory_space<hbm>>, %arg4: memref<327680xi32, #tpu.memory_space<hbm>>, %arg5: memref<10000x128xf32, #tpu.memory_space<hbm>>, %arg6: memref<20480x128xf32, #tpu.memory_space<hbm>>, %arg7: memref<128x128xf32, #tpu.memory_space<vmem>>, %arg8: memref<128x128xf32, #tpu.memory_space<vmem>>, %arg9: memref<10240x128xf32, #tpu.memory_space<vmem_shared>>, %arg10: memref<128xi32, #tpu.memory_space<vmem>>, %arg11: memref<128xi32, #tpu.memory_space<vmem>>, %arg12: memref<128xi32, #tpu.memory_space<vmem>>, %arg13: memref<128xi32, #tpu.memory_space<vmem>>, %arg14: memref<!tpu.dma_semaphore, #tpu.memory_space<semaphore_mem>>, %arg15: memref<!tpu.dma_semaphore, #tpu.memory_space<semaphore_mem>>) attributes {dimension_semantics = [#tpu.dimension_semantics<core_parallel>, #tpu.dimension_semantics<subcore_parallel>], iteration_bounds = array<i64: 2, 16>, scalar_prefetch = 0 : i64, scratch_operands = 9 : i64, tpu.core_type = #tpu.core_type<sc_vector_subcore>, window_params = [{transform_indices = #map}, {transform_indices = #map1}, {transform_indices = #map1}, {transform_indices = #map}, {transform_indices = #map}]} {
    %mul3A = arith.constant 2 : i32
    %mul3A_0 = arith.muli %arg1, %mul3A : i32
    %add3A = arith.addi %mul3A_0, %arg0 : i32
    %mul3A_1 = arith.constant 80 : i32
    %mul3A_2 = arith.muli %add3A, %mul3A_1 : i32
    %mul3A_3 = arith.constant 128 : i32
    %mul3A_4 = arith.muli %mul3A_2, %mul3A_3 : i32
    "tpu.region"() ({
      %run_scoped3A = tpu.sem_alloc : memref<!tpu.dma_semaphore, #tpu.memory_space<semaphore_mem>>
      tpu.enqueue_dma source(%arg2 : memref<128x128xf32, #tpu.memory_space<hbm>>) target(%arg7 : memref<128x128xf32, #tpu.memory_space<vmem>>) target_semaphore(%run_scoped3A : memref<!tpu.dma_semaphore, #tpu.memory_space<semaphore_mem>>)
      tpu.wait_dma2 semaphore(%run_scoped3A : memref<!tpu.dma_semaphore, #tpu.memory_space<semaphore_mem>>) src(%arg2 : memref<128x128xf32, #tpu.memory_space<hbm>>) dst(%arg7 : memref<128x128xf32, #tpu.memory_space<vmem>>)
      tpu.yield
    }) : () -> ()
    %mul3A_5 = arith.constant 640 : i32
    %mul3A_6 = arith.muli %arg1, %mul3A_5 : i32
    %add3A_7 = arith.constant 0 : i32
    %add3A_8 = arith.addi %mul3A_6, %add3A_7 : i32
    "tpu.region"() ({
      %run_scoped3A = tpu.sem_alloc : memref<!tpu.dma_semaphore, #tpu.memory_space<semaphore_mem>>
      %dma_start3A_68 = arith.constant 0 : i32
      %dma_start3A_69 = tpu.memref_slice %arg9[%add3A_8, %dma_start3A_68] : memref<10240x128xf32, #tpu.memory_space<vmem_shared>> -> memref<128x128xf32, #tpu.memory_space<vmem_shared>>
      %dma_start3A_70 = arith.constant 0 : i32
      %dma_start3A_71 = tpu.memref_slice %arg9[%add3A_8, %dma_start3A_70] : memref<10240x128xf32, #tpu.memory_space<vmem_shared>> -> memref<128x128xf32, #tpu.memory_space<vmem_shared>>
      tpu.enqueue_dma source(%arg7 : memref<128x128xf32, #tpu.memory_space<vmem>>) target(%dma_start3A_71 : memref<128x128xf32, #tpu.memory_space<vmem_shared>>) target_semaphore(%run_scoped3A : memref<!tpu.dma_semaphore, #tpu.memory_space<semaphore_mem>>)
      %dma_wait3A = arith.constant 0 : i32
      %dma_wait3A_72 = tpu.memref_slice %arg9[%add3A_8, %dma_wait3A] : memref<10240x128xf32, #tpu.memory_space<vmem_shared>> -> memref<128x128xf32, #tpu.memory_space<vmem_shared>>
      %dma_wait3A_73 = arith.constant 0 : i32
      %dma_wait3A_74 = tpu.memref_slice %arg9[%add3A_8, %dma_wait3A_73] : memref<10240x128xf32, #tpu.memory_space<vmem_shared>> -> memref<128x128xf32, #tpu.memory_space<vmem_shared>>
      tpu.wait_dma2 semaphore(%run_scoped3A : memref<!tpu.dma_semaphore, #tpu.memory_space<semaphore_mem>>) src(%arg7 : memref<128x128xf32, #tpu.memory_space<vmem>>) dst(%dma_wait3A_74 : memref<128x128xf32, #tpu.memory_space<vmem_shared>>)
      tpu.yield
    }) : () -> ()
    %mul3A_9 = arith.constant 640 : i32
    %mul3A_10 = arith.muli %arg1, %mul3A_9 : i32
    %add3A_11 = arith.constant 128 : i32
    %add3A_12 = arith.addi %mul3A_10, %add3A_11 : i32
    "tpu.region"() ({
      %run_scoped3A = tpu.sem_alloc : memref<!tpu.dma_semaphore, #tpu.memory_space<semaphore_mem>>
      %dma_start3A_68 = arith.constant 0 : i32
      %dma_start3A_69 = tpu.memref_slice %arg9[%add3A_12, %dma_start3A_68] : memref<10240x128xf32, #tpu.memory_space<vmem_shared>> -> memref<128x128xf32, #tpu.memory_space<vmem_shared>>
      %dma_start3A_70 = arith.constant 0 : i32
      %dma_start3A_71 = tpu.memref_slice %arg9[%add3A_12, %dma_start3A_70] : memref<10240x128xf32, #tpu.memory_space<vmem_shared>> -> memref<128x128xf32, #tpu.memory_space<vmem_shared>>
      tpu.enqueue_dma source(%arg7 : memref<128x128xf32, #tpu.memory_space<vmem>>) target(%dma_start3A_71 : memref<128x128xf32, #tpu.memory_space<vmem_shared>>) target_semaphore(%run_scoped3A : memref<!tpu.dma_semaphore, #tpu.memory_space<semaphore_mem>>)
      %dma_wait3A = arith.constant 0 : i32
      %dma_wait3A_72 = tpu.memref_slice %arg9[%add3A_12, %dma_wait3A] : memref<10240x128xf32, #tpu.memory_space<vmem_shared>> -> memref<128x128xf32, #tpu.memory_space<vmem_shared>>
      %dma_wait3A_73 = arith.constant 0 : i32
      %dma_wait3A_74 = tpu.memref_slice %arg9[%add3A_12, %dma_wait3A_73] : memref<10240x128xf32, #tpu.memory_space<vmem_shared>> -> memref<128x128xf32, #tpu.memory_space<vmem_shared>>
      tpu.wait_dma2 semaphore(%run_scoped3A : memref<!tpu.dma_semaphore, #tpu.memory_space<semaphore_mem>>) src(%arg7 : memref<128x128xf32, #tpu.memory_space<vmem>>) dst(%dma_wait3A_74 : memref<128x128xf32, #tpu.memory_space<vmem_shared>>)
      tpu.yield
    }) : () -> ()
    %mul3A_13 = arith.constant 640 : i32
    %mul3A_14 = arith.muli %arg1, %mul3A_13 : i32
    %add3A_15 = arith.constant 256 : i32
    %add3A_16 = arith.addi %mul3A_14, %add3A_15 : i32
    "tpu.region"() ({
      %run_scoped3A = tpu.sem_alloc : memref<!tpu.dma_semaphore, #tpu.memory_space<semaphore_mem>>
      %dma_start3A_68 = arith.constant 0 : i32
      %dma_start3A_69 = tpu.memref_slice %arg9[%add3A_16, %dma_start3A_68] : memref<10240x128xf32, #tpu.memory_space<vmem_shared>> -> memref<128x128xf32, #tpu.memory_space<vmem_shared>>
      %dma_start3A_70 = arith.constant 0 : i32
      %dma_start3A_71 = tpu.memref_slice %arg9[%add3A_16, %dma_start3A_70] : memref<10240x128xf32, #tpu.memory_space<vmem_shared>> -> memref<128x128xf32, #tpu.memory_space<vmem_shared>>
      tpu.enqueue_dma source(%arg7 : memref<128x128xf32, #tpu.memory_space<vmem>>) target(%dma_start3A_71 : memref<128x128xf32, #tpu.memory_space<vmem_shared>>) target_semaphore(%run_scoped3A : memref<!tpu.dma_semaphore, #tpu.memory_space<semaphore_mem>>)
      %dma_wait3A = arith.constant 0 : i32
      %dma_wait3A_72 = tpu.memref_slice %arg9[%add3A_16, %dma_wait3A] : memref<10240x128xf32, #tpu.memory_space<vmem_shared>> -> memref<128x128xf32, #tpu.memory_space<vmem_shared>>
      %dma_wait3A_73 = arith.constant 0 : i32
      %dma_wait3A_74 = tpu.memref_slice %arg9[%add3A_16, %dma_wait3A_73] : memref<10240x128xf32, #tpu.memory_space<vmem_shared>> -> memref<128x128xf32, #tpu.memory_space<vmem_shared>>
      tpu.wait_dma2 semaphore(%run_scoped3A : memref<!tpu.dma_semaphore, #tpu.memory_space<semaphore_mem>>) src(%arg7 : memref<128x128xf32, #tpu.memory_space<vmem>>) dst(%dma_wait3A_74 : memref<128x128xf32, #tpu.memory_space<vmem_shared>>)
      tpu.yield
    }) : () -> ()
    %mul3A_17 = arith.constant 640 : i32
    %mul3A_18 = arith.muli %arg1, %mul3A_17 : i32
    %add3A_19 = arith.constant 384 : i32
    %add3A_20 = arith.addi %mul3A_18, %add3A_19 : i32
    "tpu.region"() ({
      %run_scoped3A = tpu.sem_alloc : memref<!tpu.dma_semaphore, #tpu.memory_space<semaphore_mem>>
      %dma_start3A_68 = arith.constant 0 : i32
      %dma_start3A_69 = tpu.memref_slice %arg9[%add3A_20, %dma_start3A_68] : memref<10240x128xf32, #tpu.memory_space<vmem_shared>> -> memref<128x128xf32, #tpu.memory_space<vmem_shared>>
      %dma_start3A_70 = arith.constant 0 : i32
      %dma_start3A_71 = tpu.memref_slice %arg9[%add3A_20, %dma_start3A_70] : memref<10240x128xf32, #tpu.memory_space<vmem_shared>> -> memref<128x128xf32, #tpu.memory_space<vmem_shared>>
      tpu.enqueue_dma source(%arg7 : memref<128x128xf32, #tpu.memory_space<vmem>>) target(%dma_start3A_71 : memref<128x128xf32, #tpu.memory_space<vmem_shared>>) target_semaphore(%run_scoped3A : memref<!tpu.dma_semaphore, #tpu.memory_space<semaphore_mem>>)
      %dma_wait3A = arith.constant 0 : i32
      %dma_wait3A_72 = tpu.memref_slice %arg9[%add3A_20, %dma_wait3A] : memref<10240x128xf32, #tpu.memory_space<vmem_shared>> -> memref<128x128xf32, #tpu.memory_space<vmem_shared>>
      %dma_wait3A_73 = arith.constant 0 : i32
      %dma_wait3A_74 = tpu.memref_slice %arg9[%add3A_20, %dma_wait3A_73] : memref<10240x128xf32, #tpu.memory_space<vmem_shared>> -> memref<128x128xf32, #tpu.memory_space<vmem_shared>>
      tpu.wait_dma2 semaphore(%run_scoped3A : memref<!tpu.dma_semaphore, #tpu.memory_space<semaphore_mem>>) src(%arg7 : memref<128x128xf32, #tpu.memory_space<vmem>>) dst(%dma_wait3A_74 : memref<128x128xf32, #tpu.memory_space<vmem_shared>>)
      tpu.yield
    }) : () -> ()
    %mul3A_21 = arith.constant 640 : i32
    %mul3A_22 = arith.muli %arg1, %mul3A_21 : i32
    %add3A_23 = arith.constant 512 : i32
    %add3A_24 = arith.addi %mul3A_22, %add3A_23 : i32
    "tpu.region"() ({
      %run_scoped3A = tpu.sem_alloc : memref<!tpu.dma_semaphore, #tpu.memory_space<semaphore_mem>>
      %dma_start3A_68 = arith.constant 0 : i32
      %dma_start3A_69 = tpu.memref_slice %arg9[%add3A_24, %dma_start3A_68] : memref<10240x128xf32, #tpu.memory_space<vmem_shared>> -> memref<128x128xf32, #tpu.memory_space<vmem_shared>>
      %dma_start3A_70 = arith.constant 0 : i32
      %dma_start3A_71 = tpu.memref_slice %arg9[%add3A_24, %dma_start3A_70] : memref<10240x128xf32, #tpu.memory_space<vmem_shared>> -> memref<128x128xf32, #tpu.memory_space<vmem_shared>>
      tpu.enqueue_dma source(%arg7 : memref<128x128xf32, #tpu.memory_space<vmem>>) target(%dma_start3A_71 : memref<128x128xf32, #tpu.memory_space<vmem_shared>>) target_semaphore(%run_scoped3A : memref<!tpu.dma_semaphore, #tpu.memory_space<semaphore_mem>>)
      %dma_wait3A = arith.constant 0 : i32
      %dma_wait3A_72 = tpu.memref_slice %arg9[%add3A_24, %dma_wait3A] : memref<10240x128xf32, #tpu.memory_space<vmem_shared>> -> memref<128x128xf32, #tpu.memory_space<vmem_shared>>
      %dma_wait3A_73 = arith.constant 0 : i32
      %dma_wait3A_74 = tpu.memref_slice %arg9[%add3A_24, %dma_wait3A_73] : memref<10240x128xf32, #tpu.memory_space<vmem_shared>> -> memref<128x128xf32, #tpu.memory_space<vmem_shared>>
      tpu.wait_dma2 semaphore(%run_scoped3A : memref<!tpu.dma_semaphore, #tpu.memory_space<semaphore_mem>>) src(%arg7 : memref<128x128xf32, #tpu.memory_space<vmem>>) dst(%dma_wait3A_74 : memref<128x128xf32, #tpu.memory_space<vmem_shared>>)
      tpu.yield
    }) : () -> ()
    %barrier3A = arith.constant 0 : index
    tpu.barrier barrier_id(%barrier3A)
    "tpu.region"() ({
      %run_scoped3A = tpu.sem_alloc : memref<!tpu.dma_semaphore, #tpu.memory_space<semaphore_mem>>
      %dma_start3A_68 = tpu.memref_slice %arg3[%mul3A_4] : memref<327680xi32, #tpu.memory_space<hbm>> -> memref<128xi32, #tpu.memory_space<hbm>>
      %dma_start3A_69 = tpu.memref_slice %arg3[%mul3A_4] : memref<327680xi32, #tpu.memory_space<hbm>> -> memref<128xi32, #tpu.memory_space<hbm>>
      tpu.enqueue_dma source(%dma_start3A_69 : memref<128xi32, #tpu.memory_space<hbm>>) target(%arg10 : memref<128xi32, #tpu.memory_space<vmem>>) target_semaphore(%run_scoped3A : memref<!tpu.dma_semaphore, #tpu.memory_space<semaphore_mem>>)
      %dma_wait3A = tpu.memref_slice %arg3[%mul3A_4] : memref<327680xi32, #tpu.memory_space<hbm>> -> memref<128xi32, #tpu.memory_space<hbm>>
      %dma_wait3A_70 = tpu.memref_slice %arg3[%mul3A_4] : memref<327680xi32, #tpu.memory_space<hbm>> -> memref<128xi32, #tpu.memory_space<hbm>>
      tpu.wait_dma2 semaphore(%run_scoped3A : memref<!tpu.dma_semaphore, #tpu.memory_space<semaphore_mem>>) src(%dma_wait3A_70 : memref<128xi32, #tpu.memory_space<hbm>>) dst(%arg10 : memref<128xi32, #tpu.memory_space<vmem>>)
      tpu.yield
    }) : () -> ()
    "tpu.region"() ({
      %run_scoped3A = tpu.sem_alloc : memref<!tpu.dma_semaphore, #tpu.memory_space<semaphore_mem>>
      %dma_start3A_68 = tpu.memref_slice %arg4[%mul3A_4] : memref<327680xi32, #tpu.memory_space<hbm>> -> memref<128xi32, #tpu.memory_space<hbm>>
      %dma_start3A_69 = tpu.memref_slice %arg4[%mul3A_4] : memref<327680xi32, #tpu.memory_space<hbm>> -> memref<128xi32, #tpu.memory_space<hbm>>
      tpu.enqueue_dma source(%dma_start3A_69 : memref<128xi32, #tpu.memory_space<hbm>>) target(%arg11 : memref<128xi32, #tpu.memory_space<vmem>>) target_semaphore(%run_scoped3A : memref<!tpu.dma_semaphore, #tpu.memory_space<semaphore_mem>>)
      %dma_wait3A = tpu.memref_slice %arg4[%mul3A_4] : memref<327680xi32, #tpu.memory_space<hbm>> -> memref<128xi32, #tpu.memory_space<hbm>>
      %dma_wait3A_70 = tpu.memref_slice %arg4[%mul3A_4] : memref<327680xi32, #tpu.memory_space<hbm>> -> memref<128xi32, #tpu.memory_space<hbm>>
      tpu.wait_dma2 semaphore(%run_scoped3A : memref<!tpu.dma_semaphore, #tpu.memory_space<semaphore_mem>>) src(%dma_wait3A_70 : memref<128xi32, #tpu.memory_space<hbm>>) dst(%arg11 : memref<128xi32, #tpu.memory_space<vmem>>)
      tpu.yield
    }) : () -> ()
    %dma_start3A = arith.constant 0 : i32
    %dma_start3A_25 = arith.constant 0 : i32
    %dma_start3A_26 = tpu.memref_slice %arg5[%dma_start3A, %dma_start3A_25] : memref<10000x128xf32, #tpu.memory_space<hbm>> -> memref<10000x128xf32, #tpu.memory_space<hbm>>
    tpu.enqueue_indirect_dma source(%dma_start3A_26 : memref<10000x128xf32, #tpu.memory_space<hbm>>) target(%arg7 : memref<128x128xf32, #tpu.memory_space<vmem>>) offsets(%arg10 : memref<128xi32, #tpu.memory_space<vmem>>) semaphore(%arg14 : memref<!tpu.dma_semaphore, #tpu.memory_space<semaphore_mem>>)
    %scan3A = arith.constant 0 : i32
    %scan3A_27 = arith.constant 0 : i32
    %scan3A_28 = arith.constant 40 : i32
    %scan3A_29 = arith.addi %scan3A_27, %scan3A_28 : i32
    %scan3A_30 = arith.constant 1 : i32
    scf.for %scan3A_68 = %scan3A_27 to %scan3A_29 step %scan3A_30  : i32 {
      %mul3A_69 = arith.constant 2 : i32
      %mul3A_70 = arith.muli %mul3A_69, %scan3A_68 : i32
      %add3A_71 = arith.constant 1 : i32
      %add3A_72 = arith.addi %mul3A_70, %add3A_71 : i32
      %mul3A_73 = arith.constant 128 : i32
      %mul3A_74 = arith.muli %add3A_72, %mul3A_73 : i32
      %add3A_75 = arith.addi %mul3A_4, %mul3A_74 : i32
      %add3A_76 = arith.constant 128 : i32
      %add3A_77 = arith.addi %add3A_75, %add3A_76 : i32
      "tpu.region"() ({
        %run_scoped3A = tpu.sem_alloc : memref<!tpu.dma_semaphore, #tpu.memory_space<semaphore_mem>>
        %dma_start3A_88 = tpu.memref_slice %arg3[%add3A_75] : memref<327680xi32, #tpu.memory_space<hbm>> -> memref<128xi32, #tpu.memory_space<hbm>>
        %dma_start3A_89 = tpu.memref_slice %arg3[%add3A_75] : memref<327680xi32, #tpu.memory_space<hbm>> -> memref<128xi32, #tpu.memory_space<hbm>>
        tpu.enqueue_dma source(%dma_start3A_89 : memref<128xi32, #tpu.memory_space<hbm>>) target(%arg12 : memref<128xi32, #tpu.memory_space<vmem>>) target_semaphore(%run_scoped3A : memref<!tpu.dma_semaphore, #tpu.memory_space<semaphore_mem>>)
        %dma_wait3A_90 = tpu.memref_slice %arg3[%add3A_75] : memref<327680xi32, #tpu.memory_space<hbm>> -> memref<128xi32, #tpu.memory_space<hbm>>
        %dma_wait3A_91 = tpu.memref_slice %arg3[%add3A_75] : memref<327680xi32, #tpu.memory_space<hbm>> -> memref<128xi32, #tpu.memory_space<hbm>>
        tpu.wait_dma2 semaphore(%run_scoped3A : memref<!tpu.dma_semaphore, #tpu.memory_space<semaphore_mem>>) src(%dma_wait3A_91 : memref<128xi32, #tpu.memory_space<hbm>>) dst(%arg12 : memref<128xi32, #tpu.memory_space<vmem>>)
        tpu.yield
      }) : () -> ()
      "tpu.region"() ({
        %run_scoped3A = tpu.sem_alloc : memref<!tpu.dma_semaphore, #tpu.memory_space<semaphore_mem>>
        %dma_start3A_88 = tpu.memref_slice %arg4[%add3A_75] : memref<327680xi32, #tpu.memory_space<hbm>> -> memref<128xi32, #tpu.memory_space<hbm>>
        %dma_start3A_89 = tpu.memref_slice %arg4[%add3A_75] : memref<327680xi32, #tpu.memory_space<hbm>> -> memref<128xi32, #tpu.memory_space<hbm>>
        tpu.enqueue_dma source(%dma_start3A_89 : memref<128xi32, #tpu.memory_space<hbm>>) target(%arg13 : memref<128xi32, #tpu.memory_space<vmem>>) target_semaphore(%run_scoped3A : memref<!tpu.dma_semaphore, #tpu.memory_space<semaphore_mem>>)
        %dma_wait3A_90 = tpu.memref_slice %arg4[%add3A_75] : memref<327680xi32, #tpu.memory_space<hbm>> -> memref<128xi32, #tpu.memory_space<hbm>>
        %dma_wait3A_91 = tpu.memref_slice %arg4[%add3A_75] : memref<327680xi32, #tpu.memory_space<hbm>> -> memref<128xi32, #tpu.memory_space<hbm>>
        tpu.wait_dma2 semaphore(%run_scoped3A : memref<!tpu.dma_semaphore, #tpu.memory_space<semaphore_mem>>) src(%dma_wait3A_91 : memref<128xi32, #tpu.memory_space<hbm>>) dst(%arg13 : memref<128xi32, #tpu.memory_space<vmem>>)
        tpu.yield
      }) : () -> ()
      %dma_start3A_78 = arith.constant 0 : i32
      %dma_start3A_79 = arith.constant 0 : i32
      %dma_start3A_80 = tpu.memref_slice %arg5[%dma_start3A_78, %dma_start3A_79] : memref<10000x128xf32, #tpu.memory_space<hbm>> -> memref<10000x128xf32, #tpu.memory_space<hbm>>
      tpu.enqueue_indirect_dma source(%dma_start3A_80 : memref<10000x128xf32, #tpu.memory_space<hbm>>) target(%arg8 : memref<128x128xf32, #tpu.memory_space<vmem>>) offsets(%arg12 : memref<128xi32, #tpu.memory_space<vmem>>) semaphore(%arg15 : memref<!tpu.dma_semaphore, #tpu.memory_space<semaphore_mem>>)
      %dma_wait3A = arith.constant 0 : i32
      %dma_wait3A_81 = arith.constant 0 : i32
      %dma_wait3A_82 = tpu.memref_slice %arg5[%dma_wait3A, %dma_wait3A_81] : memref<10000x128xf32, #tpu.memory_space<hbm>> -> memref<10000x128xf32, #tpu.memory_space<hbm>>
      tpu.wait_indirect_dma semaphore(%arg14 : memref<!tpu.dma_semaphore, #tpu.memory_space<semaphore_mem>>) src(%dma_wait3A_82 : memref<10000x128xf32, #tpu.memory_space<hbm>>) dst(%arg7 : memref<128x128xf32, #tpu.memory_space<vmem>>)
      "tpu.region"() ({
        %run_scoped3A = tpu.sem_alloc : memref<!tpu.dma_semaphore, #tpu.memory_space<semaphore_mem>>
        %dma_start3A_88 = arith.constant 0 : i32
        %dma_start3A_89 = arith.constant 0 : i32
        %dma_start3A_90 = tpu.memref_slice %arg9[%dma_start3A_88, %dma_start3A_89] : memref<10240x128xf32, #tpu.memory_space<vmem_shared>> -> memref<10240x128xf32, #tpu.memory_space<vmem_shared>>
        tpu.enqueue_indirect_dma source(%arg7 : memref<128x128xf32, #tpu.memory_space<vmem>>) target(%dma_start3A_90 : memref<10240x128xf32, #tpu.memory_space<vmem_shared>>) offsets(%arg11 : memref<128xi32, #tpu.memory_space<vmem>>) semaphore(%run_scoped3A : memref<!tpu.dma_semaphore, #tpu.memory_space<semaphore_mem>>) {add = true}
        %dma_wait3A_91 = arith.constant 0 : i32
        %dma_wait3A_92 = arith.constant 0 : i32
        %dma_wait3A_93 = tpu.memref_slice %arg9[%dma_wait3A_91, %dma_wait3A_92] : memref<10240x128xf32, #tpu.memory_space<vmem_shared>> -> memref<10240x128xf32, #tpu.memory_space<vmem_shared>>
        tpu.wait_indirect_dma semaphore(%run_scoped3A : memref<!tpu.dma_semaphore, #tpu.memory_space<semaphore_mem>>) src(%arg7 : memref<128x128xf32, #tpu.memory_space<vmem>>) dst(%dma_wait3A_93 : memref<10240x128xf32, #tpu.memory_space<vmem_shared>>)
        tpu.yield
      }) : () -> ()
      %lt3A = arith.constant 39 : i32
      %lt3A_83 = arith.cmpi slt, %scan3A_68, %lt3A : i32
      %convert_element_type3A = arith.extui %lt3A_83 : i1 to i32
      %cond3A = arith.constant 0 : i32
      %cond3A_84 = arith.cmpi ne, %convert_element_type3A, %cond3A : i32
      scf.if %cond3A_84 {
        "tpu.region"() ({
          %run_scoped3A = tpu.sem_alloc : memref<!tpu.dma_semaphore, #tpu.memory_space<semaphore_mem>>
          %dma_start3A_91 = tpu.memref_slice %arg3[%add3A_77] : memref<327680xi32, #tpu.memory_space<hbm>> -> memref<128xi32, #tpu.memory_space<hbm>>
          %dma_start3A_92 = tpu.memref_slice %arg3[%add3A_77] : memref<327680xi32, #tpu.memory_space<hbm>> -> memref<128xi32, #tpu.memory_space<hbm>>
          tpu.enqueue_dma source(%dma_start3A_92 : memref<128xi32, #tpu.memory_space<hbm>>) target(%arg10 : memref<128xi32, #tpu.memory_space<vmem>>) target_semaphore(%run_scoped3A : memref<!tpu.dma_semaphore, #tpu.memory_space<semaphore_mem>>)
          %dma_wait3A_93 = tpu.memref_slice %arg3[%add3A_77] : memref<327680xi32, #tpu.memory_space<hbm>> -> memref<128xi32, #tpu.memory_space<hbm>>
          %dma_wait3A_94 = tpu.memref_slice %arg3[%add3A_77] : memref<327680xi32, #tpu.memory_space<hbm>> -> memref<128xi32, #tpu.memory_space<hbm>>
          tpu.wait_dma2 semaphore(%run_scoped3A : memref<!tpu.dma_semaphore, #tpu.memory_space<semaphore_mem>>) src(%dma_wait3A_94 : memref<128xi32, #tpu.memory_space<hbm>>) dst(%arg10 : memref<128xi32, #tpu.memory_space<vmem>>)
          tpu.yield
        }) : () -> ()
        "tpu.region"() ({
          %run_scoped3A = tpu.sem_alloc : memref<!tpu.dma_semaphore, #tpu.memory_space<semaphore_mem>>
          %dma_start3A_91 = tpu.memref_slice %arg4[%add3A_77] : memref<327680xi32, #tpu.memory_space<hbm>> -> memref<128xi32, #tpu.memory_space<hbm>>
          %dma_start3A_92 = tpu.memref_slice %arg4[%add3A_77] : memref<327680xi32, #tpu.memory_space<hbm>> -> memref<128xi32, #tpu.memory_space<hbm>>
          tpu.enqueue_dma source(%dma_start3A_92 : memref<128xi32, #tpu.memory_space<hbm>>) target(%arg11 : memref<128xi32, #tpu.memory_space<vmem>>) target_semaphore(%run_scoped3A : memref<!tpu.dma_semaphore, #tpu.memory_space<semaphore_mem>>)
          %dma_wait3A_93 = tpu.memref_slice %arg4[%add3A_77] : memref<327680xi32, #tpu.memory_space<hbm>> -> memref<128xi32, #tpu.memory_space<hbm>>
          %dma_wait3A_94 = tpu.memref_slice %arg4[%add3A_77] : memref<327680xi32, #tpu.memory_space<hbm>> -> memref<128xi32, #tpu.memory_space<hbm>>
          tpu.wait_dma2 semaphore(%run_scoped3A : memref<!tpu.dma_semaphore, #tpu.memory_space<semaphore_mem>>) src(%dma_wait3A_94 : memref<128xi32, #tpu.memory_space<hbm>>) dst(%arg11 : memref<128xi32, #tpu.memory_space<vmem>>)
          tpu.yield
        }) : () -> ()
        %dma_start3A_88 = arith.constant 0 : i32
        %dma_start3A_89 = arith.constant 0 : i32
        %dma_start3A_90 = tpu.memref_slice %arg5[%dma_start3A_88, %dma_start3A_89] : memref<10000x128xf32, #tpu.memory_space<hbm>> -> memref<10000x128xf32, #tpu.memory_space<hbm>>
        tpu.enqueue_indirect_dma source(%dma_start3A_90 : memref<10000x128xf32, #tpu.memory_space<hbm>>) target(%arg7 : memref<128x128xf32, #tpu.memory_space<vmem>>) offsets(%arg10 : memref<128xi32, #tpu.memory_space<vmem>>) semaphore(%arg14 : memref<!tpu.dma_semaphore, #tpu.memory_space<semaphore_mem>>)
      } else {
      }
      %dma_wait3A_85 = arith.constant 0 : i32
      %dma_wait3A_86 = arith.constant 0 : i32
      %dma_wait3A_87 = tpu.memref_slice %arg5[%dma_wait3A_85, %dma_wait3A_86] : memref<10000x128xf32, #tpu.memory_space<hbm>> -> memref<10000x128xf32, #tpu.memory_space<hbm>>
      tpu.wait_indirect_dma semaphore(%arg15 : memref<!tpu.dma_semaphore, #tpu.memory_space<semaphore_mem>>) src(%dma_wait3A_87 : memref<10000x128xf32, #tpu.memory_space<hbm>>) dst(%arg8 : memref<128x128xf32, #tpu.memory_space<vmem>>)
      "tpu.region"() ({
        %run_scoped3A = tpu.sem_alloc : memref<!tpu.dma_semaphore, #tpu.memory_space<semaphore_mem>>
        %dma_start3A_88 = arith.constant 0 : i32
        %dma_start3A_89 = arith.constant 0 : i32
        %dma_start3A_90 = tpu.memref_slice %arg9[%dma_start3A_88, %dma_start3A_89] : memref<10240x128xf32, #tpu.memory_space<vmem_shared>> -> memref<10240x128xf32, #tpu.memory_space<vmem_shared>>
        tpu.enqueue_indirect_dma source(%arg8 : memref<128x128xf32, #tpu.memory_space<vmem>>) target(%dma_start3A_90 : memref<10240x128xf32, #tpu.memory_space<vmem_shared>>) offsets(%arg13 : memref<128xi32, #tpu.memory_space<vmem>>) semaphore(%run_scoped3A : memref<!tpu.dma_semaphore, #tpu.memory_space<semaphore_mem>>) {add = true}
        %dma_wait3A_91 = arith.constant 0 : i32
        %dma_wait3A_92 = arith.constant 0 : i32
        %dma_wait3A_93 = tpu.memref_slice %arg9[%dma_wait3A_91, %dma_wait3A_92] : memref<10240x128xf32, #tpu.memory_space<vmem_shared>> -> memref<10240x128xf32, #tpu.memory_space<vmem_shared>>
        tpu.wait_indirect_dma semaphore(%run_scoped3A : memref<!tpu.dma_semaphore, #tpu.memory_space<semaphore_mem>>) src(%arg8 : memref<128x128xf32, #tpu.memory_space<vmem>>) dst(%dma_wait3A_93 : memref<10240x128xf32, #tpu.memory_space<vmem_shared>>)
        tpu.yield
      }) : () -> ()
    }
    %scan3A_31 = arith.constant 40 : i32
    %barrier3A_32 = arith.constant 0 : index
    tpu.barrier barrier_id(%barrier3A_32)
    %mul3A_33 = arith.constant 640 : i32
    %mul3A_34 = arith.muli %arg1, %mul3A_33 : i32
    %add3A_35 = arith.constant 0 : i32
    %add3A_36 = arith.addi %mul3A_34, %add3A_35 : i32
    "tpu.region"() ({
      %run_scoped3A = tpu.sem_alloc : memref<!tpu.dma_semaphore, #tpu.memory_space<semaphore_mem>>
      %dma_start3A_68 = arith.constant 0 : i32
      %dma_start3A_69 = tpu.memref_slice %arg9[%add3A_36, %dma_start3A_68] : memref<10240x128xf32, #tpu.memory_space<vmem_shared>> -> memref<128x128xf32, #tpu.memory_space<vmem_shared>>
      %dma_start3A_70 = arith.constant 0 : i32
      %dma_start3A_71 = tpu.memref_slice %arg9[%add3A_36, %dma_start3A_70] : memref<10240x128xf32, #tpu.memory_space<vmem_shared>> -> memref<128x128xf32, #tpu.memory_space<vmem_shared>>
      tpu.enqueue_dma source(%dma_start3A_71 : memref<128x128xf32, #tpu.memory_space<vmem_shared>>) target(%arg7 : memref<128x128xf32, #tpu.memory_space<vmem>>) target_semaphore(%run_scoped3A : memref<!tpu.dma_semaphore, #tpu.memory_space<semaphore_mem>>)
      %dma_wait3A = arith.constant 0 : i32
      %dma_wait3A_72 = tpu.memref_slice %arg9[%add3A_36, %dma_wait3A] : memref<10240x128xf32, #tpu.memory_space<vmem_shared>> -> memref<128x128xf32, #tpu.memory_space<vmem_shared>>
      %dma_wait3A_73 = arith.constant 0 : i32
      %dma_wait3A_74 = tpu.memref_slice %arg9[%add3A_36, %dma_wait3A_73] : memref<10240x128xf32, #tpu.memory_space<vmem_shared>> -> memref<128x128xf32, #tpu.memory_space<vmem_shared>>
      tpu.wait_dma2 semaphore(%run_scoped3A : memref<!tpu.dma_semaphore, #tpu.memory_space<semaphore_mem>>) src(%dma_wait3A_74 : memref<128x128xf32, #tpu.memory_space<vmem_shared>>) dst(%arg7 : memref<128x128xf32, #tpu.memory_space<vmem>>)
      tpu.yield
    }) : () -> ()
    %mul3A_37 = arith.constant 10240 : i32
    %mul3A_38 = arith.muli %arg0, %mul3A_37 : i32
    %add3A_39 = arith.addi %mul3A_38, %add3A_36 : i32
    "tpu.region"() ({
      %run_scoped3A = tpu.sem_alloc : memref<!tpu.dma_semaphore, #tpu.memory_space<semaphore_mem>>
      %dma_start3A_68 = arith.constant 0 : i32
      %dma_start3A_69 = tpu.memref_slice %arg6[%add3A_39, %dma_start3A_68] : memref<20480x128xf32, #tpu.memory_space<hbm>> -> memref<128x128xf32, #tpu.memory_space<hbm>>
      %dma_start3A_70 = arith.constant 0 : i32
      %dma_start3A_71 = tpu.memref_slice %arg6[%add3A_39, %dma_start3A_70] : memref<20480x128xf32, #tpu.memory_space<hbm>> -> memref<128x128xf32, #tpu.memory_space<hbm>>
      tpu.enqueue_dma source(%arg7 : memref<128x128xf32, #tpu.memory_space<vmem>>) target(%dma_start3A_71 : memref<128x128xf32, #tpu.memory_space<hbm>>) target_semaphore(%run_scoped3A : memref<!tpu.dma_semaphore, #tpu.memory_space<semaphore_mem>>)
      %dma_wait3A = arith.constant 0 : i32
      %dma_wait3A_72 = tpu.memref_slice %arg6[%add3A_39, %dma_wait3A] : memref<20480x128xf32, #tpu.memory_space<hbm>> -> memref<128x128xf32, #tpu.memory_space<hbm>>
      %dma_wait3A_73 = arith.constant 0 : i32
      %dma_wait3A_74 = tpu.memref_slice %arg6[%add3A_39, %dma_wait3A_73] : memref<20480x128xf32, #tpu.memory_space<hbm>> -> memref<128x128xf32, #tpu.memory_space<hbm>>
      tpu.wait_dma2 semaphore(%run_scoped3A : memref<!tpu.dma_semaphore, #tpu.memory_space<semaphore_mem>>) src(%arg7 : memref<128x128xf32, #tpu.memory_space<vmem>>) dst(%dma_wait3A_74 : memref<128x128xf32, #tpu.memory_space<hbm>>)
      tpu.yield
    }) : () -> ()
    %mul3A_40 = arith.constant 640 : i32
    %mul3A_41 = arith.muli %arg1, %mul3A_40 : i32
    %add3A_42 = arith.constant 128 : i32
    %add3A_43 = arith.addi %mul3A_41, %add3A_42 : i32
    "tpu.region"() ({
      %run_scoped3A = tpu.sem_alloc : memref<!tpu.dma_semaphore, #tpu.memory_space<semaphore_mem>>
      %dma_start3A_68 = arith.constant 0 : i32
      %dma_start3A_69 = tpu.memref_slice %arg9[%add3A_43, %dma_start3A_68] : memref<10240x128xf32, #tpu.memory_space<vmem_shared>> -> memref<128x128xf32, #tpu.memory_space<vmem_shared>>
      %dma_start3A_70 = arith.constant 0 : i32
      %dma_start3A_71 = tpu.memref_slice %arg9[%add3A_43, %dma_start3A_70] : memref<10240x128xf32, #tpu.memory_space<vmem_shared>> -> memref<128x128xf32, #tpu.memory_space<vmem_shared>>
      tpu.enqueue_dma source(%dma_start3A_71 : memref<128x128xf32, #tpu.memory_space<vmem_shared>>) target(%arg7 : memref<128x128xf32, #tpu.memory_space<vmem>>) target_semaphore(%run_scoped3A : memref<!tpu.dma_semaphore, #tpu.memory_space<semaphore_mem>>)
      %dma_wait3A = arith.constant 0 : i32
      %dma_wait3A_72 = tpu.memref_slice %arg9[%add3A_43, %dma_wait3A] : memref<10240x128xf32, #tpu.memory_space<vmem_shared>> -> memref<128x128xf32, #tpu.memory_space<vmem_shared>>
      %dma_wait3A_73 = arith.constant 0 : i32
      %dma_wait3A_74 = tpu.memref_slice %arg9[%add3A_43, %dma_wait3A_73] : memref<10240x128xf32, #tpu.memory_space<vmem_shared>> -> memref<128x128xf32, #tpu.memory_space<vmem_shared>>
      tpu.wait_dma2 semaphore(%run_scoped3A : memref<!tpu.dma_semaphore, #tpu.memory_space<semaphore_mem>>) src(%dma_wait3A_74 : memref<128x128xf32, #tpu.memory_space<vmem_shared>>) dst(%arg7 : memref<128x128xf32, #tpu.memory_space<vmem>>)
      tpu.yield
    }) : () -> ()
    %mul3A_44 = arith.constant 10240 : i32
    %mul3A_45 = arith.muli %arg0, %mul3A_44 : i32
    %add3A_46 = arith.addi %mul3A_45, %add3A_43 : i32
    "tpu.region"() ({
      %run_scoped3A = tpu.sem_alloc : memref<!tpu.dma_semaphore, #tpu.memory_space<semaphore_mem>>
      %dma_start3A_68 = arith.constant 0 : i32
      %dma_start3A_69 = tpu.memref_slice %arg6[%add3A_46, %dma_start3A_68] : memref<20480x128xf32, #tpu.memory_space<hbm>> -> memref<128x128xf32, #tpu.memory_space<hbm>>
      %dma_start3A_70 = arith.constant 0 : i32
      %dma_start3A_71 = tpu.memref_slice %arg6[%add3A_46, %dma_start3A_70] : memref<20480x128xf32, #tpu.memory_space<hbm>> -> memref<128x128xf32, #tpu.memory_space<hbm>>
      tpu.enqueue_dma source(%arg7 : memref<128x128xf32, #tpu.memory_space<vmem>>) target(%dma_start3A_71 : memref<128x128xf32, #tpu.memory_space<hbm>>) target_semaphore(%run_scoped3A : memref<!tpu.dma_semaphore, #tpu.memory_space<semaphore_mem>>)
      %dma_wait3A = arith.constant 0 : i32
      %dma_wait3A_72 = tpu.memref_slice %arg6[%add3A_46, %dma_wait3A] : memref<20480x128xf32, #tpu.memory_space<hbm>> -> memref<128x128xf32, #tpu.memory_space<hbm>>
      %dma_wait3A_73 = arith.constant 0 : i32
      %dma_wait3A_74 = tpu.memref_slice %arg6[%add3A_46, %dma_wait3A_73] : memref<20480x128xf32, #tpu.memory_space<hbm>> -> memref<128x128xf32, #tpu.memory_space<hbm>>
      tpu.wait_dma2 semaphore(%run_scoped3A : memref<!tpu.dma_semaphore, #tpu.memory_space<semaphore_mem>>) src(%arg7 : memref<128x128xf32, #tpu.memory_space<vmem>>) dst(%dma_wait3A_74 : memref<128x128xf32, #tpu.memory_space<hbm>>)
      tpu.yield
    }) : () -> ()
    %mul3A_47 = arith.constant 640 : i32
    %mul3A_48 = arith.muli %arg1, %mul3A_47 : i32
    %add3A_49 = arith.constant 256 : i32
    %add3A_50 = arith.addi %mul3A_48, %add3A_49 : i32
    "tpu.region"() ({
      %run_scoped3A = tpu.sem_alloc : memref<!tpu.dma_semaphore, #tpu.memory_space<semaphore_mem>>
      %dma_start3A_68 = arith.constant 0 : i32
      %dma_start3A_69 = tpu.memref_slice %arg9[%add3A_50, %dma_start3A_68] : memref<10240x128xf32, #tpu.memory_space<vmem_shared>> -> memref<128x128xf32, #tpu.memory_space<vmem_shared>>
      %dma_start3A_70 = arith.constant 0 : i32
      %dma_start3A_71 = tpu.memref_slice %arg9[%add3A_50, %dma_start3A_70] : memref<10240x128xf32, #tpu.memory_space<vmem_shared>> -> memref<128x128xf32, #tpu.memory_space<vmem_shared>>
      tpu.enqueue_dma source(%dma_start3A_71 : memref<128x128xf32, #tpu.memory_space<vmem_shared>>) target(%arg7 : memref<128x128xf32, #tpu.memory_space<vmem>>) target_semaphore(%run_scoped3A : memref<!tpu.dma_semaphore, #tpu.memory_space<semaphore_mem>>)
      %dma_wait3A = arith.constant 0 : i32
      %dma_wait3A_72 = tpu.memref_slice %arg9[%add3A_50, %dma_wait3A] : memref<10240x128xf32, #tpu.memory_space<vmem_shared>> -> memref<128x128xf32, #tpu.memory_space<vmem_shared>>
      %dma_wait3A_73 = arith.constant 0 : i32
      %dma_wait3A_74 = tpu.memref_slice %arg9[%add3A_50, %dma_wait3A_73] : memref<10240x128xf32, #tpu.memory_space<vmem_shared>> -> memref<128x128xf32, #tpu.memory_space<vmem_shared>>
      tpu.wait_dma2 semaphore(%run_scoped3A : memref<!tpu.dma_semaphore, #tpu.memory_space<semaphore_mem>>) src(%dma_wait3A_74 : memref<128x128xf32, #tpu.memory_space<vmem_shared>>) dst(%arg7 : memref<128x128xf32, #tpu.memory_space<vmem>>)
      tpu.yield
    }) : () -> ()
    %mul3A_51 = arith.constant 10240 : i32
    %mul3A_52 = arith.muli %arg0, %mul3A_51 : i32
    %add3A_53 = arith.addi %mul3A_52, %add3A_50 : i32
    "tpu.region"() ({
      %run_scoped3A = tpu.sem_alloc : memref<!tpu.dma_semaphore, #tpu.memory_space<semaphore_mem>>
      %dma_start3A_68 = arith.constant 0 : i32
      %dma_start3A_69 = tpu.memref_slice %arg6[%add3A_53, %dma_start3A_68] : memref<20480x128xf32, #tpu.memory_space<hbm>> -> memref<128x128xf32, #tpu.memory_space<hbm>>
      %dma_start3A_70 = arith.constant 0 : i32
      %dma_start3A_71 = tpu.memref_slice %arg6[%add3A_53, %dma_start3A_70] : memref<20480x128xf32, #tpu.memory_space<hbm>> -> memref<128x128xf32, #tpu.memory_space<hbm>>
      tpu.enqueue_dma source(%arg7 : memref<128x128xf32, #tpu.memory_space<vmem>>) target(%dma_start3A_71 : memref<128x128xf32, #tpu.memory_space<hbm>>) target_semaphore(%run_scoped3A : memref<!tpu.dma_semaphore, #tpu.memory_space<semaphore_mem>>)
      %dma_wait3A = arith.constant 0 : i32
      %dma_wait3A_72 = tpu.memref_slice %arg6[%add3A_53, %dma_wait3A] : memref<20480x128xf32, #tpu.memory_space<hbm>> -> memref<128x128xf32, #tpu.memory_space<hbm>>
      %dma_wait3A_73 = arith.constant 0 : i32
      %dma_wait3A_74 = tpu.memref_slice %arg6[%add3A_53, %dma_wait3A_73] : memref<20480x128xf32, #tpu.memory_space<hbm>> -> memref<128x128xf32, #tpu.memory_space<hbm>>
      tpu.wait_dma2 semaphore(%run_scoped3A : memref<!tpu.dma_semaphore, #tpu.memory_space<semaphore_mem>>) src(%arg7 : memref<128x128xf32, #tpu.memory_space<vmem>>) dst(%dma_wait3A_74 : memref<128x128xf32, #tpu.memory_space<hbm>>)
      tpu.yield
    }) : () -> ()
    %mul3A_54 = arith.constant 640 : i32
    %mul3A_55 = arith.muli %arg1, %mul3A_54 : i32
    %add3A_56 = arith.constant 384 : i32
    %add3A_57 = arith.addi %mul3A_55, %add3A_56 : i32
    "tpu.region"() ({
      %run_scoped3A = tpu.sem_alloc : memref<!tpu.dma_semaphore, #tpu.memory_space<semaphore_mem>>
      %dma_start3A_68 = arith.constant 0 : i32
      %dma_start3A_69 = tpu.memref_slice %arg9[%add3A_57, %dma_start3A_68] : memref<10240x128xf32, #tpu.memory_space<vmem_shared>> -> memref<128x128xf32, #tpu.memory_space<vmem_shared>>
      %dma_start3A_70 = arith.constant 0 : i32
      %dma_start3A_71 = tpu.memref_slice %arg9[%add3A_57, %dma_start3A_70] : memref<10240x128xf32, #tpu.memory_space<vmem_shared>> -> memref<128x128xf32, #tpu.memory_space<vmem_shared>>
      tpu.enqueue_dma source(%dma_start3A_71 : memref<128x128xf32, #tpu.memory_space<vmem_shared>>) target(%arg7 : memref<128x128xf32, #tpu.memory_space<vmem>>) target_semaphore(%run_scoped3A : memref<!tpu.dma_semaphore, #tpu.memory_space<semaphore_mem>>)
      %dma_wait3A = arith.constant 0 : i32
      %dma_wait3A_72 = tpu.memref_slice %arg9[%add3A_57, %dma_wait3A] : memref<10240x128xf32, #tpu.memory_space<vmem_shared>> -> memref<128x128xf32, #tpu.memory_space<vmem_shared>>
      %dma_wait3A_73 = arith.constant 0 : i32
      %dma_wait3A_74 = tpu.memref_slice %arg9[%add3A_57, %dma_wait3A_73] : memref<10240x128xf32, #tpu.memory_space<vmem_shared>> -> memref<128x128xf32, #tpu.memory_space<vmem_shared>>
      tpu.wait_dma2 semaphore(%run_scoped3A : memref<!tpu.dma_semaphore, #tpu.memory_space<semaphore_mem>>) src(%dma_wait3A_74 : memref<128x128xf32, #tpu.memory_space<vmem_shared>>) dst(%arg7 : memref<128x128xf32, #tpu.memory_space<vmem>>)
      tpu.yield
    }) : () -> ()
    %mul3A_58 = arith.constant 10240 : i32
    %mul3A_59 = arith.muli %arg0, %mul3A_58 : i32
    %add3A_60 = arith.addi %mul3A_59, %add3A_57 : i32
    "tpu.region"() ({
      %run_scoped3A = tpu.sem_alloc : memref<!tpu.dma_semaphore, #tpu.memory_space<semaphore_mem>>
      %dma_start3A_68 = arith.constant 0 : i32
      %dma_start3A_69 = tpu.memref_slice %arg6[%add3A_60, %dma_start3A_68] : memref<20480x128xf32, #tpu.memory_space<hbm>> -> memref<128x128xf32, #tpu.memory_space<hbm>>
      %dma_start3A_70 = arith.constant 0 : i32
      %dma_start3A_71 = tpu.memref_slice %arg6[%add3A_60, %dma_start3A_70] : memref<20480x128xf32, #tpu.memory_space<hbm>> -> memref<128x128xf32, #tpu.memory_space<hbm>>
      tpu.enqueue_dma source(%arg7 : memref<128x128xf32, #tpu.memory_space<vmem>>) target(%dma_start3A_71 : memref<128x128xf32, #tpu.memory_space<hbm>>) target_semaphore(%run_scoped3A : memref<!tpu.dma_semaphore, #tpu.memory_space<semaphore_mem>>)
      %dma_wait3A = arith.constant 0 : i32
      %dma_wait3A_72 = tpu.memref_slice %arg6[%add3A_60, %dma_wait3A] : memref<20480x128xf32, #tpu.memory_space<hbm>> -> memref<128x128xf32, #tpu.memory_space<hbm>>
      %dma_wait3A_73 = arith.constant 0 : i32
      %dma_wait3A_74 = tpu.memref_slice %arg6[%add3A_60, %dma_wait3A_73] : memref<20480x128xf32, #tpu.memory_space<hbm>> -> memref<128x128xf32, #tpu.memory_space<hbm>>
      tpu.wait_dma2 semaphore(%run_scoped3A : memref<!tpu.dma_semaphore, #tpu.memory_space<semaphore_mem>>) src(%arg7 : memref<128x128xf32, #tpu.memory_space<vmem>>) dst(%dma_wait3A_74 : memref<128x128xf32, #tpu.memory_space<hbm>>)
      tpu.yield
    }) : () -> ()
    %mul3A_61 = arith.constant 640 : i32
    %mul3A_62 = arith.muli %arg1, %mul3A_61 : i32
    %add3A_63 = arith.constant 512 : i32
    %add3A_64 = arith.addi %mul3A_62, %add3A_63 : i32
    "tpu.region"() ({
      %run_scoped3A = tpu.sem_alloc : memref<!tpu.dma_semaphore, #tpu.memory_space<semaphore_mem>>
      %dma_start3A_68 = arith.constant 0 : i32
      %dma_start3A_69 = tpu.memref_slice %arg9[%add3A_64, %dma_start3A_68] : memref<10240x128xf32, #tpu.memory_space<vmem_shared>> -> memref<128x128xf32, #tpu.memory_space<vmem_shared>>
      %dma_start3A_70 = arith.constant 0 : i32
      %dma_start3A_71 = tpu.memref_slice %arg9[%add3A_64, %dma_start3A_70] : memref<10240x128xf32, #tpu.memory_space<vmem_shared>> -> memref<128x128xf32, #tpu.memory_space<vmem_shared>>
      tpu.enqueue_dma source(%dma_start3A_71 : memref<128x128xf32, #tpu.memory_space<vmem_shared>>) target(%arg7 : memref<128x128xf32, #tpu.memory_space<vmem>>) target_semaphore(%run_scoped3A : memref<!tpu.dma_semaphore, #tpu.memory_space<semaphore_mem>>)
      %dma_wait3A = arith.constant 0 : i32
      %dma_wait3A_72 = tpu.memref_slice %arg9[%add3A_64, %dma_wait3A] : memref<10240x128xf32, #tpu.memory_space<vmem_shared>> -> memref<128x128xf32, #tpu.memory_space<vmem_shared>>
      %dma_wait3A_73 = arith.constant 0 : i32
      %dma_wait3A_74 = tpu.memref_slice %arg9[%add3A_64, %dma_wait3A_73] : memref<10240x128xf32, #tpu.memory_space<vmem_shared>> -> memref<128x128xf32, #tpu.memory_space<vmem_shared>>
      tpu.wait_dma2 semaphore(%run_scoped3A : memref<!tpu.dma_semaphore, #tpu.memory_space<semaphore_mem>>) src(%dma_wait3A_74 : memref<128x128xf32, #tpu.memory_space<vmem_shared>>) dst(%arg7 : memref<128x128xf32, #tpu.memory_space<vmem>>)
      tpu.yield
    }) : () -> ()
    %mul3A_65 = arith.constant 10240 : i32
    %mul3A_66 = arith.muli %arg0, %mul3A_65 : i32
    %add3A_67 = arith.addi %mul3A_66, %add3A_64 : i32
    "tpu.region"() ({
      %run_scoped3A = tpu.sem_alloc : memref<!tpu.dma_semaphore, #tpu.memory_space<semaphore_mem>>
      %dma_start3A_68 = arith.constant 0 : i32
      %dma_start3A_69 = tpu.memref_slice %arg6[%add3A_67, %dma_start3A_68] : memref<20480x128xf32, #tpu.memory_space<hbm>> -> memref<128x128xf32, #tpu.memory_space<hbm>>
      %dma_start3A_70 = arith.constant 0 : i32
      %dma_start3A_71 = tpu.memref_slice %arg6[%add3A_67, %dma_start3A_70] : memref<20480x128xf32, #tpu.memory_space<hbm>> -> memref<128x128xf32, #tpu.memory_space<hbm>>
      tpu.enqueue_dma source(%arg7 : memref<128x128xf32, #tpu.memory_space<vmem>>) target(%dma_start3A_71 : memref<128x128xf32, #tpu.memory_space<hbm>>) target_semaphore(%run_scoped3A : memref<!tpu.dma_semaphore, #tpu.memory_space<semaphore_mem>>)
      %dma_wait3A = arith.constant 0 : i32
      %dma_wait3A_72 = tpu.memref_slice %arg6[%add3A_67, %dma_wait3A] : memref<20480x128xf32, #tpu.memory_space<hbm>> -> memref<128x128xf32, #tpu.memory_space<hbm>>
      %dma_wait3A_73 = arith.constant 0 : i32
      %dma_wait3A_74 = tpu.memref_slice %arg6[%add3A_67, %dma_wait3A_73] : memref<20480x128xf32, #tpu.memory_space<hbm>> -> memref<128x128xf32, #tpu.memory_space<hbm>>
      tpu.wait_dma2 semaphore(%run_scoped3A : memref<!tpu.dma_semaphore, #tpu.memory_space<semaphore_mem>>) src(%arg7 : memref<128x128xf32, #tpu.memory_space<vmem>>) dst(%dma_wait3A_74 : memref<128x128xf32, #tpu.memory_space<hbm>>)
      tpu.yield
    }) : () -> ()
    return
  }
}

module attributes {stable_mosaic.version = 14 : i64} {
  func.func @body(%arg0: i32, %arg1: memref<2x1000x128xf32, #tpu.memory_space<vmem>>, %arg2: memref<2x1000x128xf32, #tpu.memory_space<vmem>>, %arg3: memref<1000x128xf32, #tpu.memory_space<vmem>>, %arg4: memref<128x128xf32, #tpu.memory_space<vmem>>, %arg5: memref<1x128xf32, #tpu.memory_space<vmem>>, %arg6: memref<128x128xf32, #tpu.memory_space<vmem>>, %arg7: memref<1000x128xf32, #tpu.memory_space<vmem>>) attributes {dimension_semantics = [#tpu.dimension_semantics<arbitrary>], iteration_bounds = array<i64: 10>, scalar_prefetch = 0 : i64, scratch_operands = 0 : i64, tpu.core_type = #tpu.core_type<tc>, window_params = [{transform_indices = @transform_0, window_bounds = array<i64: 2, 1000, 128>}, {transform_indices = @transform_1, window_bounds = array<i64: 2, 1000, 128>}, {transform_indices = @transform_2, window_bounds = array<i64: 1000, 128>}, {pipeline_mode = #tpu.pipeline_mode<synchronous>, transform_indices = @transform_3, window_bounds = array<i64: 128, 128>}, {pipeline_mode = #tpu.pipeline_mode<synchronous>, transform_indices = @transform_4, window_bounds = array<i64: 1, 128>}, {pipeline_mode = #tpu.pipeline_mode<synchronous>, transform_indices = @transform_5, window_bounds = array<i64: 128, 128>}, {transform_indices = @transform_6, window_bounds = array<i64: 1000, 128>}]} {
    %get3A = arith.constant 0 : index
    %get3A_0 = arith.constant 0 : index
    %get3A_1 = arith.constant 0 : index
    %get3A_2 = vector.load %arg1[%get3A, %get3A_0, %get3A_1] : memref<2x1000x128xf32, #tpu.memory_space<vmem>>, vector<1x1000x128xf32>
    %get3A_3 = vector.shape_cast %get3A_2 : vector<1x1000x128xf32> to vector<1000x128xf32>
    %get3A_4 = arith.constant 1 : index
    %get3A_5 = arith.constant 0 : index
    %get3A_6 = arith.constant 0 : index
    %get3A_7 = vector.load %arg1[%get3A_4, %get3A_5, %get3A_6] : memref<2x1000x128xf32, #tpu.memory_space<vmem>>, vector<1x1000x128xf32>
    %get3A_8 = vector.shape_cast %get3A_7 : vector<1x1000x128xf32> to vector<1000x128xf32>
    %add3A = arith.addf %get3A_3, %get3A_8 : vector<1000x128xf32>
    %get3A_9 = arith.constant 0 : index
    %get3A_10 = arith.constant 0 : index
    %get3A_11 = arith.constant 0 : index
    %get3A_12 = vector.load %arg2[%get3A_9, %get3A_10, %get3A_11] : memref<2x1000x128xf32, #tpu.memory_space<vmem>>, vector<1x1000x1xf32>
    %get3A_13 = vector.shape_cast %get3A_12 : vector<1x1000x1xf32> to vector<1000x1xf32>
    %get3A_14 = arith.constant 1 : index
    %get3A_15 = arith.constant 0 : index
    %get3A_16 = arith.constant 0 : index
    %get3A_17 = vector.load %arg2[%get3A_14, %get3A_15, %get3A_16] : memref<2x1000x128xf32, #tpu.memory_space<vmem>>, vector<1x1000x1xf32>
    %get3A_18 = vector.shape_cast %get3A_17 : vector<1x1000x1xf32> to vector<1000x1xf32>
    %add3A_19 = arith.addf %get3A_13, %get3A_18 : vector<1000x1xf32>
    %max3A = arith.constant 1.000000e+00 : f32
    %max3A_20 = vector.broadcast %max3A : f32 to vector<1000x1xf32>
    %max3A_21 = arith.maximumf %add3A_19, %max3A_20 : vector<1000x1xf32>
    %div3A = vector.broadcast %max3A_21 : vector<1000x1xf32> to vector<1000x128xf32>
    %div3A_22 = arith.divf %add3A, %div3A : vector<1000x128xf32>
    %get3A_23 = arith.constant 0 : index
    %get3A_24 = arith.constant 0 : index
    %get3A_25 = vector.load %arg4[%get3A_23, %get3A_24] : memref<128x128xf32, #tpu.memory_space<vmem>>, vector<128x128xf32>
    %dot_general3A = arith.constant dense<0.000000e+00> : vector<1000x128xf32>
    %dot_general3A_26 = tpu.matmul %div3A_22, %get3A_25, %dot_general3A {dimension_numbers = #tpu.dot_dimension_numbers<[1], [1], [0], [0], [0, 0, 1, 0], [], []>, precision = #tpu.contract_precision<fp32>, transpose_lhs_hint = false} : vector<1000x128xf32>, vector<128x128xf32>, vector<1000x128xf32> -> vector<1000x128xf32>
    %get3A_27 = arith.constant 0 : index
    %get3A_28 = arith.constant 0 : index
    %get3A_29 = vector.load %arg3[%get3A_27, %get3A_28] : memref<1000x128xf32, #tpu.memory_space<vmem>>, vector<1000x128xf32>
    %get3A_30 = arith.constant 0 : index
    %get3A_31 = arith.constant 0 : index
    %get3A_32 = vector.load %arg6[%get3A_30, %get3A_31] : memref<128x128xf32, #tpu.memory_space<vmem>>, vector<128x128xf32>
    %dot_general3A_33 = arith.constant dense<0.000000e+00> : vector<1000x128xf32>
    %dot_general3A_34 = tpu.matmul %get3A_29, %get3A_32, %dot_general3A_33 {dimension_numbers = #tpu.dot_dimension_numbers<[1], [1], [0], [0], [0, 0, 1, 0], [], []>, precision = #tpu.contract_precision<fp32>, transpose_lhs_hint = false} : vector<1000x128xf32>, vector<128x128xf32>, vector<1000x128xf32> -> vector<1000x128xf32>
    %add3A_35 = arith.addf %dot_general3A_26, %dot_general3A_34 : vector<1000x128xf32>
    %get3A_36 = arith.constant 0 : index
    %get3A_37 = arith.constant 0 : index
    %get3A_38 = vector.load %arg5[%get3A_36, %get3A_37] : memref<1x128xf32, #tpu.memory_space<vmem>>, vector<1x128xf32>
    %add3A_39 = vector.broadcast %get3A_38 : vector<1x128xf32> to vector<1000x128xf32>
    %add3A_40 = arith.addf %add3A_35, %add3A_39 : vector<1000x128xf32>
    %ge3A = arith.constant 0.000000e+00 : f32
    %ge3A_41 = vector.broadcast %ge3A : f32 to vector<1000x128xf32>
    %ge3A_42 = arith.cmpf oge, %add3A_40, %ge3A_41 : vector<1000x128xf32>
    %mul3A = arith.constant 0.00999999977 : f32
    %mul3A_43 = vector.broadcast %mul3A : f32 to vector<1000x128xf32>
    %mul3A_44 = arith.mulf %mul3A_43, %add3A_40 : vector<1000x128xf32>
    %select_n3A = arith.select %ge3A_42, %add3A_40, %mul3A_44 : vector<1000x128xi1>, vector<1000x128xf32>
    %swap3A = arith.constant 0 : index
    %swap3A_45 = arith.constant 0 : index
    %swap3A_46 = vector.load %arg7[%swap3A, %swap3A_45] : memref<1000x128xf32, #tpu.memory_space<vmem>>, vector<1000x128xf32>
    tpu.vector_store %arg7[%swap3A, %swap3A_45], %select_n3A {strides = array<i32>} : memref<1000x128xf32, #tpu.memory_space<vmem>>, vector<1000x128xf32>,
    return
  }
  func.func @transform_0(%arg0: i32) -> (i32, i32, i32) {
    %c0_i32 = arith.constant 0 : i32
    %c0_i32_0 = arith.constant 0 : i32
    %c0_i32_1 = arith.constant 0 : i32
    return %c0_i32, %arg0, %c0_i32_0 : i32, i32, i32
  }
  func.func @transform_1(%arg0: i32) -> (i32, i32, i32) {
    %c0_i32 = arith.constant 0 : i32
    %c0_i32_0 = arith.constant 0 : i32
    %c0_i32_1 = arith.constant 0 : i32
    return %c0_i32, %arg0, %c0_i32_0 : i32, i32, i32
  }
  func.func @transform_2(%arg0: i32) -> (i32, i32) {
    %c0_i32 = arith.constant 0 : i32
    %c0_i32_0 = arith.constant 0 : i32
    return %arg0, %c0_i32 : i32, i32
  }
  func.func @transform_3(%arg0: i32) -> (i32, i32) {
    %c0_i32 = arith.constant 0 : i32
    %c0_i32_0 = arith.constant 0 : i32
    %c0_i32_1 = arith.constant 0 : i32
    return %c0_i32, %c0_i32_0 : i32, i32
  }
  func.func @transform_4(%arg0: i32) -> (i32, i32) {
    %c0_i32 = arith.constant 0 : i32
    %c0_i32_0 = arith.constant 0 : i32
    %c0_i32_1 = arith.constant 0 : i32
    return %c0_i32, %c0_i32_0 : i32, i32
  }
  func.func @transform_5(%arg0: i32) -> (i32, i32) {
    %c0_i32 = arith.constant 0 : i32
    %c0_i32_0 = arith.constant 0 : i32
    %c0_i32_1 = arith.constant 0 : i32
    return %c0_i32, %c0_i32_0 : i32, i32
  }
  func.func @transform_6(%arg0: i32) -> (i32, i32) {
    %c0_i32 = arith.constant 0 : i32
    %c0_i32_0 = arith.constant 0 : i32
    return %arg0, %c0_i32 : i32, i32
  }
}

module attributes {stable_mosaic.version = 14 : i64} {
  func.func @body(%arg0: i32, %arg1: memref<2x1000x128xf32, #tpu.memory_space<vmem>>, %arg2: memref<2x1000x128xf32, #tpu.memory_space<vmem>>, %arg3: memref<1000x128xf32, #tpu.memory_space<vmem>>, %arg4: memref<47x128xf32, #tpu.memory_space<vmem>>, %arg5: memref<1x47xf32, #tpu.memory_space<vmem>>, %arg6: memref<47x128xf32, #tpu.memory_space<vmem>>, %arg7: memref<1000x47xf32, #tpu.memory_space<vmem>>) attributes {dimension_semantics = [#tpu.dimension_semantics<arbitrary>], iteration_bounds = array<i64: 10>, scalar_prefetch = 0 : i64, scratch_operands = 0 : i64, tpu.core_type = #tpu.core_type<tc>, window_params = [{transform_indices = @transform_0, window_bounds = array<i64: 2, 1000, 128>}, {transform_indices = @transform_1, window_bounds = array<i64: 2, 1000, 128>}, {transform_indices = @transform_2, window_bounds = array<i64: 1000, 128>}, {pipeline_mode = #tpu.pipeline_mode<synchronous>, transform_indices = @transform_3, window_bounds = array<i64: 47, 128>}, {pipeline_mode = #tpu.pipeline_mode<synchronous>, transform_indices = @transform_4, window_bounds = array<i64: 1, 47>}, {pipeline_mode = #tpu.pipeline_mode<synchronous>, transform_indices = @transform_5, window_bounds = array<i64: 47, 128>}, {transform_indices = @transform_6, window_bounds = array<i64: 1000, 47>}]} {
    %get3A = arith.constant 0 : index
    %get3A_0 = arith.constant 0 : index
    %get3A_1 = arith.constant 0 : index
    %get3A_2 = vector.load %arg1[%get3A, %get3A_0, %get3A_1] : memref<2x1000x128xf32, #tpu.memory_space<vmem>>, vector<1x1000x128xf32>
    %get3A_3 = vector.shape_cast %get3A_2 : vector<1x1000x128xf32> to vector<1000x128xf32>
    %get3A_4 = arith.constant 1 : index
    %get3A_5 = arith.constant 0 : index
    %get3A_6 = arith.constant 0 : index
    %get3A_7 = vector.load %arg1[%get3A_4, %get3A_5, %get3A_6] : memref<2x1000x128xf32, #tpu.memory_space<vmem>>, vector<1x1000x128xf32>
    %get3A_8 = vector.shape_cast %get3A_7 : vector<1x1000x128xf32> to vector<1000x128xf32>
    %add3A = arith.addf %get3A_3, %get3A_8 : vector<1000x128xf32>
    %get3A_9 = arith.constant 0 : index
    %get3A_10 = arith.constant 0 : index
    %get3A_11 = arith.constant 0 : index
    %get3A_12 = vector.load %arg2[%get3A_9, %get3A_10, %get3A_11] : memref<2x1000x128xf32, #tpu.memory_space<vmem>>, vector<1x1000x1xf32>
    %get3A_13 = vector.shape_cast %get3A_12 : vector<1x1000x1xf32> to vector<1000x1xf32>
    %get3A_14 = arith.constant 1 : index
    %get3A_15 = arith.constant 0 : index
    %get3A_16 = arith.constant 0 : index
    %get3A_17 = vector.load %arg2[%get3A_14, %get3A_15, %get3A_16] : memref<2x1000x128xf32, #tpu.memory_space<vmem>>, vector<1x1000x1xf32>
    %get3A_18 = vector.shape_cast %get3A_17 : vector<1x1000x1xf32> to vector<1000x1xf32>
    %add3A_19 = arith.addf %get3A_13, %get3A_18 : vector<1000x1xf32>
    %max3A = arith.constant 1.000000e+00 : f32
    %max3A_20 = vector.broadcast %max3A : f32 to vector<1000x1xf32>
    %max3A_21 = arith.maximumf %add3A_19, %max3A_20 : vector<1000x1xf32>
    %div3A = vector.broadcast %max3A_21 : vector<1000x1xf32> to vector<1000x128xf32>
    %div3A_22 = arith.divf %add3A, %div3A : vector<1000x128xf32>
    %get3A_23 = arith.constant 0 : index
    %get3A_24 = arith.constant 0 : index
    %get3A_25 = vector.load %arg4[%get3A_23, %get3A_24] : memref<47x128xf32, #tpu.memory_space<vmem>>, vector<47x128xf32>
    %dot_general3A = arith.constant dense<0.000000e+00> : vector<1000x47xf32>
    %dot_general3A_26 = tpu.matmul %div3A_22, %get3A_25, %dot_general3A {dimension_numbers = #tpu.dot_dimension_numbers<[1], [1], [0], [0], [0, 0, 1, 0], [], []>, precision = #tpu.contract_precision<fp32>, transpose_lhs_hint = false} : vector<1000x128xf32>, vector<47x128xf32>, vector<1000x47xf32> -> vector<1000x47xf32>
    %get3A_27 = arith.constant 0 : index
    %get3A_28 = arith.constant 0 : index
    %get3A_29 = vector.load %arg3[%get3A_27, %get3A_28] : memref<1000x128xf32, #tpu.memory_space<vmem>>, vector<1000x128xf32>
    %get3A_30 = arith.constant 0 : index
    %get3A_31 = arith.constant 0 : index
    %get3A_32 = vector.load %arg6[%get3A_30, %get3A_31] : memref<47x128xf32, #tpu.memory_space<vmem>>, vector<47x128xf32>
    %dot_general3A_33 = arith.constant dense<0.000000e+00> : vector<1000x47xf32>
    %dot_general3A_34 = tpu.matmul %get3A_29, %get3A_32, %dot_general3A_33 {dimension_numbers = #tpu.dot_dimension_numbers<[1], [1], [0], [0], [0, 0, 1, 0], [], []>, precision = #tpu.contract_precision<fp32>, transpose_lhs_hint = false} : vector<1000x128xf32>, vector<47x128xf32>, vector<1000x47xf32> -> vector<1000x47xf32>
    %add3A_35 = arith.addf %dot_general3A_26, %dot_general3A_34 : vector<1000x47xf32>
    %get3A_36 = arith.constant 0 : index
    %get3A_37 = arith.constant 0 : index
    %get3A_38 = vector.load %arg5[%get3A_36, %get3A_37] : memref<1x47xf32, #tpu.memory_space<vmem>>, vector<1x47xf32>
    %add3A_39 = vector.broadcast %get3A_38 : vector<1x47xf32> to vector<1000x47xf32>
    %add3A_40 = arith.addf %add3A_35, %add3A_39 : vector<1000x47xf32>
    %reduce_max3A = arith.constant dense<0xFF800000> : vector<1000xf32>
    %reduce_max3A_41 = vector.multi_reduction <maximumf>, %add3A_40, %reduce_max3A [1] : vector<1000x47xf32> to vector<1000xf32>
    %broadcast_in_dim3A = vector.shape_cast %reduce_max3A_41 : vector<1000xf32> to vector<1000x1xf32>
    %sub3A = vector.broadcast %broadcast_in_dim3A : vector<1000x1xf32> to vector<1000x47xf32>
    %sub3A_42 = arith.subf %add3A_40, %sub3A : vector<1000x47xf32>
    %exp3A = math.exp %sub3A_42 : vector<1000x47xf32>
    %reduce_sum3A = arith.constant dense<0.000000e+00> : vector<1000xf32>
    %reduce_sum3A_43 = vector.multi_reduction <add>, %exp3A, %reduce_sum3A [1] : vector<1000x47xf32> to vector<1000xf32>
    %broadcast_in_dim3A_44 = vector.shape_cast %reduce_sum3A_43 : vector<1000xf32> to vector<1000x1xf32>
    %log3A = math.log %broadcast_in_dim3A_44 : vector<1000x1xf32>
    %sub3A_45 = vector.broadcast %log3A : vector<1000x1xf32> to vector<1000x47xf32>
    %sub3A_46 = arith.subf %sub3A_42, %sub3A_45 : vector<1000x47xf32>
    %swap3A = arith.constant 0 : index
    %swap3A_47 = arith.constant 0 : index
    %swap3A_48 = vector.load %arg7[%swap3A, %swap3A_47] : memref<1000x47xf32, #tpu.memory_space<vmem>>, vector<1000x47xf32>
    tpu.vector_store %arg7[%swap3A, %swap3A_47], %sub3A_46 {strides = array<i32>} : memref<1000x47xf32, #tpu.memory_space<vmem>>, vector<1000x47xf32>,
    return
  }
  func.func @transform_0(%arg0: i32) -> (i32, i32, i32) {
    %c0_i32 = arith.constant 0 : i32
    %c0_i32_0 = arith.constant 0 : i32
    %c0_i32_1 = arith.constant 0 : i32
    return %c0_i32, %arg0, %c0_i32_0 : i32, i32, i32
  }
  func.func @transform_1(%arg0: i32) -> (i32, i32, i32) {
    %c0_i32 = arith.constant 0 : i32
    %c0_i32_0 = arith.constant 0 : i32
    %c0_i32_1 = arith.constant 0 : i32
    return %c0_i32, %arg0, %c0_i32_0 : i32, i32, i32
  }
  func.func @transform_2(%arg0: i32) -> (i32, i32) {
    %c0_i32 = arith.constant 0 : i32
    %c0_i32_0 = arith.constant 0 : i32
    return %arg0, %c0_i32 : i32, i32
  }
  func.func @transform_3(%arg0: i32) -> (i32, i32) {
    %c0_i32 = arith.constant 0 : i32
    %c0_i32_0 = arith.constant 0 : i32
    %c0_i32_1 = arith.constant 0 : i32
    return %c0_i32, %c0_i32_0 : i32, i32
  }
  func.func @transform_4(%arg0: i32) -> (i32, i32) {
    %c0_i32 = arith.constant 0 : i32
    %c0_i32_0 = arith.constant 0 : i32
    %c0_i32_1 = arith.constant 0 : i32
    return %c0_i32, %c0_i32_0 : i32, i32
  }
  func.func @transform_5(%arg0: i32) -> (i32, i32) {
    %c0_i32 = arith.constant 0 : i32
    %c0_i32_0 = arith.constant 0 : i32
    %c0_i32_1 = arith.constant 0 : i32
    return %c0_i32, %c0_i32_0 : i32, i32
  }
  func.func @transform_6(%arg0: i32) -> (i32, i32) {
    %c0_i32 = arith.constant 0 : i32
    %c0_i32_0 = arith.constant 0 : i32
    return %arg0, %c0_i32 : i32, i32
  }
}

</mosaic_0001>

<sc_bundles>
// kernel: kernel.10.cloned.1.call-start
scs
__scs_entry_jumppad:
0x0: {  	(pc) =	sbr.rel $0x88, $3  }
0x1: {  	(tag) =	ssettag $0x0;
	lr =	simm.s32 $0x1  }
0x2: {  	[smem:$0x3F99] =	sst lr;
	_ =	strace $0xD0000000  }
0x3: {  	_ = 	snop  }
0x4: {  	_ = 	snop  }
0x5: {  	_ = 	snop  }
0x6: {  	_ = 	snop  }
0x7: {  	_ = 	snop  }
__scs_overlays_trampoline_lowered:
0x8: {  	[smem:$0x3FA8] =	sst s0  }
0x9: {  	[smem:$0x3FA9] =	sst s1  }
0xa: {  	[smem:$0x3FAA] =	sst s2  }
0xb: {  	[smem:$0x3FAB] =	sst s3  }
0xc: {  	[smem:$0x3FAC] =	sst s4  }
0xd: {  	[smem:$0x3FAD] =	sst s5  }
0xe: {  	[smem:$0x3FAE] =	sst s6  }
0xf: {  	[smem:$0x3FAF] =	sst s7  }
0x10: {  	[smem:$0x3FB0] =	sst s8  }
0x11: {  	[smem:$0x3FB1] =	sst s9;
	s0 =	simm.s32 @!p0 $0x0  }
0x12: {  	s1 =	sld [smem:$0x3F97];
	s0 =	simm.s32 @p0 $0x1  }
0x13: {  	[smem:$0x3FB2] =	sst s0;
	s0 =	simm.s32 @!p1 $0x0  }
0x14: {  	s2 =	sld [smem:$0x3F96];
	s0 =	simm.s32 @p1 $0x1  }
0x15: {  	[smem:$0x3FB3] =	sst s0;
	s0 =	simm.s32 @!p2 $0x0  }
0x16: {  	s3 =	sld [smem:$0x3FDB];
	s0 =	simm.s32 @p2 $0x1  }
0x17: {  	s4 =	simm.s32 $0x1BF5;
	[smem:$0x3FB5] =	sst s0  }
0x18: {  	s0 =	sld [smem:$0x3F98];
	_ =	swait.ge [sflag:s4], $0x0  }
0x19: {  	s7 =	sld [smem:$0x3F99]  }
0x1a: {  	s8 =	sadd.s32 $0xFFFFE003, lr  }
0x1b: {  	s9 =	sadd.s32 $0xFFFFFEF7, lr;
	s5 =	simm.s32 $0xFFFFFFFF;
	p2 =	slt.u32 s8, $0xFFFFF086  }
0x1c: {  	p1 =	slt.u32 s9, $0xF7A;
	s5 =	simm.s32 @!p2 $0x0  }
0x1d: {  	s5 =	simm.s32 @p1 $0x1;
	p0 =	seq.s32 s7, s2  }
0x1e: {  	s7 =	smul.u32 @!p0 $0xF7A, s2;
	p2 =	seq.s32 @!p0 s5, $0x0  }
0x1f: {  	s9 =	smul.u32 $0xF7A, s1;
	s8 =	simm.s32 @!p0 $0x1BF5;
	p2 =	por !p2, p0  }
0x20: {  	[sflag:s8] =	ssyncset.s32 @!p0 $0xFFFFF086;
	s6 =	sadd.s32 @!p0 s3, s7;
	s7 =	simm.s32 @!p0 $0x108  }
0x21: {  	s3 =	sadd.s32 s3, s9;
	s6 =	sadd.s32 @!p0 $0x88, s6;
	s7 =	simm.s32 @p2 $0x1082  }
0x22: {  	[simem:s7], [sflag:s8] =	dma.local @!p0 [hbm:s6], $0xF7A  }
0x23: {  	s9 =	sor.u32 $0xD0000000, s2;
	s6 =	simm.s32 $0x108;
	_ =	swait.ge @!p0 [sflag:s8], $0x0  }
0x24: {  	s3 =	sadd.s32 $0x88, s3;
	s6 =	simm.s32 @!p1 $0x1082;
	[sflag:s4] =	ssyncset.s32 $0xFFFFF086  }
0x25: {  	[simem:s6], [sflag:s4] =	dma.local [hbm:s3], $0xF7A  }
0x26: {  	[smem:$0x3F99] =	sst s1;
	(tag) =	ssettag s2;
	_ =	strace s9  }
0x27: {  	s1 =	sld [smem:$0x3FA9]  }
0x28: {  	s2 =	sld [smem:$0x3FAA]  }
0x29: {  	s4 =	sld [smem:$0x3FAC]  }
0x2a: {  	p0 =	seq.s32 s5, $0x0;
	s5 =	sld [smem:$0x3FAD]  }
0x2b: {  	s6 =	sld [smem:$0x3FAE]  }
0x2c: {  	s7 =	sld [smem:$0x3FAF]  }
0x2d: {  	s3 =	simm.s32 $0x108;
	s8 =	sld [smem:$0x3FB0]  }
0x2e: {  	s3 =	simm.s32 @!p0 $0x1082;
	s9 =	sld [smem:$0x3FB1]  }
0x2f: {  	lr =	sadd.s32 s0, s3;
	s0 =	sld [smem:$0x3FA8]  }
0x30: {  	s3 =	sld [smem:$0x3FAB]  }
0x31: {  	[smem:$0x3FB4] =	sst s10  }
0x32: {  	s10 =	sld [smem:$0x3FB2];
	_ =	sdelay $0x3  }
0x33: {  	p0 =	seq.s32 s10, $0x1;
	s10 =	sld [smem:$0x3FB4];
	_ =	sdelay $0x3  }
0x34: {  	[smem:$0x3FB4] =	sst s10  }
0x35: {  	s10 =	sld [smem:$0x3FB3];
	_ =	sdelay $0x3  }
0x36: {  	p1 =	seq.s32 s10, $0x1;
	s10 =	sld [smem:$0x3FB4];
	_ =	sdelay $0x3  }
0x37: {  	[smem:$0x3FB4] =	sst s10  }
0x38: {  	s10 =	sld [smem:$0x3FB5]  }
0x39: {  	_ = 	snop;
	(pc) =	sbr.ind lr, $3  }
0x3a: {  	_ = 	snop  }
0x3b: {  	_ = 	snop  }
0x3c: {  	p2 =	seq.s32 s10, $0x1;
	s10 =	sld [smem:$0x3FB4]  }
0x3d: {  	_ =	shalt  }
0x3e: {  	_ =	shalt  }
0x3f: {  	_ =	shalt  }
0x40: {  	_ =	shalt  }
0x41: {  	_ =	shalt  }
0x42: {  	_ =	shalt  }
0x43: {  	_ =	shalt  }
0x44: {  	_ =	shalt  }
0x45: {  	_ =	shalt  }
0x46: {  	_ =	shalt  }
0x47: {  	_ =	shalt  }
0x48: {  	_ =	shalt  }
0x49: {  	_ =	shalt  }
0x4a: {  	_ =	shalt  }
0x4b: {  	_ =	shalt  }
0x4c: {  	_ =	shalt  }
0x4d: {  	_ =	shalt  }
0x4e: {  	_ =	shalt  }
0x4f: {  	_ =	shalt  }
0x50: {  	_ =	shalt  }
0x51: {  	_ =	shalt  }
0x52: {  	_ =	shalt  }
0x53: {  	_ =	shalt  }
0x54: {  	_ =	shalt  }
0x55: {  	_ =	shalt  }
0x56: {  	_ =	shalt  }
0x57: {  	_ =	shalt  }
0x58: {  	_ =	shalt  }
0x59: {  	_ =	shalt  }
0x5a: {  	_ =	shalt  }
0x5b: {  	_ =	shalt  }
0x5c: {  	_ =	shalt  }
0x5d: {  	_ =	shalt  }
0x5e: {  	_ =	shalt  }
0x5f: {  	_ =	shalt  }
0x60: {  	_ =	shalt  }
0x61: {  	_ =	shalt  }
0x62: {  	_ =	shalt  }
0x63: {  	_ =	shalt  }
0x64: {  	_ =	shalt  }
0x65: {  	_ =	shalt  }
0x66: {  	_ =	shalt  }
0x67: {  	_ =	shalt  }
0x68: {  	_ =	shalt  }
0x69: {  	_ =	shalt  }
0x6a: {  	_ =	shalt  }
0x6b: {  	_ =	shalt  }
0x6c: {  	_ =	shalt  }
0x6d: {  	_ =	shalt  }
0x6e: {  	_ =	shalt  }
0x6f: {  	_ =	shalt  }
0x70: {  	_ =	shalt  }
0x71: {  	_ =	shalt  }
0x72: {  	_ =	shalt  }
0x73: {  	_ =	shalt  }
0x74: {  	_ =	shalt  }
0x75: {  	_ =	shalt  }
0x76: {  	_ =	shalt  }
0x77: {  	_ =	shalt  }
0x78: {  	_ =	shalt  }
0x79: {  	_ =	shalt  }
0x7a: {  	_ =	shalt  }
0x7b: {  	_ =	shalt  }
0x7c: {  	_ =	shalt  }
0x7d: {  	_ =	shalt  }
0x7e: {  	_ =	shalt  }
0x7f: {  	_ =	shalt  }
0x80: {  	_ =	shalt  }
0x81: {  	_ =	shalt  }
0x82: {  	_ =	shalt  }
0x83: {  	_ =	shalt  }
0x84: {  	_ =	shalt  }
0x85: {  	_ =	shalt  }
0x86: {  	_ =	shalt  }
0x87: {  	_ =	shalt  }
.Lfunc_end0:
.L_simem_size_0:
called_computation.1_lowered:
.L_overlay_start_0:
0x88: {  	s2 =	sld [smem:$0x3FD9]  }
0x89: {  	s3 =	sld [smem:$0x3FFE];
	_ =	sdelay $0x1  }
0x8a: {  	s1 =	srdreg.scid  }
0x8b: {  	s0 =	sand.u32 $0x1, s1  }
0x8c: {  	s17 =	sshll.u32 s0, $0xA;
	s2 =	sadd.s32 s3, s2  }
0x8d: {  	s2 =	sadd.s32 s2, s17  }
0x8e: {  	[smem:$0x3FC0] =	sst s2  }
0x8f: {  	_ = 	snop  }
0x90: {  	s2 =	sld [smem:$0x3FC9]  }
0x91: {  	s18 =	sld [smem:$0x3FD0];
	(tm) =	ssettm $0x1  }
0x92: {  	s4 =	sld [smem:$0x3FFB];
	_ =	sdelay $0x3  }
0x93: {  	_ =	strace s4  }
0x94: {  	s4 =	sld [smem:$0x3FFC];
	_ =	sdelay $0x3  }
0x95: {  	_ =	strace s4  }
0x96: {  	s4 =	sld [smem:$0x3FFD];
	_ =	sdelay $0x3  }
0x97: {  	_ =	strace s4  }
0x98: {  	_ =	strace $0x8FFFFFFF  }
0x99: {  	s19 =	sld [smem:$0x3FDB];
	_ =	sdelay $0x1  }
0x9a: {  	s5 =	simm.s32 $_scs_section_size  }
0x9b: {  	s6 =	simm.s32 $_size__tile_overlayer_lowered;
	s7 =	simm.s32 $_tile_overlayer_lowered  }
0x9c: {  	s22 =	simm.s32 $0x1BFF;
	s21 =	sshll.u32 s7, $0x1;
	s4 =	sadd.s32 s5, s19  }
0x9d: {  	s8 =	simm.s32 $0x0;
	s20 =	sshll.u32 s6, $0x1;
	s6 =	sadd.s32 s21, s4  }
0x9e: {  	[timem:s8], [sflag:s22] =	dma.local [hbm:s6], s20  }
0x9f: {  	_ =	swait.ge [sflag:s22], s20  }
0xa0: {  	s5 =	ssub.s32 $0x0, s20;
	[sflag:s22] =	ssyncset.done $0x0  }
0xa1: {  	[sflag:s22] =	ssyncadd.s32 s5;
	_ =	sdelay $0x1  }
0xa2: {  	s23 =	simm.s32 $0x1B8B  }
0xa3: {  	_ =	swait.ge [sflag:s23], $0x1  }
0xa4: {  	[sflag:s23] =	ssyncset.done $0x0  }
0xa5: {  	s25 =	simm.s32 $0x1B8E;
	s24 =	sld [smem:$0x3FFE];
	[sflag:s23] =	ssyncadd.s32 $0xFFFFFFFF  }
0xa6: {  	s26 =	simm.s32 $execute0_lowered;
	[smem:$0x3FD2] =	sst s25  }
0xa7: {  	s6 =	sshll.u32 s26, $0x1;
	_ =	strace $0x80000046;
	[dreg:$0x1] =	wrdreg $0xFFFFFFFF  }
0xa8: {  	s28 =	simm.s32 $_size_execute0_lowered;
	s4 =	sadd.s32 s4, s6;
	[dreg:$0x0] =	wrdreg $0x0  }
0xa9: {  	s6 =	sshll.u32 s28, $0x1;
	[dreg:$0x2] =	wrdreg s4  }
0xaa: {  	[dreg:$0x3] =	wrdreg s6  }
0xab: {  	[dreg:$0x4] =	wrdreg $0xC0  }
0xac: {  	_ =	task [dreg:s8], $0x5FFFF  }
0xad: {  	[dreg:$0x1] =	wrdreg $0xFFFFFFFF  }
0xae: {  	[dreg:$0x0] =	wrdreg $0x60  }
0xaf: {  	[dreg:$0x2] =	wrdreg s24  }
0xb0: {  	[dreg:$0x3] =	wrdreg s18  }
0xb1: {  	[dreg:$0x4] =	wrdreg s2  }
0xb2: {  	[dreg:$0x5] =	wrdreg $0x80000  }
0xb3: {  	[dreg:$0x6] =	wrdreg $0xA  }
0xb4: {  	_ =	task.clear_ibuf [dreg:s8], $0x7FFFF;
	_ =	strace $0x90000046  }
0xb5: {  	s29 =	simm.s32 $0xA;
	_ =	strace $0x80000048  }
0xb6: {  	_ =	swait.ge [sflag:s29], $0x1  }
0xb7: {  	[sflag:s29] =	ssyncadd.s32 $0xFFFFFFFF  }
0xb8: {  	_ =	strace $0x90000048  }
0xb9: {  	_ =	sfence  }
0xba: {  	s30 =	sld [smem:$0x0];
	_ =	sdelay $0x2  }
0xbb: {  	s31 =	sshll.u32 s1, $0xD;
	s1 =	sshrl.u32 s1, $0x2  }
0xbc: {  	s3 =	sand.u32 $0x4000, s31;
	s1 =	sadd.s32 s1, s30  }
0xbd: {  	s0 =	sor.u32 s3, s0;
	s1 =	sshll.u32 s1, $0x11  }
0xbe: {  	s0 =	sor.u32 s1, s0  }
0xbf: {  	s0 =	sadd.s32 $0x8F2B, s0  }
0xc0: {  	[sflag:s0] =	ssyncadd.remote.s32 $0x1  }
0xc1: {  	_ =	sfence.sel $0xFFFF  }
0xc2: {  	[dreg:$0x0] =	wrdreg $0xFFFFFFFF;
	(pc) =	sbr.abs _section_cstart, $3  }
0xc3: {  	[dreg:$0x1] =	wrdreg $0xFFFFFFFF  }
0xc4: {  	_ =	task.clear_ibuf [dreg:s8], $0x2FFFF;
	_ =	strace $0x9FFFFFFF  }
0xc5: {  	(tm) =	ssettm $0x7FFFFFFF  }
tec
execute0_lowered:
.L_overlay_start_1:
0x0: {  	(tag) =	ssettag $0x1  }
0x1: {  	s4 =	rddreg [dreg:$0x0]  }
0x2: {  	s0 =	rddreg [dreg:$0x1]  }
0x3: {  	s1 =	rddreg [dreg:$0x2]  }
0x4: {  	s2 =	rddreg [dreg:$0x3]  }
0x5: {  	s3 =	simm.s32 $0x0;
	s17 =	srdreg.scid;
	s20 =	stileid.u32  }
0x6: {  	s28 =	simm.s32 $0x1C080;
	s29 =	simm.s32 $0x80;
	s30 =	simm.s32 $0x1C100  }
0x7: {  	s31 =	simm.s32 $0x1C180;
	[smem:$0x7FF] =	sst s3;
	s12 =	smul.u32 $0x280, s20  }
0x8: {  	s5 =	sadd.s32 $0xC200, s4;
	s11 =	sadd.s32 $0x2200, s4;
	s9 =	smul.u32 $0x50000, s20  }
0x9: {  	s7 =	sshll.u32 s20, $0x1;
	s4 =	sadd.s32 $0xCA00, s4;
	s20 =	smul.u32 $0x5000, s20  }
0xa: {  	_ =	strace $0x80000047;
	[dreg:$0x5] =	wrdreg s5;
	s5 =	sand.u32 $0x1, s17  }
0xb: {  	s6 =	ssub.s32 $0x2, s5;
	s7 =	sor.u32 s5, s7;
	s18 =	sshrl.u32 s9, $0x2  }
0xc: {  	s14 =	sadd.s32 $0x80, s12;
	s15 =	sadd.s32 $0x100, s12;
	s16 =	sadd.s32 $0x180, s12  }
0xd: {  	s17 =	sadd.s32 $0x200, s12;
	s5 =	smul.u32 $0x2800, s5;
	s8 =	sshrl.u32 s6, $0x1  }
0xe: {  	s10 =	smul.u32 $0x2800, s7;
	s19 =	sshll.u32 s14, $0x7;
	s21 =	sshll.u32 s15, $0x7  }
0xf: {  	s22 =	sshll.u32 s16, $0x7;
	s13 =	ssub.s32 s6, s8;
	s6 =	sadd.s32 s18, s2  }
0x10: {  	s7 =	sadd.s32 s19, s2;
	s8 =	sadd.s32 s21, s2;
	s9 =	sadd.s32 s22, s2  }
0x11: {  	s18 =	sshll.u32 s17, $0x7;
	s12 =	sadd.s32 s12, s5;
	s14 =	sadd.s32 s5, s14  }
0x12: {  	s26 =	sadd.s32 s5, s15;
	s17 =	sadd.s32 s5, s17;
	s19 =	sshrl.u32 s10, $0x3  }
0x13: {  	s10 =	sadd.s32 s18, s2;
	s12 =	sshll.u32 s12, $0x4;
	s25 =	sshll.u32 s14, $0x4  }
0x14: {  	s15 =	sshll.u32 s26, $0x4;
	s18 =	sadd.s32 s5, s16;
	s22 =	sshll.u32 s17, $0x4  }
0x15: {  	s5 =	sadd.s32 s5, s20;
	s23 =	sadd.s32 s0, s19;
	s24 =	sadd.s32 s11, s19  }
0x16: {  	s12 =	sadd.s32 s4, s12;
	s14 =	sshll.u32 s18, $0x4;
	[dreg:$0x6] =	wrdreg s23  }
0x17: {  	s17 =	sadd.s32 s4, s22;
	s18 =	smax.u32 s13, $0x1;
	[dreg:$0x7] =	wrdreg s24  }
0x18: {  	[dreg:$0x8] =	wrdreg s12;
	s12 =	sadd.s32 s4, s25;
	s21 =	sadd.s32 s4, s14  }
0x19: {  	s23 =	sadd.s32 $0x4F0, s19;
	s24 =	sor.u32 $0x80, s5;
	[dreg:$0x9] =	wrdreg s12  }
0x1a: {  	s5 =	sor.u32 $0x100, s5;
	s12 =	sadd.s32 s4, s15;
	[dreg:$0xb] =	wrdreg s21  }
0x1b: {  	s19 =	sadd.s32 s0, s23;
	s20 =	sadd.s32 s11, s23;
	s25 =	sshrl.u32 s24, $0x3  }
0x1c: {  	s26 =	sshrl.u32 s5, $0x3;
	s4 =	simm.s32 $0x1;
	s5 =	simm.s32 $0x2  }
0x1d: {  	[dreg:$0xa] =	wrdreg s12;
	s21 =	sadd.s32 s25, s11;
	s22 =	sadd.s32 s25, s0  }
0x1e: {  	s23 =	sadd.s32 s26, s11;
	s24 =	sadd.s32 s26, s0;
	s25 =	simm.s32 $0x3  }
0x1f: {  	s26 =	simm.s32 $0x1C000;
	s0 =	simm.s32 $0x4000;
	s11 =	simm.s32 $0x0  }
.LBB2_1:
0x20: {  	s12 =	rddreg [dreg:$0x5]  }
0x21: {  	[tilespmem:s3], [sflag:$0x3] =	stream.linear.gather [hbm4b:s12+s3], $0x4000, $0x38;
	[tilespmem:$0x1C200] =	vst v63  }
0x22: {  	_ =	swait.ge [sflag:s25], $0x4000  }
0x23: {  	[sflag:s25] =	ssyncset.done $0x0  }
0x24: {  	[sflag:s25] =	ssyncadd.s32 $0xFFFFC000  }
0x25: {  	[spmem:s6] =	stream.linear.scatter [tilespmem:s3], [sflag:$0x3], $0x4000, $0x38;
	[tilespmem:$0x1C200] =	vst v63  }
0x26: {  	_ =	swait.ge [sflag:s25], $0x4000  }
0x27: {  	[sflag:s25] =	ssyncset.done $0x0  }
0x28: {  	[sflag:s25] =	ssyncadd.s32 $0xFFFFC000  }
0x29: {  	[spmem:s7] =	stream.linear.scatter [tilespmem:s3], [sflag:$0x3], $0x4000, $0x38;
	[tilespmem:$0x1C200] =	vst v63  }
0x2a: {  	_ =	swait.ge [sflag:s25], $0x4000  }
0x2b: {  	[sflag:s25] =	ssyncset.done $0x0  }
0x2c: {  	[sflag:s25] =	ssyncadd.s32 $0xFFFFC000  }
0x2d: {  	[spmem:s8] =	stream.linear.scatter [tilespmem:s3], [sflag:$0x3], $0x4000, $0x38;
	[tilespmem:$0x1C200] =	vst v63  }
0x2e: {  	_ =	swait.ge [sflag:s25], $0x4000  }
0x2f: {  	[sflag:s25] =	ssyncset.done $0x0  }
0x30: {  	[sflag:s25] =	ssyncadd.s32 $0xFFFFC000  }
0x31: {  	[spmem:s9] =	stream.linear.scatter [tilespmem:s3], [sflag:$0x3], $0x4000, $0x38;
	[tilespmem:$0x1C200] =	vst v63  }
0x32: {  	_ =	swait.ge [sflag:s25], $0x4000  }
0x33: {  	[sflag:s25] =	ssyncset.done $0x0  }
0x34: {  	[sflag:s25] =	ssyncadd.s32 $0xFFFFC000  }
0x35: {  	[spmem:s10] =	stream.linear.scatter [tilespmem:s3], [sflag:$0x3], $0x4000, $0x38;
	[tilespmem:$0x1C200] =	vst v63  }
0x36: {  	_ =	swait.ge [sflag:s25], $0x4000  }
0x37: {  	[sflag:s25] =	ssyncset.done $0x0  }
0x38: {  	[sflag:s25] =	ssyncadd.s32 $0xFFFFC000  }
0x39: {  	[bflag:$0x0] =	sbarrier.arrive $0xFFFF  }
0x3a: {  	s15 =	rddreg [dreg:$0x6]  }
0x3b: {  	[tilespmem:s26], [sflag:$0x3] =	stream.linear.gather [hbm4b:s15+s3], $0x80, $0x38;
	[tilespmem:$0x1C200] =	vst v63  }
0x3c: {  	_ =	swait.ge [sflag:s25], $0x80  }
0x3d: {  	[sflag:s25] =	ssyncset.done $0x0  }
0x3e: {  	s16 =	rddreg [dreg:$0x7];
	[sflag:s25] =	ssyncadd.s32 $0xFFFFFF80  }
0x3f: {  	[tilespmem:s28], [sflag:$0x3] =	stream.linear.gather [hbm4b:s16+s3], $0x80, $0x38;
	[tilespmem:$0x1C200] =	vst v63  }
0x40: {  	_ =	swait.ge [sflag:s25], $0x80  }
0x41: {  	[sflag:s25] =	ssyncset.done $0x0  }
0x42: {  	[sflag:s25] =	ssyncadd.s32 $0xFFFFFF80  }
0x43: {  	[tilespmem:s3], [sflag:$0x1] =	stream.indirect.gather [hbm4b:s1+s29], $0x80, s26, s29, $0xb8;
	[tilespmem:$0x1C200] =	vst v63  }
0x44: {  	s13 =	sadd.s32 $0x0, s22  }
0x45: {  	[tilespmem:s30], [sflag:$0x3] =	stream.linear.gather [hbm4b:s13+s3], $0x80, $0x38;
	[tilespmem:$0x1C200] =	vst v63  }
0x46: {  	_ =	swait.ge [sflag:s25], $0x80  }
0x47: {  	[sflag:s25] =	ssyncset.done $0x0  }
0x48: {  	s14 =	sadd.s32 $0x0, s21;
	[sflag:s25] =	ssyncadd.s32 $0xFFFFFF80  }
0x49: {  	[tilespmem:s31], [sflag:$0x3] =	stream.linear.gather [hbm4b:s14+s3], $0x80, $0x38;
	[tilespmem:$0x1C200] =	vst v63  }
0x4a: {  	_ =	swait.ge [sflag:s25], $0x80  }
0x4b: {  	[sflag:s25] =	ssyncset.done $0x0  }
0x4c: {  	[sflag:s25] =	ssyncadd.s32 $0xFFFFFF80  }
0x4d: {  	[tilespmem:s0], [sflag:$0x2] =	stream.indirect.gather [hbm4b:s1+s29], $0x80, s30, s29, $0xb8;
	[tilespmem:$0x1C200] =	vst v63  }
0x4e: {  	_ =	swait.ge [sflag:s4], $0x4000  }
0x4f: {  	[sflag:s4] =	ssyncset.done $0x0  }
0x50: {  	[sflag:s4] =	ssyncadd.s32 $0xFFFFC000  }
0x51: {  	[spmem:s2] =	stream.indirect.scatter.add.f32 [tilespmem:s3], [sflag:$0x3], $0x80, s28, s29, $0xb8;
	[tilespmem:$0x1C200] =	vst v63  }
0x52: {  	_ =	swait.ge [sflag:s25], $0x4000  }
0x53: {  	[sflag:s25] =	ssyncset.done $0x0  }
0x54: {  	s15 =	sadd.s32 $0x0, s24;
	[sflag:s25] =	ssyncadd.s32 $0xFFFFC000  }
0x55: {  	[tilespmem:s26], [sflag:$0x3] =	stream.linear.gather [hbm4b:s15+s3], $0x80, $0x38;
	[tilespmem:$0x1C200] =	vst v63  }
0x56: {  	_ =	swait.ge [sflag:s25], $0x80  }
0x57: {  	[sflag:s25] =	ssyncset.done $0x0  }
0x58: {  	s16 =	sadd.s32 $0x0, s23;
	[sflag:s25] =	ssyncadd.s32 $0xFFFFFF80  }
0x59: {  	[tilespmem:s28], [sflag:$0x3] =	stream.linear.gather [hbm4b:s16+s3], $0x80, $0x38;
	[tilespmem:$0x1C200] =	vst v63  }
0x5a: {  	_ =	swait.ge [sflag:s25], $0x80  }
0x5b: {  	[sflag:s25] =	ssyncset.done $0x0  }
0x5c: {  	[sflag:s25] =	ssyncadd.s32 $0xFFFFFF80  }
0x5d: {  	[tilespmem:s3], [sflag:$0x1] =	stream.indirect.gather [hbm4b:s1+s29], $0x80, s26, s29, $0xb8;
	[tilespmem:$0x1C200] =	vst v63  }
0x5e: {  	_ =	swait.ge [sflag:s5], $0x4000  }
0x5f: {  	[sflag:s5] =	ssyncset.done $0x0  }
0x60: {  	[sflag:s5] =	ssyncadd.s32 $0xFFFFC000  }
0x61: {  	[spmem:s2] =	stream.indirect.scatter.add.f32 [tilespmem:s0], [sflag:$0x3], $0x80, s31, s29, $0xb8;
	[tilespmem:$0x1C200] =	vst v63  }
0x62: {  	_ =	swait.ge [sflag:s25], $0x4000  }
0x63: {  	s12 =	simm.s32 $0x20;
	s13 =	simm.s32 $0x40;
	[sflag:s25] =	ssyncset.done $0x0  }
.LBB2_2:
0x64: {  	s15 =	sadd.s32 s12, s22  }
0x65: {  	[sflag:s25] =	ssyncadd.s32 $0xFFFFC000;
	s16 =	smov.u32 s13;
	s14 =	sadd.s32 $0x20, s13  }
0x66: {  	[tilespmem:s30], [sflag:$0x3] =	stream.linear.gather [hbm4b:s15+s3], $0x80, $0x38;
	[tilespmem:$0x1C200] =	vst v63  }
0x67: {  	p0 =	sne.s32 s13, $0x4C0;
	_ =	swait.ge [sflag:s25], $0x80  }
0x68: {  	[sflag:s25] =	ssyncset.done $0x0  }
0x69: {  	s13 =	sadd.s32 s12, s21;
	[sflag:s25] =	ssyncadd.s32 $0xFFFFFF80  }
0x6a: {  	[tilespmem:s31], [sflag:$0x3] =	stream.linear.gather [hbm4b:s13+s3], $0x80, $0x38;
	[tilespmem:$0x1C200] =	vst v63  }
0x6b: {  	_ =	swait.ge [sflag:s25], $0x80  }
0x6c: {  	[sflag:s25] =	ssyncset.done $0x0  }
0x6d: {  	[sflag:s25] =	ssyncadd.s32 $0xFFFFFF80  }
0x6e: {  	[tilespmem:s0], [sflag:$0x2] =	stream.indirect.gather [hbm4b:s1+s29], $0x80, s30, s29, $0xb8;
	[tilespmem:$0x1C200] =	vst v63  }
0x6f: {  	_ =	swait.ge [sflag:s4], $0x4000  }
0x70: {  	[sflag:s4] =	ssyncset.done $0x0  }
0x71: {  	[sflag:s4] =	ssyncadd.s32 $0xFFFFC000  }
0x72: {  	[spmem:s2] =	stream.indirect.scatter.add.f32 [tilespmem:s3], [sflag:$0x3], $0x80, s28, s29, $0xb8;
	[tilespmem:$0x1C200] =	vst v63  }
0x73: {  	_ =	swait.ge [sflag:s25], $0x4000  }
0x74: {  	[sflag:s25] =	ssyncset.done $0x0  }
0x75: {  	s13 =	sadd.s32 s12, s24;
	[sflag:s25] =	ssyncadd.s32 $0xFFFFC000  }
0x76: {  	[tilespmem:s26], [sflag:$0x3] =	stream.linear.gather [hbm4b:s13+s3], $0x80, $0x38;
	[tilespmem:$0x1C200] =	vst v63  }
0x77: {  	_ =	swait.ge [sflag:s25], $0x80  }
0x78: {  	[sflag:s25] =	ssyncset.done $0x0  }
0x79: {  	s13 =	sadd.s32 s12, s23;
	s12 =	smov.u32 s16;
	[sflag:s25] =	ssyncadd.s32 $0xFFFFFF80  }
0x7a: {  	[tilespmem:s28], [sflag:$0x3] =	stream.linear.gather [hbm4b:s13+s3], $0x80, $0x38;
	[tilespmem:$0x1C200] =	vst v63  }
0x7b: {  	_ =	swait.ge [sflag:s25], $0x80  }
0x7c: {  	[sflag:s25] =	ssyncset.done $0x0  }
0x7d: {  	[sflag:s25] =	ssyncadd.s32 $0xFFFFFF80  }
0x7e: {  	[tilespmem:s3], [sflag:$0x1] =	stream.indirect.gather [hbm4b:s1+s29], $0x80, s26, s29, $0xb8;
	[tilespmem:$0x1C200] =	vst v63  }
0x7f: {  	_ =	swait.ge [sflag:s5], $0x4000  }
.Ltmp0:
0x80: {  	[sflag:s5] =	ssyncset.done $0x0;
	(pc) =	sbr.rel @p0 .LBB2_2-.Ltmp0, $4  }
0x81: {  	[sflag:s5] =	ssyncadd.s32 $0xFFFFC000  }
0x82: {  	[spmem:s2] =	stream.indirect.scatter.add.f32 [tilespmem:s0], [sflag:$0x3], $0x80, s31, s29, $0xb8;
	[tilespmem:$0x1C200] =	vst v63  }
0x83: {  	_ =	swait.ge [sflag:s25], $0x4000  }
0x84: {  	s13 =	smov.u32 s14;
	[sflag:s25] =	ssyncset.done $0x0  }
0x85: {  	s13 =	sadd.s32 s12, s22;
	[sflag:s25] =	ssyncadd.s32 $0xFFFFC000  }
0x86: {  	[tilespmem:s30], [sflag:$0x3] =	stream.linear.gather [hbm4b:s13+s3], $0x80, $0x38;
	[tilespmem:$0x1C200] =	vst v63  }
0x87: {  	_ =	swait.ge [sflag:s25], $0x80  }
0x88: {  	[sflag:s25] =	ssyncset.done $0x0  }
0x89: {  	s14 =	sadd.s32 s12, s21;
	[sflag:s25] =	ssyncadd.s32 $0xFFFFFF80  }
0x8a: {  	[tilespmem:s31], [sflag:$0x3] =	stream.linear.gather [hbm4b:s14+s3], $0x80, $0x38;
	[tilespmem:$0x1C200] =	vst v63  }
0x8b: {  	_ =	swait.ge [sflag:s25], $0x80  }
0x8c: {  	[sflag:s25] =	ssyncset.done $0x0  }
0x8d: {  	[sflag:s25] =	ssyncadd.s32 $0xFFFFFF80  }
0x8e: {  	[tilespmem:s0], [sflag:$0x2] =	stream.indirect.gather [hbm4b:s1+s29], $0x80, s30, s29, $0xb8;
	[tilespmem:$0x1C200] =	vst v63  }
0x8f: {  	_ =	swait.ge [sflag:s4], $0x4000  }
0x90: {  	[sflag:s4] =	ssyncset.done $0x0  }
0x91: {  	[sflag:s4] =	ssyncadd.s32 $0xFFFFC000  }
0x92: {  	[spmem:s2] =	stream.indirect.scatter.add.f32 [tilespmem:s3], [sflag:$0x3], $0x80, s28, s29, $0xb8;
	[tilespmem:$0x1C200] =	vst v63  }
0x93: {  	_ =	swait.ge [sflag:s25], $0x4000  }
0x94: {  	[sflag:s25] =	ssyncset.done $0x0  }
0x95: {  	s15 =	sadd.s32 s12, s24;
	[sflag:s25] =	ssyncadd.s32 $0xFFFFC000  }
0x96: {  	[tilespmem:s26], [sflag:$0x3] =	stream.linear.gather [hbm4b:s15+s3], $0x80, $0x38;
	[tilespmem:$0x1C200] =	vst v63  }
0x97: {  	_ =	swait.ge [sflag:s25], $0x80  }
0x98: {  	[sflag:s25] =	ssyncset.done $0x0  }
0x99: {  	s16 =	sadd.s32 s12, s23;
	[sflag:s25] =	ssyncadd.s32 $0xFFFFFF80  }
0x9a: {  	[tilespmem:s28], [sflag:$0x3] =	stream.linear.gather [hbm4b:s16+s3], $0x80, $0x38;
	[tilespmem:$0x1C200] =	vst v63  }
0x9b: {  	_ =	swait.ge [sflag:s25], $0x80  }
0x9c: {  	[sflag:s25] =	ssyncset.done $0x0  }
0x9d: {  	[sflag:s25] =	ssyncadd.s32 $0xFFFFFF80  }
0x9e: {  	[tilespmem:s3], [sflag:$0x1] =	stream.indirect.gather [hbm4b:s1+s29], $0x80, s26, s29, $0xb8;
	[tilespmem:$0x1C200] =	vst v63  }
0x9f: {  	_ =	swait.ge [sflag:s5], $0x4000  }
0xa0: {  	[sflag:s5] =	ssyncset.done $0x0  }
0xa1: {  	[sflag:s5] =	ssyncadd.s32 $0xFFFFC000  }
0xa2: {  	[spmem:s2] =	stream.indirect.scatter.add.f32 [tilespmem:s0], [sflag:$0x3], $0x80, s31, s29, $0xb8;
	[tilespmem:$0x1C200] =	vst v63  }
0xa3: {  	_ =	swait.ge [sflag:s25], $0x4000  }
0xa4: {  	[sflag:s25] =	ssyncset.done $0x0  }
0xa5: {  	[sflag:s25] =	ssyncadd.s32 $0xFFFFC000  }
0xa6: {  	[tilespmem:s30], [sflag:$0x3] =	stream.linear.gather [hbm4b:s19+s3], $0x80, $0x38;
	[tilespmem:$0x1C200] =	vst v63  }
0xa7: {  	_ =	swait.ge [sflag:s25], $0x80  }
0xa8: {  	[sflag:s25] =	ssyncset.done $0x0  }
0xa9: {  	[sflag:s25] =	ssyncadd.s32 $0xFFFFFF80  }
0xaa: {  	[tilespmem:s31], [sflag:$0x3] =	stream.linear.gather [hbm4b:s20+s3], $0x80, $0x38;
	[tilespmem:$0x1C200] =	vst v63  }
0xab: {  	_ =	swait.ge [sflag:s25], $0x80  }
0xac: {  	[sflag:s25] =	ssyncset.done $0x0  }
0xad: {  	[sflag:s25] =	ssyncadd.s32 $0xFFFFFF80  }
0xae: {  	[tilespmem:s0], [sflag:$0x2] =	stream.indirect.gather [hbm4b:s1+s29], $0x80, s30, s29, $0xb8;
	[tilespmem:$0x1C200] =	vst v63  }
0xaf: {  	_ =	swait.ge [sflag:s4], $0x4000  }
0xb0: {  	[sflag:s4] =	ssyncset.done $0x0  }
0xb1: {  	[sflag:s4] =	ssyncadd.s32 $0xFFFFC000  }
0xb2: {  	[spmem:s2] =	stream.indirect.scatter.add.f32 [tilespmem:s3], [sflag:$0x3], $0x80, s28, s29, $0xb8;
	[tilespmem:$0x1C200] =	vst v63  }
0xb3: {  	_ =	swait.ge [sflag:s25], $0x4000  }
0xb4: {  	[sflag:s25] =	ssyncset.done $0x0  }
0xb5: {  	[sflag:s25] =	ssyncadd.s32 $0xFFFFC000  }
0xb6: {  	_ =	swait.ge [sflag:s5], $0x4000  }
0xb7: {  	[sflag:s5] =	ssyncset.done $0x0  }
0xb8: {  	[sflag:s5] =	ssyncadd.s32 $0xFFFFC000  }
0xb9: {  	[spmem:s2] =	stream.indirect.scatter.add.f32 [tilespmem:s0], [sflag:$0x3], $0x80, s31, s29, $0xb8;
	[tilespmem:$0x1C200] =	vst v63  }
0xba: {  	_ =	swait.ge [sflag:s25], $0x4000  }
0xbb: {  	[sflag:s25] =	ssyncset.done $0x0  }
0xbc: {  	[sflag:s25] =	ssyncadd.s32 $0xFFFFC000  }
0xbd: {  	[bflag:$0x0] =	sbarrier.arrive $0xFFFF  }
0xbe: {  	[tilespmem:s3], [sflag:$0x3] =	stream.linear.gather [spmem:s6], $0x4000, $0x38;
	[tilespmem:$0x1C200] =	vst v63  }
0xbf: {  	_ =	swait.ge [sflag:s25], $0x4000  }
0xc0: {  	[sflag:s25] =	ssyncset.done $0x0  }
0xc1: {  	s13 =	rddreg [dreg:$0x8];
	[sflag:s25] =	ssyncadd.s32 $0xFFFFC000  }
0xc2: {  	[hbm4b:s13+s3] =	stream.linear.scatter [tilespmem:s3], [sflag:$0x3], $0x4000, $0x38;
	[tilespmem:$0x1C200] =	vst v63  }
0xc3: {  	_ =	swait.ge [sflag:s25], $0x4000  }
0xc4: {  	[sflag:s25] =	ssyncset.done $0x0  }
0xc5: {  	[sflag:s25] =	ssyncadd.s32 $0xFFFFC000  }
0xc6: {  	[tilespmem:s3], [sflag:$0x3] =	stream.linear.gather [spmem:s7], $0x4000, $0x38;
	[tilespmem:$0x1C200] =	vst v63  }
0xc7: {  	_ =	swait.ge [sflag:s25], $0x4000  }
0xc8: {  	[sflag:s25] =	ssyncset.done $0x0  }
0xc9: {  	s14 =	rddreg [dreg:$0x9];
	[sflag:s25] =	ssyncadd.s32 $0xFFFFC000  }
0xca: {  	[hbm4b:s14+s3] =	stream.linear.scatter [tilespmem:s3], [sflag:$0x3], $0x4000, $0x38;
	[tilespmem:$0x1C200] =	vst v63  }
0xcb: {  	_ =	swait.ge [sflag:s25], $0x4000  }
0xcc: {  	[sflag:s25] =	ssyncset.done $0x0  }
0xcd: {  	[sflag:s25] =	ssyncadd.s32 $0xFFFFC000  }
0xce: {  	[tilespmem:s3], [sflag:$0x3] =	stream.linear.gather [spmem:s8], $0x4000, $0x38;
	[tilespmem:$0x1C200] =	vst v63  }
0xcf: {  	_ =	swait.ge [sflag:s25], $0x4000  }
0xd0: {  	[sflag:s25] =	ssyncset.done $0x0  }
0xd1: {  	s15 =	rddreg [dreg:$0xa];
	[sflag:s25] =	ssyncadd.s32 $0xFFFFC000  }
0xd2: {  	[hbm4b:s15+s3] =	stream.linear.scatter [tilespmem:s3], [sflag:$0x3], $0x4000, $0x38;
	[tilespmem:$0x1C200] =	vst v63  }
0xd3: {  	_ =	swait.ge [sflag:s25], $0x4000  }
0xd4: {  	[sflag:s25] =	ssyncset.done $0x0  }
0xd5: {  	[sflag:s25] =	ssyncadd.s32 $0xFFFFC000  }
0xd6: {  	[tilespmem:s3], [sflag:$0x3] =	stream.linear.gather [spmem:s9], $0x4000, $0x38;
	[tilespmem:$0x1C200] =	vst v63  }
0xd7: {  	_ =	swait.ge [sflag:s25], $0x4000  }
0xd8: {  	[sflag:s25] =	ssyncset.done $0x0  }
0xd9: {  	s16 =	rddreg [dreg:$0xb];
	[sflag:s25] =	ssyncadd.s32 $0xFFFFC000  }
0xda: {  	[hbm4b:s16+s3] =	stream.linear.scatter [tilespmem:s3], [sflag:$0x3], $0x4000, $0x38;
	[tilespmem:$0x1C200] =	vst v63  }
0xdb: {  	_ =	swait.ge [sflag:s25], $0x4000  }
0xdc: {  	[sflag:s25] =	ssyncset.done $0x0  }
0xdd: {  	[sflag:s25] =	ssyncadd.s32 $0xFFFFC000  }
0xde: {  	[tilespmem:s3], [sflag:$0x3] =	stream.linear.gather [spmem:s10], $0x4000, $0x38;
	[tilespmem:$0x1C200] =	vst v63  }
0xdf: {  	s11 =	sadd.s32 $0x1, s11;
	_ =	swait.ge [sflag:s25], $0x4000  }
0xe0: {  	p0 =	sne.s32 s11, s18;
	[sflag:s25] =	ssyncset.done $0x0  }
.Ltmp1:
0xe1: {  	[sflag:s25] =	ssyncadd.s32 $0xFFFFC000;
	(pc) =	sbr.rel @p0 .LBB2_1-.Ltmp1, $4  }
0xe2: {  	[hbm4b:s17+s3] =	stream.linear.scatter [tilespmem:s3], [sflag:$0x3], $0x4000, $0x38;
	[tilespmem:$0x1C200] =	vst v63  }
0xe3: {  	_ =	swait.ge [sflag:s25], $0x4000  }
0xe4: {  	[sflag:s25] =	ssyncset.done $0x0  }
0xe5: {  	[sflag:s25] =	ssyncadd.s32 $0xFFFFC000  }
0xe6: {  	_ =	sfence.sel $0x180000  }
0xe7: {  	[bflag:$0x0] =	sbarrier.arrive $0xFFFF  }
0xe8: {  	_ =	strace $0x90000047  }
0xe9: {  	s0 =	stileid.u32;
	[bflag:$0x2] =	sbarrier.arrive $0xFFFF  }
0xea: {  	p0 =	sne.s32 s0, $0x0;
	s0 =	rddreg [dreg:$0x4]  }
0xeb: {  	s0 =	sadd.s32 @!p0 $0x100000, s0  }
0xec: {  	[sflag:s0] =	ssyncadd.tile.s32 @!p0 $0x1;
	_ =	shalt  }
.Lfunc_end2:
_tile_overlayer_lowered:
.L_overlay_start_2:
0xed: {  	(tag) =	ssettag $0x2  }
0xee: {  	s0 =	rddreg [dreg:$0x0];
	s2 =	stileid.u32  }
0xef: {  	s1 =	rddreg [dreg:$0x1];
	p0 =	sne.s32 s2, $0x0  }
0xf0: {  	s3 =	rddreg [dreg:$0x2];
	[bflag:$0x3] =	sbarrier.arrive $0xFFFF;
	s2 =	simm.s32 @!p0 $0x1C03  }
0xf1: {  	[timem:s3], [sflag:s2] =	dma.local @!p0 [hbm:s0], s1  }
0xf2: {  	s0 =	simm.s32 @!p0 $0x3  }
0xf3: {  	_ =	swait.ge @!p0 [sflag:s0], s1  }
0xf4: {  	s1 =	ssub.s32 @!p0 $0x0, s1;
	[sflag:s0] =	ssyncset.done @!p0 $0x0  }
0xf5: {  	[sflag:s0] =	ssyncadd.s32 @!p0 s1  }
0xf6: {  	[bflag:$0x3] =	sbarrier.arrive $0xFFFF  }
0xf7: {  	_ =	shalt  }

// kernel: kernel.13.cloned.1.call-start
scs
__scs_entry_jumppad:
0x0: {  	(pc) =	sbr.rel $0x88, $3  }
0x1: {  	(tag) =	ssettag $0x0;
	lr =	simm.s32 $0x1  }
0x2: {  	[smem:$0x3F99] =	sst lr;
	_ =	strace $0xD0000000  }
0x3: {  	_ = 	snop  }
0x4: {  	_ = 	snop  }
0x5: {  	_ = 	snop  }
0x6: {  	_ = 	snop  }
0x7: {  	_ = 	snop  }
__scs_overlays_trampoline_lowered:
0x8: {  	[smem:$0x3FA8] =	sst s0  }
0x9: {  	[smem:$0x3FA9] =	sst s1  }
0xa: {  	[smem:$0x3FAA] =	sst s2  }
0xb: {  	[smem:$0x3FAB] =	sst s3  }
0xc: {  	[smem:$0x3FAC] =	sst s4  }
0xd: {  	[smem:$0x3FAD] =	sst s5  }
0xe: {  	[smem:$0x3FAE] =	sst s6  }
0xf: {  	[smem:$0x3FAF] =	sst s7  }
0x10: {  	[smem:$0x3FB0] =	sst s8  }
0x11: {  	[smem:$0x3FB1] =	sst s9;
	s0 =	simm.s32 @!p0 $0x0  }
0x12: {  	s1 =	sld [smem:$0x3F97];
	s0 =	simm.s32 @p0 $0x1  }
0x13: {  	[smem:$0x3FB2] =	sst s0;
	s0 =	simm.s32 @!p1 $0x0  }
0x14: {  	s2 =	sld [smem:$0x3F96];
	s0 =	simm.s32 @p1 $0x1  }
0x15: {  	[smem:$0x3FB3] =	sst s0;
	s0 =	simm.s32 @!p2 $0x0  }
0x16: {  	s3 =	sld [smem:$0x3FDB];
	s0 =	simm.s32 @p2 $0x1  }
0x17: {  	s4 =	simm.s32 $0x1BF5;
	[smem:$0x3FB5] =	sst s0  }
0x18: {  	s0 =	sld [smem:$0x3F98];
	_ =	swait.ge [sflag:s4], $0x0  }
0x19: {  	s7 =	sld [smem:$0x3F99]  }
0x1a: {  	s8 =	sadd.s32 $0xFFFFE003, lr  }
0x1b: {  	s9 =	sadd.s32 $0xFFFFFEF7, lr;
	s5 =	simm.s32 $0xFFFFFFFF;
	p2 =	slt.u32 s8, $0xFFFFF086  }
0x1c: {  	p1 =	slt.u32 s9, $0xF7A;
	s5 =	simm.s32 @!p2 $0x0  }
0x1d: {  	s5 =	simm.s32 @p1 $0x1;
	p0 =	seq.s32 s7, s2  }
0x1e: {  	s7 =	smul.u32 @!p0 $0xF7A, s2;
	p2 =	seq.s32 @!p0 s5, $0x0  }
0x1f: {  	s9 =	smul.u32 $0xF7A, s1;
	s8 =	simm.s32 @!p0 $0x1BF5;
	p2 =	por !p2, p0  }
0x20: {  	[sflag:s8] =	ssyncset.s32 @!p0 $0xFFFFF086;
	s6 =	sadd.s32 @!p0 s3, s7;
	s7 =	simm.s32 @!p0 $0x108  }
0x21: {  	s3 =	sadd.s32 s3, s9;
	s6 =	sadd.s32 @!p0 $0x88, s6;
	s7 =	simm.s32 @p2 $0x1082  }
0x22: {  	[simem:s7], [sflag:s8] =	dma.local @!p0 [hbm:s6], $0xF7A  }
0x23: {  	s9 =	sor.u32 $0xD0000000, s2;
	s6 =	simm.s32 $0x108;
	_ =	swait.ge @!p0 [sflag:s8], $0x0  }
0x24: {  	s3 =	sadd.s32 $0x88, s3;
	s6 =	simm.s32 @!p1 $0x1082;
	[sflag:s4] =	ssyncset.s32 $0xFFFFF086  }
0x25: {  	[simem:s6], [sflag:s4] =	dma.local [hbm:s3], $0xF7A  }
0x26: {  	[smem:$0x3F99] =	sst s1;
	(tag) =	ssettag s2;
	_ =	strace s9  }
0x27: {  	s1 =	sld [smem:$0x3FA9]  }
0x28: {  	s2 =	sld [smem:$0x3FAA]  }
0x29: {  	s4 =	sld [smem:$0x3FAC]  }
0x2a: {  	p0 =	seq.s32 s5, $0x0;
	s5 =	sld [smem:$0x3FAD]  }
0x2b: {  	s6 =	sld [smem:$0x3FAE]  }
0x2c: {  	s7 =	sld [smem:$0x3FAF]  }
0x2d: {  	s3 =	simm.s32 $0x108;
	s8 =	sld [smem:$0x3FB0]  }
0x2e: {  	s3 =	simm.s32 @!p0 $0x1082;
	s9 =	sld [smem:$0x3FB1]  }
0x2f: {  	lr =	sadd.s32 s0, s3;
	s0 =	sld [smem:$0x3FA8]  }
0x30: {  	s3 =	sld [smem:$0x3FAB]  }
0x31: {  	[smem:$0x3FB4] =	sst s10  }
0x32: {  	s10 =	sld [smem:$0x3FB2];
	_ =	sdelay $0x3  }
0x33: {  	p0 =	seq.s32 s10, $0x1;
	s10 =	sld [smem:$0x3FB4];
	_ =	sdelay $0x3  }
0x34: {  	[smem:$0x3FB4] =	sst s10  }
0x35: {  	s10 =	sld [smem:$0x3FB3];
	_ =	sdelay $0x3  }
0x36: {  	p1 =	seq.s32 s10, $0x1;
	s10 =	sld [smem:$0x3FB4];
	_ =	sdelay $0x3  }
0x37: {  	[smem:$0x3FB4] =	sst s10  }
0x38: {  	s10 =	sld [smem:$0x3FB5]  }
0x39: {  	_ = 	snop;
	(pc) =	sbr.ind lr, $3  }
0x3a: {  	_ = 	snop  }
0x3b: {  	_ = 	snop  }
0x3c: {  	p2 =	seq.s32 s10, $0x1;
	s10 =	sld [smem:$0x3FB4]  }
0x3d: {  	_ =	shalt  }
0x3e: {  	_ =	shalt  }
0x3f: {  	_ =	shalt  }
0x40: {  	_ =	shalt  }
0x41: {  	_ =	shalt  }
0x42: {  	_ =	shalt  }
0x43: {  	_ =	shalt  }
0x44: {  	_ =	shalt  }
0x45: {  	_ =	shalt  }
0x46: {  	_ =	shalt  }
0x47: {  	_ =	shalt  }
0x48: {  	_ =	shalt  }
0x49: {  	_ =	shalt  }
0x4a: {  	_ =	shalt  }
0x4b: {  	_ =	shalt  }
0x4c: {  	_ =	shalt  }
0x4d: {  	_ =	shalt  }
0x4e: {  	_ =	shalt  }
0x4f: {  	_ =	shalt  }
0x50: {  	_ =	shalt  }
0x51: {  	_ =	shalt  }
0x52: {  	_ =	shalt  }
0x53: {  	_ =	shalt  }
0x54: {  	_ =	shalt  }
0x55: {  	_ =	shalt  }
0x56: {  	_ =	shalt  }
0x57: {  	_ =	shalt  }
0x58: {  	_ =	shalt  }
0x59: {  	_ =	shalt  }
0x5a: {  	_ =	shalt  }
0x5b: {  	_ =	shalt  }
0x5c: {  	_ =	shalt  }
0x5d: {  	_ =	shalt  }
0x5e: {  	_ =	shalt  }
0x5f: {  	_ =	shalt  }
0x60: {  	_ =	shalt  }
0x61: {  	_ =	shalt  }
0x62: {  	_ =	shalt  }
0x63: {  	_ =	shalt  }
0x64: {  	_ =	shalt  }
0x65: {  	_ =	shalt  }
0x66: {  	_ =	shalt  }
0x67: {  	_ =	shalt  }
0x68: {  	_ =	shalt  }
0x69: {  	_ =	shalt  }
0x6a: {  	_ =	shalt  }
0x6b: {  	_ =	shalt  }
0x6c: {  	_ =	shalt  }
0x6d: {  	_ =	shalt  }
0x6e: {  	_ =	shalt  }
0x6f: {  	_ =	shalt  }
0x70: {  	_ =	shalt  }
0x71: {  	_ =	shalt  }
0x72: {  	_ =	shalt  }
0x73: {  	_ =	shalt  }
0x74: {  	_ =	shalt  }
0x75: {  	_ =	shalt  }
0x76: {  	_ =	shalt  }
0x77: {  	_ =	shalt  }
0x78: {  	_ =	shalt  }
0x79: {  	_ =	shalt  }
0x7a: {  	_ =	shalt  }
0x7b: {  	_ =	shalt  }
0x7c: {  	_ =	shalt  }
0x7d: {  	_ =	shalt  }
0x7e: {  	_ =	shalt  }
0x7f: {  	_ =	shalt  }
0x80: {  	_ =	shalt  }
0x81: {  	_ =	shalt  }
0x82: {  	_ =	shalt  }
0x83: {  	_ =	shalt  }
0x84: {  	_ =	shalt  }
0x85: {  	_ =	shalt  }
0x86: {  	_ =	shalt  }
0x87: {  	_ =	shalt  }
.Lfunc_end0:
.L_simem_size_0:
called_computation.2_lowered:
.L_overlay_start_0:
0x88: {  	s2 =	sld [smem:$0x3FD9]  }
0x89: {  	s3 =	sld [smem:$0x3FFE];
	_ =	sdelay $0x1  }
0x8a: {  	s1 =	srdreg.scid  }
0x8b: {  	s0 =	sand.u32 $0x1, s1  }
0x8c: {  	s17 =	sshll.u32 s0, $0xA;
	s2 =	sadd.s32 s3, s2  }
0x8d: {  	s2 =	sadd.s32 s2, s17  }
0x8e: {  	[smem:$0x3FC0] =	sst s2  }
0x8f: {  	_ = 	snop  }
0x90: {  	s2 =	sld [smem:$0x3FD0];
	(tm) =	ssettm $0x1  }
0x91: {  	s18 =	sld [smem:$0x3FFB];
	_ =	sdelay $0x3  }
0x92: {  	_ =	strace s18  }
0x93: {  	s3 =	sld [smem:$0x3FFC];
	_ =	sdelay $0x3  }
0x94: {  	_ =	strace s3  }
0x95: {  	s3 =	sld [smem:$0x3FFD];
	_ =	sdelay $0x3  }
0x96: {  	_ =	strace s3  }
0x97: {  	_ =	strace $0x8FFFFFFF  }
0x98: {  	s19 =	sld [smem:$0x3FDB];
	_ =	sdelay $0x1  }
0x99: {  	s4 =	simm.s32 $_scs_section_size  }
0x9a: {  	s5 =	simm.s32 $_size__tile_overlayer_lowered;
	s6 =	simm.s32 $_tile_overlayer_lowered  }
0x9b: {  	s22 =	simm.s32 $0x1BFF;
	s21 =	sshll.u32 s6, $0x1;
	s3 =	sadd.s32 s4, s19  }
0x9c: {  	s7 =	simm.s32 $0x0;
	s20 =	sshll.u32 s5, $0x1;
	s5 =	sadd.s32 s21, s3  }
0x9d: {  	[timem:s7], [sflag:s22] =	dma.local [hbm:s5], s20  }
0x9e: {  	_ =	swait.ge [sflag:s22], s20  }
0x9f: {  	s4 =	ssub.s32 $0x0, s20;
	[sflag:s22] =	ssyncset.done $0x0  }
0xa0: {  	[sflag:s22] =	ssyncadd.s32 s4;
	_ =	sdelay $0x1  }
0xa1: {  	s23 =	simm.s32 $0x1B8B  }
0xa2: {  	_ =	swait.ge [sflag:s23], $0x1  }
0xa3: {  	[sflag:s23] =	ssyncset.done $0x0  }
0xa4: {  	s25 =	simm.s32 $0x1B8E;
	s24 =	sld [smem:$0x3FFE];
	[sflag:s23] =	ssyncadd.s32 $0xFFFFFFFF  }
0xa5: {  	s26 =	simm.s32 $execute0_lowered;
	[smem:$0x3FD2] =	sst s25  }
0xa6: {  	s5 =	sshll.u32 s26, $0x1;
	_ =	strace $0x8000004C;
	[dreg:$0x1] =	wrdreg $0xFFFFFFFF  }
0xa7: {  	s28 =	simm.s32 $_size_execute0_lowered;
	s3 =	sadd.s32 s3, s5;
	[dreg:$0x0] =	wrdreg $0x0  }
0xa8: {  	s5 =	sshll.u32 s28, $0x1;
	[dreg:$0x2] =	wrdreg s3  }
0xa9: {  	[dreg:$0x3] =	wrdreg s5  }
0xaa: {  	[dreg:$0x4] =	wrdreg $0xC0  }
0xab: {  	_ =	task [dreg:s7], $0x5FFFF  }
0xac: {  	[dreg:$0x1] =	wrdreg $0xFFFFFFFF  }
0xad: {  	[dreg:$0x0] =	wrdreg $0x60  }
0xae: {  	[dreg:$0x2] =	wrdreg s24  }
0xaf: {  	[dreg:$0x3] =	wrdreg s2  }
0xb0: {  	[dreg:$0x4] =	wrdreg $0x80000  }
0xb1: {  	[dreg:$0x5] =	wrdreg $0x9  }
0xb2: {  	_ =	task.clear_ibuf [dreg:s7], $0x6FFFF;
	_ =	strace $0x9000004C  }
0xb3: {  	s29 =	simm.s32 $0x9;
	_ =	strace $0x8000004E  }
0xb4: {  	_ =	swait.ge [sflag:s29], $0x1  }
0xb5: {  	[sflag:s29] =	ssyncadd.s32 $0xFFFFFFFF  }
0xb6: {  	_ =	strace $0x9000004E  }
0xb7: {  	_ =	sfence  }
0xb8: {  	s30 =	sld [smem:$0x0];
	_ =	sdelay $0x2  }
0xb9: {  	s31 =	sshll.u32 s1, $0xD;
	s1 =	sshrl.u32 s1, $0x2  }
0xba: {  	s3 =	sand.u32 $0x4000, s31;
	s1 =	sadd.s32 s1, s30  }
0xbb: {  	s0 =	sor.u32 s3, s0;
	s1 =	sshll.u32 s1, $0x11  }
0xbc: {  	s0 =	sor.u32 s1, s0  }
0xbd: {  	s0 =	sadd.s32 $0x8F2B, s0  }
0xbe: {  	[sflag:s0] =	ssyncadd.remote.s32 $0x1  }
0xbf: {  	_ =	sfence.sel $0xFFFF  }
0xc0: {  	[dreg:$0x0] =	wrdreg $0xFFFFFFFF;
	(pc) =	sbr.abs _section_cstart, $3  }
0xc1: {  	[dreg:$0x1] =	wrdreg $0xFFFFFFFF  }
0xc2: {  	_ =	task.clear_ibuf [dreg:s7], $0x2FFFF;
	_ =	strace $0x9FFFFFFF  }
0xc3: {  	(tm) =	ssettm $0x7FFFFFFF  }
tec
execute0_lowered:
.L_overlay_start_1:
0x0: {  	(tag) =	ssettag $0x1  }
0x1: {  	s3 =	rddreg [dreg:$0x0]  }
0x2: {  	s0 =	rddreg [dreg:$0x1]  }
0x3: {  	s1 =	rddreg [dreg:$0x2];
	s2 =	simm.s32 $0x0  }
0x4: {  	s6 =	srdreg.scid;
	s19 =	stileid.u32;
	s28 =	simm.s32 $0x1C080  }
0x5: {  	s29 =	simm.s32 $0x80;
	s30 =	simm.s32 $0x1C100;
	s31 =	simm.s32 $0x1C180  }
0x6: {  	[smem:$0x7FF] =	sst s2;
	s4 =	sadd.s32 $0xC200, s3;
	s11 =	smul.u32 $0x280, s19  }
0x7: {  	s5 =	sadd.s32 $0xCA00, s3;
	s9 =	sand.u32 $0x1, s6;
	s10 =	smul.u32 $0x50000, s19  }
0x8: {  	s7 =	sshll.u32 s19, $0x1;
	s19 =	smul.u32 $0x5000, s19;
	_ =	strace $0x8000004D  }
0x9: {  	[dreg:$0x4] =	wrdreg s4;
	s4 =	sadd.s32 $0x2200, s3;
	s6 =	ssub.s32 $0x2, s9  }
0xa: {  	s7 =	sor.u32 s9, s7;
	s3 =	sadd.s32 $0xAD200, s3;
	s8 =	sshrl.u32 s6, $0x1  }
0xb: {  	s13 =	smul.u32 $0x2800, s7;
	s18 =	sshrl.u32 s10, $0x2;
	s14 =	sadd.s32 $0x80, s11  }
0xc: {  	s15 =	sadd.s32 $0x100, s11;
	s16 =	sadd.s32 $0x180, s11;
	s17 =	sadd.s32 $0x200, s11  }
0xd: {  	s12 =	ssub.s32 s6, s8;
	s6 =	sadd.s32 s18, s1;
	s20 =	sshll.u32 s14, $0x7  }
0xe: {  	s21 =	sshll.u32 s15, $0x7;
	s22 =	sshll.u32 s16, $0x7;
	s18 =	smul.u32 $0x2800, s9  }
0xf: {  	s23 =	sshll.u32 s17, $0x7;
	s7 =	sadd.s32 s20, s1;
	s8 =	sadd.s32 s21, s1  }
0x10: {  	s9 =	sadd.s32 s22, s1;
	s13 =	sshrl.u32 s13, $0x3;
	s10 =	sadd.s32 s23, s1  }
0x11: {  	s20 =	sadd.s32 s0, s13;
	s11 =	sadd.s32 s11, s18;
	s24 =	sadd.s32 s4, s13  }
0x12: {  	s14 =	sadd.s32 s18, s14;
	s26 =	sadd.s32 s18, s15;
	s16 =	sadd.s32 s18, s16  }
0x13: {  	s17 =	sadd.s32 s18, s17;
	s22 =	sadd.s32 $0x4F0, s13;
	[dreg:$0x5] =	wrdreg s20  }
0x14: {  	s23 =	sadd.s32 s18, s19;
	s18 =	smax.u32 s12, $0x1;
	[dreg:$0x6] =	wrdreg s24  }
0x15: {  	s11 =	sshll.u32 s11, $0x4;
	s25 =	sshll.u32 s14, $0x4;
	s15 =	sshll.u32 s26, $0x4  }
0x16: {  	s14 =	sshll.u32 s16, $0x4;
	s21 =	sshll.u32 s17, $0x4;
	s19 =	sadd.s32 s0, s22  }
0x17: {  	s24 =	sor.u32 $0x80, s23;
	s11 =	sadd.s32 s3, s11;
	s20 =	sadd.s32 s3, s14  }
0x18: {  	s17 =	sadd.s32 s3, s21;
	[dreg:$0x7] =	wrdreg s11;
	s11 =	sadd.s32 s3, s25  }
0x19: {  	[dreg:$0xa] =	wrdreg s20;
	s20 =	sadd.s32 s4, s22;
	s25 =	sshrl.u32 s24, $0x3  }
0x1a: {  	[dreg:$0x8] =	wrdreg s11;
	s11 =	sadd.s32 s3, s15;
	s21 =	sadd.s32 s25, s4  }
0x1b: {  	s22 =	sadd.s32 s25, s0;
	[dreg:$0x9] =	wrdreg s11;
	s11 =	sor.u32 $0x100, s23  }
0x1c: {  	s25 =	simm.s32 $0x3;
	s3 =	simm.s32 $0x1;
	s26 =	sshrl.u32 s11, $0x3  }
0x1d: {  	s11 =	simm.s32 $0x0;
	s23 =	sadd.s32 s26, s4;
	s24 =	sadd.s32 s26, s0  }
0x1e: {  	s26 =	simm.s32 $0x1C000;
	s0 =	simm.s32 $0x4000;
	s4 =	simm.s32 $0x2  }
.LBB2_1:
0x1f: {  	s12 =	rddreg [dreg:$0x4]  }
0x20: {  	[tilespmem:s2], [sflag:$0x3] =	stream.linear.gather [hbm4b:s12+s2], $0x4000, $0x38;
	[tilespmem:$0x1C200] =	vst v63  }
0x21: {  	_ =	swait.ge [sflag:s25], $0x4000  }
0x22: {  	[sflag:s25] =	ssyncset.done $0x0  }
0x23: {  	[sflag:s25] =	ssyncadd.s32 $0xFFFFC000  }
0x24: {  	[spmem:s6] =	stream.linear.scatter [tilespmem:s2], [sflag:$0x3], $0x4000, $0x38;
	[tilespmem:$0x1C200] =	vst v63  }
0x25: {  	_ =	swait.ge [sflag:s25], $0x4000  }
0x26: {  	[sflag:s25] =	ssyncset.done $0x0  }
0x27: {  	[sflag:s25] =	ssyncadd.s32 $0xFFFFC000  }
0x28: {  	[spmem:s7] =	stream.linear.scatter [tilespmem:s2], [sflag:$0x3], $0x4000, $0x38;
	[tilespmem:$0x1C200] =	vst v63  }
0x29: {  	_ =	swait.ge [sflag:s25], $0x4000  }
0x2a: {  	[sflag:s25] =	ssyncset.done $0x0  }
0x2b: {  	[sflag:s25] =	ssyncadd.s32 $0xFFFFC000  }
0x2c: {  	[spmem:s8] =	stream.linear.scatter [tilespmem:s2], [sflag:$0x3], $0x4000, $0x38;
	[tilespmem:$0x1C200] =	vst v63  }
0x2d: {  	_ =	swait.ge [sflag:s25], $0x4000  }
0x2e: {  	[sflag:s25] =	ssyncset.done $0x0  }
0x2f: {  	[sflag:s25] =	ssyncadd.s32 $0xFFFFC000  }
0x30: {  	[spmem:s9] =	stream.linear.scatter [tilespmem:s2], [sflag:$0x3], $0x4000, $0x38;
	[tilespmem:$0x1C200] =	vst v63  }
0x31: {  	_ =	swait.ge [sflag:s25], $0x4000  }
0x32: {  	[sflag:s25] =	ssyncset.done $0x0  }
0x33: {  	[sflag:s25] =	ssyncadd.s32 $0xFFFFC000  }
0x34: {  	[spmem:s10] =	stream.linear.scatter [tilespmem:s2], [sflag:$0x3], $0x4000, $0x38;
	[tilespmem:$0x1C200] =	vst v63  }
0x35: {  	_ =	swait.ge [sflag:s25], $0x4000  }
0x36: {  	[sflag:s25] =	ssyncset.done $0x0  }
0x37: {  	[sflag:s25] =	ssyncadd.s32 $0xFFFFC000  }
0x38: {  	[bflag:$0x0] =	sbarrier.arrive $0xFFFF  }
0x39: {  	s15 =	rddreg [dreg:$0x5]  }
0x3a: {  	[tilespmem:s26], [sflag:$0x3] =	stream.linear.gather [hbm4b:s15+s2], $0x80, $0x38;
	[tilespmem:$0x1C200] =	vst v63  }
0x3b: {  	_ =	swait.ge [sflag:s25], $0x80  }
0x3c: {  	[sflag:s25] =	ssyncset.done $0x0  }
0x3d: {  	s16 =	rddreg [dreg:$0x6];
	[sflag:s25] =	ssyncadd.s32 $0xFFFFFF80  }
0x3e: {  	[tilespmem:s28], [sflag:$0x3] =	stream.linear.gather [hbm4b:s16+s2], $0x80, $0x38;
	[tilespmem:$0x1C200] =	vst v63  }
0x3f: {  	_ =	swait.ge [sflag:s25], $0x80  }
0x40: {  	[sflag:s25] =	ssyncset.done $0x0  }
0x41: {  	[sflag:s25] =	ssyncadd.s32 $0xFFFFFF80  }
0x42: {  	[tilespmem:s2], [sflag:$0x1] =	stream.indirect.gather [hbm4b:s5+s29], $0x80, s26, s29, $0xb8;
	[tilespmem:$0x1C200] =	vst v63  }
0x43: {  	s13 =	sadd.s32 $0x0, s22  }
0x44: {  	[tilespmem:s30], [sflag:$0x3] =	stream.linear.gather [hbm4b:s13+s2], $0x80, $0x38;
	[tilespmem:$0x1C200] =	vst v63  }
0x45: {  	_ =	swait.ge [sflag:s25], $0x80  }
0x46: {  	[sflag:s25] =	ssyncset.done $0x0  }
0x47: {  	s14 =	sadd.s32 $0x0, s21;
	[sflag:s25] =	ssyncadd.s32 $0xFFFFFF80  }
0x48: {  	[tilespmem:s31], [sflag:$0x3] =	stream.linear.gather [hbm4b:s14+s2], $0x80, $0x38;
	[tilespmem:$0x1C200] =	vst v63  }
0x49: {  	_ =	swait.ge [sflag:s25], $0x80  }
0x4a: {  	[sflag:s25] =	ssyncset.done $0x0  }
0x4b: {  	[sflag:s25] =	ssyncadd.s32 $0xFFFFFF80  }
0x4c: {  	[tilespmem:s0], [sflag:$0x2] =	stream.indirect.gather [hbm4b:s5+s29], $0x80, s30, s29, $0xb8;
	[tilespmem:$0x1C200] =	vst v63  }
0x4d: {  	_ =	swait.ge [sflag:s3], $0x4000  }
0x4e: {  	[sflag:s3] =	ssyncset.done $0x0  }
0x4f: {  	[sflag:s3] =	ssyncadd.s32 $0xFFFFC000  }
0x50: {  	[spmem:s1] =	stream.indirect.scatter.add.f32 [tilespmem:s2], [sflag:$0x3], $0x80, s28, s29, $0xb8;
	[tilespmem:$0x1C200] =	vst v63  }
0x51: {  	_ =	swait.ge [sflag:s25], $0x4000  }
0x52: {  	[sflag:s25] =	ssyncset.done $0x0  }
0x53: {  	s15 =	sadd.s32 $0x0, s24;
	[sflag:s25] =	ssyncadd.s32 $0xFFFFC000  }
0x54: {  	[tilespmem:s26], [sflag:$0x3] =	stream.linear.gather [hbm4b:s15+s2], $0x80, $0x38;
	[tilespmem:$0x1C200] =	vst v63  }
0x55: {  	_ =	swait.ge [sflag:s25], $0x80  }
0x56: {  	[sflag:s25] =	ssyncset.done $0x0  }
0x57: {  	s16 =	sadd.s32 $0x0, s23;
	[sflag:s25] =	ssyncadd.s32 $0xFFFFFF80  }
0x58: {  	[tilespmem:s28], [sflag:$0x3] =	stream.linear.gather [hbm4b:s16+s2], $0x80, $0x38;
	[tilespmem:$0x1C200] =	vst v63  }
0x59: {  	_ =	swait.ge [sflag:s25], $0x80  }
0x5a: {  	[sflag:s25] =	ssyncset.done $0x0  }
0x5b: {  	[sflag:s25] =	ssyncadd.s32 $0xFFFFFF80  }
0x5c: {  	[tilespmem:s2], [sflag:$0x1] =	stream.indirect.gather [hbm4b:s5+s29], $0x80, s26, s29, $0xb8;
	[tilespmem:$0x1C200] =	vst v63  }
0x5d: {  	_ =	swait.ge [sflag:s4], $0x4000  }
0x5e: {  	[sflag:s4] =	ssyncset.done $0x0  }
0x5f: {  	[sflag:s4] =	ssyncadd.s32 $0xFFFFC000  }
0x60: {  	[spmem:s1] =	stream.indirect.scatter.add.f32 [tilespmem:s0], [sflag:$0x3], $0x80, s31, s29, $0xb8;
	[tilespmem:$0x1C200] =	vst v63  }
0x61: {  	_ =	swait.ge [sflag:s25], $0x4000  }
0x62: {  	s12 =	simm.s32 $0x20;
	s13 =	simm.s32 $0x40;
	[sflag:s25] =	ssyncset.done $0x0  }
.LBB2_2:
0x63: {  	s15 =	sadd.s32 s12, s22  }
0x64: {  	[sflag:s25] =	ssyncadd.s32 $0xFFFFC000;
	s16 =	smov.u32 s13;
	s14 =	sadd.s32 $0x20, s13  }
0x65: {  	[tilespmem:s30], [sflag:$0x3] =	stream.linear.gather [hbm4b:s15+s2], $0x80, $0x38;
	[tilespmem:$0x1C200] =	vst v63  }
0x66: {  	p0 =	sne.s32 s13, $0x4C0;
	_ =	swait.ge [sflag:s25], $0x80  }
0x67: {  	[sflag:s25] =	ssyncset.done $0x0  }
0x68: {  	s13 =	sadd.s32 s12, s21;
	[sflag:s25] =	ssyncadd.s32 $0xFFFFFF80  }
0x69: {  	[tilespmem:s31], [sflag:$0x3] =	stream.linear.gather [hbm4b:s13+s2], $0x80, $0x38;
	[tilespmem:$0x1C200] =	vst v63  }
0x6a: {  	_ =	swait.ge [sflag:s25], $0x80  }
0x6b: {  	[sflag:s25] =	ssyncset.done $0x0  }
0x6c: {  	[sflag:s25] =	ssyncadd.s32 $0xFFFFFF80  }
0x6d: {  	[tilespmem:s0], [sflag:$0x2] =	stream.indirect.gather [hbm4b:s5+s29], $0x80, s30, s29, $0xb8;
	[tilespmem:$0x1C200] =	vst v63  }
0x6e: {  	_ =	swait.ge [sflag:s3], $0x4000  }
0x6f: {  	[sflag:s3] =	ssyncset.done $0x0  }
0x70: {  	[sflag:s3] =	ssyncadd.s32 $0xFFFFC000  }
0x71: {  	[spmem:s1] =	stream.indirect.scatter.add.f32 [tilespmem:s2], [sflag:$0x3], $0x80, s28, s29, $0xb8;
	[tilespmem:$0x1C200] =	vst v63  }
0x72: {  	_ =	swait.ge [sflag:s25], $0x4000  }
0x73: {  	[sflag:s25] =	ssyncset.done $0x0  }
0x74: {  	s13 =	sadd.s32 s12, s24;
	[sflag:s25] =	ssyncadd.s32 $0xFFFFC000  }
0x75: {  	[tilespmem:s26], [sflag:$0x3] =	stream.linear.gather [hbm4b:s13+s2], $0x80, $0x38;
	[tilespmem:$0x1C200] =	vst v63  }
0x76: {  	_ =	swait.ge [sflag:s25], $0x80  }
0x77: {  	[sflag:s25] =	ssyncset.done $0x0  }
0x78: {  	s13 =	sadd.s32 s12, s23;
	s12 =	smov.u32 s16;
	[sflag:s25] =	ssyncadd.s32 $0xFFFFFF80  }
0x79: {  	[tilespmem:s28], [sflag:$0x3] =	stream.linear.gather [hbm4b:s13+s2], $0x80, $0x38;
	[tilespmem:$0x1C200] =	vst v63  }
0x7a: {  	_ =	swait.ge [sflag:s25], $0x80  }
0x7b: {  	[sflag:s25] =	ssyncset.done $0x0  }
0x7c: {  	[sflag:s25] =	ssyncadd.s32 $0xFFFFFF80  }
0x7d: {  	[tilespmem:s2], [sflag:$0x1] =	stream.indirect.gather [hbm4b:s5+s29], $0x80, s26, s29, $0xb8;
	[tilespmem:$0x1C200] =	vst v63  }
0x7e: {  	_ =	swait.ge [sflag:s4], $0x4000  }
.Ltmp0:
0x7f: {  	[sflag:s4] =	ssyncset.done $0x0;
	(pc) =	sbr.rel @p0 .LBB2_2-.Ltmp0, $4  }
0x80: {  	[sflag:s4] =	ssyncadd.s32 $0xFFFFC000  }
0x81: {  	[spmem:s1] =	stream.indirect.scatter.add.f32 [tilespmem:s0], [sflag:$0x3], $0x80, s31, s29, $0xb8;
	[tilespmem:$0x1C200] =	vst v63  }
0x82: {  	_ =	swait.ge [sflag:s25], $0x4000  }
0x83: {  	s13 =	smov.u32 s14;
	[sflag:s25] =	ssyncset.done $0x0  }
0x84: {  	s13 =	sadd.s32 s12, s22;
	[sflag:s25] =	ssyncadd.s32 $0xFFFFC000  }
0x85: {  	[tilespmem:s30], [sflag:$0x3] =	stream.linear.gather [hbm4b:s13+s2], $0x80, $0x38;
	[tilespmem:$0x1C200] =	vst v63  }
0x86: {  	_ =	swait.ge [sflag:s25], $0x80  }
0x87: {  	[sflag:s25] =	ssyncset.done $0x0  }
0x88: {  	s14 =	sadd.s32 s12, s21;
	[sflag:s25] =	ssyncadd.s32 $0xFFFFFF80  }
0x89: {  	[tilespmem:s31], [sflag:$0x3] =	stream.linear.gather [hbm4b:s14+s2], $0x80, $0x38;
	[tilespmem:$0x1C200] =	vst v63  }
0x8a: {  	_ =	swait.ge [sflag:s25], $0x80  }
0x8b: {  	[sflag:s25] =	ssyncset.done $0x0  }
0x8c: {  	[sflag:s25] =	ssyncadd.s32 $0xFFFFFF80  }
0x8d: {  	[tilespmem:s0], [sflag:$0x2] =	stream.indirect.gather [hbm4b:s5+s29], $0x80, s30, s29, $0xb8;
	[tilespmem:$0x1C200] =	vst v63  }
0x8e: {  	_ =	swait.ge [sflag:s3], $0x4000  }
0x8f: {  	[sflag:s3] =	ssyncset.done $0x0  }
0x90: {  	[sflag:s3] =	ssyncadd.s32 $0xFFFFC000  }
0x91: {  	[spmem:s1] =	stream.indirect.scatter.add.f32 [tilespmem:s2], [sflag:$0x3], $0x80, s28, s29, $0xb8;
	[tilespmem:$0x1C200] =	vst v63  }
0x92: {  	_ =	swait.ge [sflag:s25], $0x4000  }
0x93: {  	[sflag:s25] =	ssyncset.done $0x0  }
0x94: {  	s15 =	sadd.s32 s12, s24;
	[sflag:s25] =	ssyncadd.s32 $0xFFFFC000  }
0x95: {  	[tilespmem:s26], [sflag:$0x3] =	stream.linear.gather [hbm4b:s15+s2], $0x80, $0x38;
	[tilespmem:$0x1C200] =	vst v63  }
0x96: {  	_ =	swait.ge [sflag:s25], $0x80  }
0x97: {  	[sflag:s25] =	ssyncset.done $0x0  }
0x98: {  	s16 =	sadd.s32 s12, s23;
	[sflag:s25] =	ssyncadd.s32 $0xFFFFFF80  }
0x99: {  	[tilespmem:s28], [sflag:$0x3] =	stream.linear.gather [hbm4b:s16+s2], $0x80, $0x38;
	[tilespmem:$0x1C200] =	vst v63  }
0x9a: {  	_ =	swait.ge [sflag:s25], $0x80  }
0x9b: {  	[sflag:s25] =	ssyncset.done $0x0  }
0x9c: {  	[sflag:s25] =	ssyncadd.s32 $0xFFFFFF80  }
0x9d: {  	[tilespmem:s2], [sflag:$0x1] =	stream.indirect.gather [hbm4b:s5+s29], $0x80, s26, s29, $0xb8;
	[tilespmem:$0x1C200] =	vst v63  }
0x9e: {  	_ =	swait.ge [sflag:s4], $0x4000  }
0x9f: {  	[sflag:s4] =	ssyncset.done $0x0  }
0xa0: {  	[sflag:s4] =	ssyncadd.s32 $0xFFFFC000  }
0xa1: {  	[spmem:s1] =	stream.indirect.scatter.add.f32 [tilespmem:s0], [sflag:$0x3], $0x80, s31, s29, $0xb8;
	[tilespmem:$0x1C200] =	vst v63  }
0xa2: {  	_ =	swait.ge [sflag:s25], $0x4000  }
0xa3: {  	[sflag:s25] =	ssyncset.done $0x0  }
0xa4: {  	[sflag:s25] =	ssyncadd.s32 $0xFFFFC000  }
0xa5: {  	[tilespmem:s30], [sflag:$0x3] =	stream.linear.gather [hbm4b:s19+s2], $0x80, $0x38;
	[tilespmem:$0x1C200] =	vst v63  }
0xa6: {  	_ =	swait.ge [sflag:s25], $0x80  }
0xa7: {  	[sflag:s25] =	ssyncset.done $0x0  }
0xa8: {  	[sflag:s25] =	ssyncadd.s32 $0xFFFFFF80  }
0xa9: {  	[tilespmem:s31], [sflag:$0x3] =	stream.linear.gather [hbm4b:s20+s2], $0x80, $0x38;
	[tilespmem:$0x1C200] =	vst v63  }
0xaa: {  	_ =	swait.ge [sflag:s25], $0x80  }
0xab: {  	[sflag:s25] =	ssyncset.done $0x0  }
0xac: {  	[sflag:s25] =	ssyncadd.s32 $0xFFFFFF80  }
0xad: {  	[tilespmem:s0], [sflag:$0x2] =	stream.indirect.gather [hbm4b:s5+s29], $0x80, s30, s29, $0xb8;
	[tilespmem:$0x1C200] =	vst v63  }
0xae: {  	_ =	swait.ge [sflag:s3], $0x4000  }
0xaf: {  	[sflag:s3] =	ssyncset.done $0x0  }
0xb0: {  	[sflag:s3] =	ssyncadd.s32 $0xFFFFC000  }
0xb1: {  	[spmem:s1] =	stream.indirect.scatter.add.f32 [tilespmem:s2], [sflag:$0x3], $0x80, s28, s29, $0xb8;
	[tilespmem:$0x1C200] =	vst v63  }
0xb2: {  	_ =	swait.ge [sflag:s25], $0x4000  }
0xb3: {  	[sflag:s25] =	ssyncset.done $0x0  }
0xb4: {  	[sflag:s25] =	ssyncadd.s32 $0xFFFFC000  }
0xb5: {  	_ =	swait.ge [sflag:s4], $0x4000  }
0xb6: {  	[sflag:s4] =	ssyncset.done $0x0  }
0xb7: {  	[sflag:s4] =	ssyncadd.s32 $0xFFFFC000  }
0xb8: {  	[spmem:s1] =	stream.indirect.scatter.add.f32 [tilespmem:s0], [sflag:$0x3], $0x80, s31, s29, $0xb8;
	[tilespmem:$0x1C200] =	vst v63  }
0xb9: {  	_ =	swait.ge [sflag:s25], $0x4000  }
0xba: {  	[sflag:s25] =	ssyncset.done $0x0  }
0xbb: {  	[sflag:s25] =	ssyncadd.s32 $0xFFFFC000  }
0xbc: {  	[bflag:$0x0] =	sbarrier.arrive $0xFFFF  }
0xbd: {  	[tilespmem:s2], [sflag:$0x3] =	stream.linear.gather [spmem:s6], $0x4000, $0x38;
	[tilespmem:$0x1C200] =	vst v63  }
0xbe: {  	_ =	swait.ge [sflag:s25], $0x4000  }
0xbf: {  	[sflag:s25] =	ssyncset.done $0x0  }
0xc0: {  	s13 =	rddreg [dreg:$0x7];
	[sflag:s25] =	ssyncadd.s32 $0xFFFFC000  }
0xc1: {  	[hbm4b:s13+s2] =	stream.linear.scatter [tilespmem:s2], [sflag:$0x3], $0x4000, $0x38;
	[tilespmem:$0x1C200] =	vst v63  }
0xc2: {  	_ =	swait.ge [sflag:s25], $0x4000  }
0xc3: {  	[sflag:s25] =	ssyncset.done $0x0  }
0xc4: {  	[sflag:s25] =	ssyncadd.s32 $0xFFFFC000  }
0xc5: {  	[tilespmem:s2], [sflag:$0x3] =	stream.linear.gather [spmem:s7], $0x4000, $0x38;
	[tilespmem:$0x1C200] =	vst v63  }
0xc6: {  	_ =	swait.ge [sflag:s25], $0x4000  }
0xc7: {  	[sflag:s25] =	ssyncset.done $0x0  }
0xc8: {  	s14 =	rddreg [dreg:$0x8];
	[sflag:s25] =	ssyncadd.s32 $0xFFFFC000  }
0xc9: {  	[hbm4b:s14+s2] =	stream.linear.scatter [tilespmem:s2], [sflag:$0x3], $0x4000, $0x38;
	[tilespmem:$0x1C200] =	vst v63  }
0xca: {  	_ =	swait.ge [sflag:s25], $0x4000  }
0xcb: {  	[sflag:s25] =	ssyncset.done $0x0  }
0xcc: {  	[sflag:s25] =	ssyncadd.s32 $0xFFFFC000  }
0xcd: {  	[tilespmem:s2], [sflag:$0x3] =	stream.linear.gather [spmem:s8], $0x4000, $0x38;
	[tilespmem:$0x1C200] =	vst v63  }
0xce: {  	_ =	swait.ge [sflag:s25], $0x4000  }
0xcf: {  	[sflag:s25] =	ssyncset.done $0x0  }
0xd0: {  	s15 =	rddreg [dreg:$0x9];
	[sflag:s25] =	ssyncadd.s32 $0xFFFFC000  }
0xd1: {  	[hbm4b:s15+s2] =	stream.linear.scatter [tilespmem:s2], [sflag:$0x3], $0x4000, $0x38;
	[tilespmem:$0x1C200] =	vst v63  }
0xd2: {  	_ =	swait.ge [sflag:s25], $0x4000  }
0xd3: {  	[sflag:s25] =	ssyncset.done $0x0  }
0xd4: {  	[sflag:s25] =	ssyncadd.s32 $0xFFFFC000  }
0xd5: {  	[tilespmem:s2], [sflag:$0x3] =	stream.linear.gather [spmem:s9], $0x4000, $0x38;
	[tilespmem:$0x1C200] =	vst v63  }
0xd6: {  	_ =	swait.ge [sflag:s25], $0x4000  }
0xd7: {  	[sflag:s25] =	ssyncset.done $0x0  }
0xd8: {  	s16 =	rddreg [dreg:$0xa];
	[sflag:s25] =	ssyncadd.s32 $0xFFFFC000  }
0xd9: {  	[hbm4b:s16+s2] =	stream.linear.scatter [tilespmem:s2], [sflag:$0x3], $0x4000, $0x38;
	[tilespmem:$0x1C200] =	vst v63  }
0xda: {  	_ =	swait.ge [sflag:s25], $0x4000  }
0xdb: {  	[sflag:s25] =	ssyncset.done $0x0  }
0xdc: {  	[sflag:s25] =	ssyncadd.s32 $0xFFFFC000  }
0xdd: {  	[tilespmem:s2], [sflag:$0x3] =	stream.linear.gather [spmem:s10], $0x4000, $0x38;
	[tilespmem:$0x1C200] =	vst v63  }
0xde: {  	s11 =	sadd.s32 $0x1, s11;
	_ =	swait.ge [sflag:s25], $0x4000  }
0xdf: {  	p0 =	sne.s32 s11, s18;
	[sflag:s25] =	ssyncset.done $0x0  }
.Ltmp1:
0xe0: {  	[sflag:s25] =	ssyncadd.s32 $0xFFFFC000;
	(pc) =	sbr.rel @p0 .LBB2_1-.Ltmp1, $4  }
0xe1: {  	[hbm4b:s17+s2] =	stream.linear.scatter [tilespmem:s2], [sflag:$0x3], $0x4000, $0x38;
	[tilespmem:$0x1C200] =	vst v63  }
0xe2: {  	_ =	swait.ge [sflag:s25], $0x4000  }
0xe3: {  	[sflag:s25] =	ssyncset.done $0x0  }
0xe4: {  	[sflag:s25] =	ssyncadd.s32 $0xFFFFC000  }
0xe5: {  	_ =	sfence.sel $0x180000  }
0xe6: {  	[bflag:$0x0] =	sbarrier.arrive $0xFFFF  }
0xe7: {  	_ =	strace $0x9000004D  }
0xe8: {  	s0 =	stileid.u32;
	[bflag:$0x2] =	sbarrier.arrive $0xFFFF  }
0xe9: {  	p0 =	sne.s32 s0, $0x0;
	s0 =	rddreg [dreg:$0x3]  }
0xea: {  	s0 =	sadd.s32 @!p0 $0x100000, s0  }
0xeb: {  	[sflag:s0] =	ssyncadd.tile.s32 @!p0 $0x1;
	_ =	shalt  }
.Lfunc_end2:
_tile_overlayer_lowered:
.L_overlay_start_2:
0xec: {  	(tag) =	ssettag $0x2  }
0xed: {  	s0 =	rddreg [dreg:$0x0];
	s2 =	stileid.u32  }
0xee: {  	s1 =	rddreg [dreg:$0x1];
	p0 =	sne.s32 s2, $0x0  }
0xef: {  	s3 =	rddreg [dreg:$0x2];
	[bflag:$0x3] =	sbarrier.arrive $0xFFFF;
	s2 =	simm.s32 @!p0 $0x1C03  }
0xf0: {  	[timem:s3], [sflag:s2] =	dma.local @!p0 [hbm:s0], s1  }
0xf1: {  	s0 =	simm.s32 @!p0 $0x3  }
0xf2: {  	_ =	swait.ge @!p0 [sflag:s0], s1  }
0xf3: {  	s1 =	ssub.s32 @!p0 $0x0, s1;
	[sflag:s0] =	ssyncset.done @!p0 $0x0  }
0xf4: {  	[sflag:s0] =	ssyncadd.s32 @!p0 s1  }
0xf5: {  	[bflag:$0x3] =	sbarrier.arrive $0xFFFF  }
0xf6: {  	_ =	shalt  }

// kernel: kernel.7.cloned.1.call-start
scs
__scs_entry_jumppad:
0x0: {  	(pc) =	sbr.rel $0x88, $3  }
0x1: {  	(tag) =	ssettag $0x0;
	lr =	simm.s32 $0x1  }
0x2: {  	[smem:$0x3F99] =	sst lr;
	_ =	strace $0xD0000000  }
0x3: {  	_ = 	snop  }
0x4: {  	_ = 	snop  }
0x5: {  	_ = 	snop  }
0x6: {  	_ = 	snop  }
0x7: {  	_ = 	snop  }
__scs_overlays_trampoline_lowered:
0x8: {  	[smem:$0x3FA8] =	sst s0  }
0x9: {  	[smem:$0x3FA9] =	sst s1  }
0xa: {  	[smem:$0x3FAA] =	sst s2  }
0xb: {  	[smem:$0x3FAB] =	sst s3  }
0xc: {  	[smem:$0x3FAC] =	sst s4  }
0xd: {  	[smem:$0x3FAD] =	sst s5  }
0xe: {  	[smem:$0x3FAE] =	sst s6  }
0xf: {  	[smem:$0x3FAF] =	sst s7  }
0x10: {  	[smem:$0x3FB0] =	sst s8  }
0x11: {  	[smem:$0x3FB1] =	sst s9;
	s0 =	simm.s32 @!p0 $0x0  }
0x12: {  	s1 =	sld [smem:$0x3F97];
	s0 =	simm.s32 @p0 $0x1  }
0x13: {  	[smem:$0x3FB2] =	sst s0;
	s0 =	simm.s32 @!p1 $0x0  }
0x14: {  	s2 =	sld [smem:$0x3F96];
	s0 =	simm.s32 @p1 $0x1  }
0x15: {  	[smem:$0x3FB3] =	sst s0;
	s0 =	simm.s32 @!p2 $0x0  }
0x16: {  	s3 =	sld [smem:$0x3FDB];
	s0 =	simm.s32 @p2 $0x1  }
0x17: {  	s4 =	simm.s32 $0x1BF5;
	[smem:$0x3FB5] =	sst s0  }
0x18: {  	s0 =	sld [smem:$0x3F98];
	_ =	swait.ge [sflag:s4], $0x0  }
0x19: {  	s7 =	sld [smem:$0x3F99]  }
0x1a: {  	s8 =	sadd.s32 $0xFFFFE003, lr  }
0x1b: {  	s9 =	sadd.s32 $0xFFFFFEF7, lr;
	s5 =	simm.s32 $0xFFFFFFFF;
	p2 =	slt.u32 s8, $0xFFFFF086  }
0x1c: {  	p1 =	slt.u32 s9, $0xF7A;
	s5 =	simm.s32 @!p2 $0x0  }
0x1d: {  	s5 =	simm.s32 @p1 $0x1;
	p0 =	seq.s32 s7, s2  }
0x1e: {  	s7 =	smul.u32 @!p0 $0xF7A, s2;
	p2 =	seq.s32 @!p0 s5, $0x0  }
0x1f: {  	s9 =	smul.u32 $0xF7A, s1;
	s8 =	simm.s32 @!p0 $0x1BF5;
	p2 =	por !p2, p0  }
0x20: {  	[sflag:s8] =	ssyncset.s32 @!p0 $0xFFFFF086;
	s6 =	sadd.s32 @!p0 s3, s7;
	s7 =	simm.s32 @!p0 $0x108  }
0x21: {  	s3 =	sadd.s32 s3, s9;
	s6 =	sadd.s32 @!p0 $0x88, s6;
	s7 =	simm.s32 @p2 $0x1082  }
0x22: {  	[simem:s7], [sflag:s8] =	dma.local @!p0 [hbm:s6], $0xF7A  }
0x23: {  	s9 =	sor.u32 $0xD0000000, s2;
	s6 =	simm.s32 $0x108;
	_ =	swait.ge @!p0 [sflag:s8], $0x0  }
0x24: {  	s3 =	sadd.s32 $0x88, s3;
	s6 =	simm.s32 @!p1 $0x1082;
	[sflag:s4] =	ssyncset.s32 $0xFFFFF086  }
0x25: {  	[simem:s6], [sflag:s4] =	dma.local [hbm:s3], $0xF7A  }
0x26: {  	[smem:$0x3F99] =	sst s1;
	(tag) =	ssettag s2;
	_ =	strace s9  }
0x27: {  	s1 =	sld [smem:$0x3FA9]  }
0x28: {  	s2 =	sld [smem:$0x3FAA]  }
0x29: {  	s4 =	sld [smem:$0x3FAC]  }
0x2a: {  	p0 =	seq.s32 s5, $0x0;
	s5 =	sld [smem:$0x3FAD]  }
0x2b: {  	s6 =	sld [smem:$0x3FAE]  }
0x2c: {  	s7 =	sld [smem:$0x3FAF]  }
0x2d: {  	s3 =	simm.s32 $0x108;
	s8 =	sld [smem:$0x3FB0]  }
0x2e: {  	s3 =	simm.s32 @!p0 $0x1082;
	s9 =	sld [smem:$0x3FB1]  }
0x2f: {  	lr =	sadd.s32 s0, s3;
	s0 =	sld [smem:$0x3FA8]  }
0x30: {  	s3 =	sld [smem:$0x3FAB]  }
0x31: {  	[smem:$0x3FB4] =	sst s10  }
0x32: {  	s10 =	sld [smem:$0x3FB2];
	_ =	sdelay $0x3  }
0x33: {  	p0 =	seq.s32 s10, $0x1;
	s10 =	sld [smem:$0x3FB4];
	_ =	sdelay $0x3  }
0x34: {  	[smem:$0x3FB4] =	sst s10  }
0x35: {  	s10 =	sld [smem:$0x3FB3];
	_ =	sdelay $0x3  }
0x36: {  	p1 =	seq.s32 s10, $0x1;
	s10 =	sld [smem:$0x3FB4];
	_ =	sdelay $0x3  }
0x37: {  	[smem:$0x3FB4] =	sst s10  }
0x38: {  	s10 =	sld [smem:$0x3FB5]  }
0x39: {  	_ = 	snop;
	(pc) =	sbr.ind lr, $3  }
0x3a: {  	_ = 	snop  }
0x3b: {  	_ = 	snop  }
0x3c: {  	p2 =	seq.s32 s10, $0x1;
	s10 =	sld [smem:$0x3FB4]  }
0x3d: {  	_ =	shalt  }
0x3e: {  	_ =	shalt  }
0x3f: {  	_ =	shalt  }
0x40: {  	_ =	shalt  }
0x41: {  	_ =	shalt  }
0x42: {  	_ =	shalt  }
0x43: {  	_ =	shalt  }
0x44: {  	_ =	shalt  }
0x45: {  	_ =	shalt  }
0x46: {  	_ =	shalt  }
0x47: {  	_ =	shalt  }
0x48: {  	_ =	shalt  }
0x49: {  	_ =	shalt  }
0x4a: {  	_ =	shalt  }
0x4b: {  	_ =	shalt  }
0x4c: {  	_ =	shalt  }
0x4d: {  	_ =	shalt  }
0x4e: {  	_ =	shalt  }
0x4f: {  	_ =	shalt  }
0x50: {  	_ =	shalt  }
0x51: {  	_ =	shalt  }
0x52: {  	_ =	shalt  }
0x53: {  	_ =	shalt  }
0x54: {  	_ =	shalt  }
0x55: {  	_ =	shalt  }
0x56: {  	_ =	shalt  }
0x57: {  	_ =	shalt  }
0x58: {  	_ =	shalt  }
0x59: {  	_ =	shalt  }
0x5a: {  	_ =	shalt  }
0x5b: {  	_ =	shalt  }
0x5c: {  	_ =	shalt  }
0x5d: {  	_ =	shalt  }
0x5e: {  	_ =	shalt  }
0x5f: {  	_ =	shalt  }
0x60: {  	_ =	shalt  }
0x61: {  	_ =	shalt  }
0x62: {  	_ =	shalt  }
0x63: {  	_ =	shalt  }
0x64: {  	_ =	shalt  }
0x65: {  	_ =	shalt  }
0x66: {  	_ =	shalt  }
0x67: {  	_ =	shalt  }
0x68: {  	_ =	shalt  }
0x69: {  	_ =	shalt  }
0x6a: {  	_ =	shalt  }
0x6b: {  	_ =	shalt  }
0x6c: {  	_ =	shalt  }
0x6d: {  	_ =	shalt  }
0x6e: {  	_ =	shalt  }
0x6f: {  	_ =	shalt  }
0x70: {  	_ =	shalt  }
0x71: {  	_ =	shalt  }
0x72: {  	_ =	shalt  }
0x73: {  	_ =	shalt  }
0x74: {  	_ =	shalt  }
0x75: {  	_ =	shalt  }
0x76: {  	_ =	shalt  }
0x77: {  	_ =	shalt  }
0x78: {  	_ =	shalt  }
0x79: {  	_ =	shalt  }
0x7a: {  	_ =	shalt  }
0x7b: {  	_ =	shalt  }
0x7c: {  	_ =	shalt  }
0x7d: {  	_ =	shalt  }
0x7e: {  	_ =	shalt  }
0x7f: {  	_ =	shalt  }
0x80: {  	_ =	shalt  }
0x81: {  	_ =	shalt  }
0x82: {  	_ =	shalt  }
0x83: {  	_ =	shalt  }
0x84: {  	_ =	shalt  }
0x85: {  	_ =	shalt  }
0x86: {  	_ =	shalt  }
0x87: {  	_ =	shalt  }
.Lfunc_end0:
.L_simem_size_0:
called_computation_lowered:
.L_overlay_start_0:
0x88: {  	s2 =	sld [smem:$0x3FD9]  }
0x89: {  	s3 =	sld [smem:$0x3FFE];
	_ =	sdelay $0x1  }
0x8a: {  	s1 =	srdreg.scid  }
0x8b: {  	s0 =	sand.u32 $0x1, s1  }
0x8c: {  	s17 =	sshll.u32 s0, $0xA;
	s2 =	sadd.s32 s3, s2  }
0x8d: {  	s2 =	sadd.s32 s2, s17  }
0x8e: {  	[smem:$0x3FC0] =	sst s2  }
0x8f: {  	_ = 	snop  }
0x90: {  	(tm) =	ssettm $0x1  }
0x91: {  	s18 =	sld [smem:$0x3FFB];
	_ =	sdelay $0x3  }
0x92: {  	_ =	strace s18  }
0x93: {  	s2 =	sld [smem:$0x3FFC];
	_ =	sdelay $0x3  }
0x94: {  	_ =	strace s2  }
0x95: {  	s2 =	sld [smem:$0x3FFD];
	_ =	sdelay $0x3  }
0x96: {  	_ =	strace s2  }
0x97: {  	_ =	strace $0x8FFFFFFF  }
0x98: {  	s19 =	sld [smem:$0x3FDB];
	_ =	sdelay $0x1  }
0x99: {  	s20 =	simm.s32 $_scs_section_size  }
0x9a: {  	s4 =	simm.s32 $_size__tile_overlayer_lowered;
	s5 =	simm.s32 $_tile_overlayer_lowered  }
0x9b: {  	s6 =	simm.s32 $0x1BFF;
	s21 =	sshll.u32 s5, $0x1;
	s3 =	sadd.s32 s20, s19  }
0x9c: {  	s22 =	simm.s32 $0x0;
	s4 =	sshll.u32 s4, $0x1;
	s5 =	sadd.s32 s21, s3  }
0x9d: {  	[timem:s22], [sflag:s6] =	dma.local [hbm:s5], s4  }
0x9e: {  	_ =	swait.ge [sflag:s6], s4  }
0x9f: {  	s4 =	ssub.s32 $0x0, s4;
	[sflag:s6] =	ssyncset.done $0x0  }
0xa0: {  	[sflag:s6] =	ssyncadd.s32 s4;
	_ =	sdelay $0x1  }
0xa1: {  	s23 =	simm.s32 $0x1B8B  }
0xa2: {  	_ =	swait.ge [sflag:s23], $0x1  }
0xa3: {  	[sflag:s23] =	ssyncset.done $0x0  }
0xa4: {  	[sflag:s23] =	ssyncadd.s32 $0xFFFFFFFF  }
0xa5: {  	s4 =	sld [smem:$0x0]  }
0xa6: {  	s5 =	sand.u32 $0xFFFFFFFE, s1  }
0xa7: {  	p0 =	sne.s32 s1, s5  }
0xa8: {  	s5 =	sshll.u32 @p0 s5, $0xE  }
0xa9: {  	s5 =	sadd.s32 @p0 $0x11B8D, s5;
	s6 =	sshll.u32 @p0 s4, $0x11  }
0xaa: {  	s5 =	sor.u32 @p0 s6, s5  }
0xab: {  	[sflag:s5] =	ssyncadd.remote.s32 @p0 $0x1;
	_ =	sdelay $0x1  }
0xac: {  	s5 =	simm.s32 @p0 $0x1B8D  }
0xad: {  	_ =	swait.eq @p0 [sflag:s5], $0x1  }
0xae: {  	[sflag:s5] =	ssyncadd.s32 @p0 $0xFFFFFFFF  }
0xaf: {  	s6 =	sshll.u32 @!p0 s1, $0xE  }
0xb0: {  	s6 =	sor.u32 @!p0 $0x4000, s6;
	s5 =	simm.s32 @!p0 $0x1B8D  }
0xb1: {  	s4 =	sshll.u32 @!p0 s4, $0x11;
	s6 =	sadd.s32 @!p0 $0x11B8D, s6;
	_ =	swait.eq @!p0 [sflag:s5], $0x1  }
0xb2: {  	s4 =	sor.u32 @!p0 s4, s6;
	[sflag:s5] =	ssyncadd.s32 @!p0 $0xFFFFFFFF  }
0xb3: {  	s25 =	simm.s32 $0x1B8E;
	s24 =	sld [smem:$0x3FFE];
	[sflag:s4] =	ssyncadd.remote.s32 @!p0 $0x1  }
0xb4: {  	s26 =	simm.s32 $execute0_lowered;
	[smem:$0x3FD2] =	sst s25  }
0xb5: {  	s5 =	sshll.u32 s26, $0x1;
	_ =	strace $0x80000049;
	[dreg:$0x1] =	wrdreg $0xFFFFFFFF  }
0xb6: {  	s28 =	simm.s32 $_size_execute0_lowered;
	s3 =	sadd.s32 s3, s5;
	[dreg:$0x0] =	wrdreg $0x0  }
0xb7: {  	s5 =	sshll.u32 s28, $0x1;
	[dreg:$0x2] =	wrdreg s3  }
0xb8: {  	[dreg:$0x3] =	wrdreg s5  }
0xb9: {  	[dreg:$0x4] =	wrdreg $0xC0  }
0xba: {  	_ =	task [dreg:s22], $0x5FFFF  }
0xbb: {  	[dreg:$0x1] =	wrdreg $0xFFFFFFFF  }
0xbc: {  	[dreg:$0x0] =	wrdreg $0x60  }
0xbd: {  	[dreg:$0x2] =	wrdreg s24  }
0xbe: {  	[dreg:$0x3] =	wrdreg $0x40000  }
0xbf: {  	[dreg:$0x4] =	wrdreg $0x9  }
0xc0: {  	_ =	task.clear_ibuf [dreg:s22], $0x5FFFF;
	_ =	strace $0x90000049  }
0xc1: {  	s29 =	simm.s32 $0x9;
	_ =	strace $0x8000004B  }
0xc2: {  	_ =	swait.ge [sflag:s29], $0x1  }
0xc3: {  	[sflag:s29] =	ssyncadd.s32 $0xFFFFFFFF  }
0xc4: {  	_ =	strace $0x9000004B  }
0xc5: {  	_ =	sfence  }
0xc6: {  	s30 =	sld [smem:$0x0];
	_ =	sdelay $0x2  }
0xc7: {  	s31 =	sshll.u32 s1, $0xD;
	s1 =	sshrl.u32 s1, $0x2  }
0xc8: {  	s4 =	sand.u32 $0x4000, s31;
	s1 =	sadd.s32 s1, s30  }
0xc9: {  	s0 =	sor.u32 s4, s0;
	s1 =	sshll.u32 s1, $0x11  }
0xca: {  	s0 =	sor.u32 s1, s0  }
0xcb: {  	s0 =	sadd.s32 $0x8F2B, s0  }
0xcc: {  	[sflag:s0] =	ssyncadd.remote.s32 $0x1  }
0xcd: {  	_ =	sfence.sel $0xFFFF  }
0xce: {  	[dreg:$0x0] =	wrdreg $0xFFFFFFFF;
	(pc) =	sbr.abs _section_cstart, $3  }
0xcf: {  	[dreg:$0x1] =	wrdreg $0xFFFFFFFF  }
0xd0: {  	_ =	task.clear_ibuf [dreg:s22], $0x2FFFF;
	_ =	strace $0x9FFFFFFF  }
0xd1: {  	(tm) =	ssettm $0x7FFFFFFF  }
tec
execute0_lowered:
.L_overlay_start_1:
0x0: {  	(tag) =	ssettag $0x1  }
0x1: {  	s6 =	rddreg [dreg:$0x0]  }
0x2: {  	s2 =	rddreg [dreg:$0x1]  }
0x3: {  	s0 =	rddreg [dreg:$0x2]  }
0x4: {  	s3 =	simm.s32 $0x0;
	s1 =	stileid.u32;
	s5 =	srdreg.scid  }
0x5: {  	s21 =	simm.s32 $0x0;
	[smem:$0x7FF] =	sst s3;
	s7 =	smul.u32 $0xA00, s1  }
0x6: {  	s4 =	sadd.s32 $0xC200, s6;
	s13 =	sand.u32 $0x1, s5;
	s11 =	smul.u32 $0x280, s1  }
0x7: {  	s5 =	sadd.s32 $0x5CA00, s6;
	s9 =	smul.u32 $0x50000, s1;
	s15 =	sadd.s32 $0x5D200, s6  }
0x8: {  	_ =	strace $0x8000004A;
	s8 =	ssub.s32 $0x2, s13;
	s20 =	smul.u32 $0x2800, s13  }
0x9: {  	s28 =	smul.u32 $0x500, s13;
	s16 =	sadd.s32 s7, s6;
	s22 =	sshrl.u32 s8, $0x1  }
0xa: {  	s23 =	sshrl.u32 s9, $0x2;
	s12 =	sadd.s32 $0x80, s11;
	s14 =	sadd.s32 $0x100, s11  }
0xb: {  	s18 =	sadd.s32 $0x180, s11;
	s19 =	sadd.s32 $0x200, s11;
	s17 =	ssub.s32 s8, s22  }
0xc: {  	s6 =	sadd.s32 s23, s2;
	s24 =	sshll.u32 s12, $0x7;
	s25 =	sshll.u32 s14, $0x7  }
0xd: {  	s26 =	sshll.u32 s18, $0x7;
	s10 =	sshll.u32 s19, $0x7;
	s11 =	sadd.s32 s11, s20  }
0xe: {  	s12 =	sadd.s32 s20, s12;
	s14 =	sadd.s32 s20, s14;
	s18 =	sadd.s32 s20, s18  }
0xf: {  	s19 =	sadd.s32 s20, s19;
	s31 =	sadd.s32 s28, s16;
	s20 =	simm.s32 $0x80  }
0x10: {  	s7 =	sadd.s32 s24, s2;
	s8 =	sadd.s32 s25, s2;
	s9 =	sadd.s32 s26, s2  }
0x11: {  	s10 =	sadd.s32 s10, s2;
	s11 =	sshll.u32 s11, $0x4;
	s12 =	sshll.u32 s12, $0x4  }
0x12: {  	s14 =	sshll.u32 s14, $0x4;
	s29 =	sshll.u32 s18, $0x4;
	s30 =	sshll.u32 s19, $0x4  }
0x13: {  	s16 =	smax.u32 s17, $0x1;
	s17 =	sadd.s32 $0x2200, s31;
	s18 =	simm.s32 $0x1  }
0x14: {  	s19 =	simm.s32 $0x18000;
	s11 =	sadd.s32 s15, s11;
	s12 =	sadd.s32 s15, s12  }
0x15: {  	s13 =	sadd.s32 s15, s14;
	s14 =	sadd.s32 s15, s29;
	s15 =	sadd.s32 s15, s30  }
.LBB2_1:
0x16: {  	[tilespmem:s3], [sflag:$0x1] =	stream.linear.gather [hbm4b:s4+s3], $0x4000, $0x38;
	[tilespmem:$0x18080] =	vst v63  }
0x17: {  	_ =	swait.ge [sflag:s18], $0x4000  }
0x18: {  	[sflag:s18] =	ssyncset.done $0x0  }
0x19: {  	[sflag:s18] =	ssyncadd.s32 $0xFFFFC000  }
0x1a: {  	[spmem:s6] =	stream.linear.scatter [tilespmem:s3], [sflag:$0x1], $0x4000, $0x38;
	[tilespmem:$0x18080] =	vst v63  }
0x1b: {  	_ =	swait.ge [sflag:s18], $0x4000  }
0x1c: {  	[sflag:s18] =	ssyncset.done $0x0  }
0x1d: {  	[sflag:s18] =	ssyncadd.s32 $0xFFFFC000  }
0x1e: {  	[spmem:s7] =	stream.linear.scatter [tilespmem:s3], [sflag:$0x1], $0x4000, $0x38;
	[tilespmem:$0x18080] =	vst v63  }
0x1f: {  	_ =	swait.ge [sflag:s18], $0x4000  }
0x20: {  	[sflag:s18] =	ssyncset.done $0x0  }
0x21: {  	[sflag:s18] =	ssyncadd.s32 $0xFFFFC000  }
0x22: {  	[spmem:s8] =	stream.linear.scatter [tilespmem:s3], [sflag:$0x1], $0x4000, $0x38;
	[tilespmem:$0x18080] =	vst v63  }
0x23: {  	_ =	swait.ge [sflag:s18], $0x4000  }
0x24: {  	[sflag:s18] =	ssyncset.done $0x0  }
0x25: {  	[sflag:s18] =	ssyncadd.s32 $0xFFFFC000  }
0x26: {  	[spmem:s9] =	stream.linear.scatter [tilespmem:s3], [sflag:$0x1], $0x4000, $0x38;
	[tilespmem:$0x18080] =	vst v63  }
0x27: {  	_ =	swait.ge [sflag:s18], $0x4000  }
0x28: {  	[sflag:s18] =	ssyncset.done $0x0  }
0x29: {  	[sflag:s18] =	ssyncadd.s32 $0xFFFFC000  }
0x2a: {  	[spmem:s10] =	stream.linear.scatter [tilespmem:s3], [sflag:$0x1], $0x4000, $0x38;
	[tilespmem:$0x18080] =	vst v63  }
0x2b: {  	_ =	swait.ge [sflag:s18], $0x4000  }
0x2c: {  	[sflag:s18] =	ssyncset.done $0x0  }
0x2d: {  	[sflag:s18] =	ssyncadd.s32 $0xFFFFC000  }
0x2e: {  	[bflag:$0x0] =	sbarrier.arrive $0xFFFF  }
0x2f: {  	[tilespmem:s3], [sflag:$0x1] =	stream.linear.gather [hbm4b:s5+s3], $0x4000, $0x38;
	[tilespmem:$0x18080] =	vst v63  }
0x30: {  	_ =	swait.ge [sflag:s18], $0x4000  }
0x31: {  	[sflag:s18] =	ssyncset.done $0x0  }
0x32: {  	s22 =	sadd.s32 $0x0, s17;
	[sflag:s18] =	ssyncadd.s32 $0xFFFFC000  }
0x33: {  	[tilespmem:s19], [sflag:$0x1] =	stream.linear.gather [hbm4b:s22+s3], $0x80, $0x38;
	[tilespmem:$0x18080] =	vst v63  }
0x34: {  	_ =	swait.ge [sflag:s18], $0x80  }
0x35: {  	[sflag:s18] =	ssyncset.done $0x0  }
0x36: {  	[sflag:s18] =	ssyncadd.s32 $0xFFFFFF80  }
0x37: {  	[spmem:s2] =	stream.indirect.scatter.add.f32 [tilespmem:s3], [sflag:$0x1], $0x80, s19, s20, $0xb8;
	[tilespmem:$0x18080] =	vst v63  }
0x38: {  	_ =	swait.ge [sflag:s18], $0x4000  }
0x39: {  	s23 =	simm.s32 $0x20;
	s22 =	simm.s32 $0x10;
	[sflag:s18] =	ssyncset.done $0x0  }
.LBB2_2:
0x3a: {  	s24 =	sadd.s32 s22, s17  }
0x3b: {  	[sflag:s18] =	ssyncadd.s32 $0xFFFFC000;
	s22 =	smov.u32 s23;
	s25 =	sadd.s32 $0x10, s23  }
0x3c: {  	[tilespmem:s19], [sflag:$0x1] =	stream.linear.gather [hbm4b:s24+s3], $0x80, $0x38;
	[tilespmem:$0x18080] =	vst v63  }
0x3d: {  	p0 =	sne.s32 s23, $0x4F0;
	_ =	swait.ge [sflag:s18], $0x80  }
.Ltmp0:
0x3e: {  	[sflag:s18] =	ssyncset.done $0x0;
	(pc) =	sbr.rel @p0 .LBB2_2-.Ltmp0, $4  }
0x3f: {  	[sflag:s18] =	ssyncadd.s32 $0xFFFFFF80  }
0x40: {  	[spmem:s2] =	stream.indirect.scatter.add.f32 [tilespmem:s3], [sflag:$0x1], $0x80, s19, s20, $0xb8;
	[tilespmem:$0x18080] =	vst v63  }
0x41: {  	_ =	swait.ge [sflag:s18], $0x4000  }
0x42: {  	s23 =	smov.u32 s25;
	[sflag:s18] =	ssyncset.done $0x0  }
0x43: {  	s22 =	sadd.s32 s22, s17;
	[sflag:s18] =	ssyncadd.s32 $0xFFFFC000  }
0x44: {  	[tilespmem:s19], [sflag:$0x1] =	stream.linear.gather [hbm4b:s22+s3], $0x80, $0x38;
	[tilespmem:$0x18080] =	vst v63  }
0x45: {  	_ =	swait.ge [sflag:s18], $0x80  }
0x46: {  	[sflag:s18] =	ssyncset.done $0x0  }
0x47: {  	[sflag:s18] =	ssyncadd.s32 $0xFFFFFF80  }
0x48: {  	[spmem:s2] =	stream.indirect.scatter.add.f32 [tilespmem:s3], [sflag:$0x1], $0x80, s19, s20, $0xb8;
	[tilespmem:$0x18080] =	vst v63  }
0x49: {  	_ =	swait.ge [sflag:s18], $0x4000  }
0x4a: {  	[sflag:s18] =	ssyncset.done $0x0  }
0x4b: {  	[sflag:s18] =	ssyncadd.s32 $0xFFFFC000  }
0x4c: {  	[bflag:$0x0] =	sbarrier.arrive $0xFFFF  }
0x4d: {  	[tilespmem:s3], [sflag:$0x1] =	stream.linear.gather [spmem:s6], $0x4000, $0x38;
	[tilespmem:$0x18080] =	vst v63  }
0x4e: {  	_ =	swait.ge [sflag:s18], $0x4000  }
0x4f: {  	[sflag:s18] =	ssyncset.done $0x0  }
0x50: {  	[sflag:s18] =	ssyncadd.s32 $0xFFFFC000  }
0x51: {  	[hbm4b:s11+s3] =	stream.linear.scatter [tilespmem:s3], [sflag:$0x1], $0x4000, $0x38;
	[tilespmem:$0x18080] =	vst v63  }
0x52: {  	_ =	swait.ge [sflag:s18], $0x4000  }
0x53: {  	[sflag:s18] =	ssyncset.done $0x0  }
0x54: {  	[sflag:s18] =	ssyncadd.s32 $0xFFFFC000  }
0x55: {  	[tilespmem:s3], [sflag:$0x1] =	stream.linear.gather [spmem:s7], $0x4000, $0x38;
	[tilespmem:$0x18080] =	vst v63  }
0x56: {  	_ =	swait.ge [sflag:s18], $0x4000  }
0x57: {  	[sflag:s18] =	ssyncset.done $0x0  }
0x58: {  	[sflag:s18] =	ssyncadd.s32 $0xFFFFC000  }
0x59: {  	[hbm4b:s12+s3] =	stream.linear.scatter [tilespmem:s3], [sflag:$0x1], $0x4000, $0x38;
	[tilespmem:$0x18080] =	vst v63  }
0x5a: {  	_ =	swait.ge [sflag:s18], $0x4000  }
0x5b: {  	[sflag:s18] =	ssyncset.done $0x0  }
0x5c: {  	[sflag:s18] =	ssyncadd.s32 $0xFFFFC000  }
0x5d: {  	[tilespmem:s3], [sflag:$0x1] =	stream.linear.gather [spmem:s8], $0x4000, $0x38;
	[tilespmem:$0x18080] =	vst v63  }
0x5e: {  	_ =	swait.ge [sflag:s18], $0x4000  }
0x5f: {  	[sflag:s18] =	ssyncset.done $0x0  }
0x60: {  	[sflag:s18] =	ssyncadd.s32 $0xFFFFC000  }
0x61: {  	[hbm4b:s13+s3] =	stream.linear.scatter [tilespmem:s3], [sflag:$0x1], $0x4000, $0x38;
	[tilespmem:$0x18080] =	vst v63  }
0x62: {  	_ =	swait.ge [sflag:s18], $0x4000  }
0x63: {  	[sflag:s18] =	ssyncset.done $0x0  }
0x64: {  	[sflag:s18] =	ssyncadd.s32 $0xFFFFC000  }
0x65: {  	[tilespmem:s3], [sflag:$0x1] =	stream.linear.gather [spmem:s9], $0x4000, $0x38;
	[tilespmem:$0x18080] =	vst v63  }
0x66: {  	_ =	swait.ge [sflag:s18], $0x4000  }
0x67: {  	[sflag:s18] =	ssyncset.done $0x0  }
0x68: {  	[sflag:s18] =	ssyncadd.s32 $0xFFFFC000  }
0x69: {  	[hbm4b:s14+s3] =	stream.linear.scatter [tilespmem:s3], [sflag:$0x1], $0x4000, $0x38;
	[tilespmem:$0x18080] =	vst v63  }
0x6a: {  	_ =	swait.ge [sflag:s18], $0x4000  }
0x6b: {  	[sflag:s18] =	ssyncset.done $0x0  }
0x6c: {  	[sflag:s18] =	ssyncadd.s32 $0xFFFFC000  }
0x6d: {  	[tilespmem:s3], [sflag:$0x1] =	stream.linear.gather [spmem:s10], $0x4000, $0x38;
	[tilespmem:$0x18080] =	vst v63  }
0x6e: {  	s21 =	sadd.s32 $0x1, s21;
	_ =	swait.ge [sflag:s18], $0x4000  }
0x6f: {  	p0 =	sne.s32 s21, s16;
	[sflag:s18] =	ssyncset.done $0x0  }
.Ltmp1:
0x70: {  	[sflag:s18] =	ssyncadd.s32 $0xFFFFC000;
	(pc) =	sbr.rel @p0 .LBB2_1-.Ltmp1, $4  }
0x71: {  	[hbm4b:s15+s3] =	stream.linear.scatter [tilespmem:s3], [sflag:$0x1], $0x4000, $0x38;
	[tilespmem:$0x18080] =	vst v63  }
0x72: {  	_ =	swait.ge [sflag:s18], $0x4000  }
0x73: {  	[sflag:s18] =	ssyncset.done $0x0  }
0x74: {  	[sflag:s18] =	ssyncadd.s32 $0xFFFFC000  }
0x75: {  	_ =	sfence.sel $0x180000  }
0x76: {  	[bflag:$0x0] =	sbarrier.arrive $0xFFFF  }
0x77: {  	p0 =	sne.s32 s1, $0x0;
	_ =	strace $0x9000004A  }
0x78: {  	s0 =	sadd.s32 @!p0 $0x100000, s0;
	[bflag:$0x2] =	sbarrier.arrive $0xFFFF  }
0x79: {  	[sflag:s0] =	ssyncadd.tile.s32 @!p0 $0x1;
	_ =	shalt  }
.Lfunc_end2:
_tile_overlayer_lowered:
.L_overlay_start_2:
0x7a: {  	(tag) =	ssettag $0x2  }
0x7b: {  	s0 =	rddreg [dreg:$0x0];
	s2 =	stileid.u32  }
0x7c: {  	s1 =	rddreg [dreg:$0x1];
	p0 =	sne.s32 s2, $0x0  }
0x7d: {  	s3 =	rddreg [dreg:$0x2];
	[bflag:$0x3] =	sbarrier.arrive $0xFFFF;
	s2 =	simm.s32 @!p0 $0x1C01  }
0x7e: {  	[timem:s3], [sflag:s2] =	dma.local @!p0 [hbm:s0], s1  }
0x7f: {  	s0 =	simm.s32 @!p0 $0x1  }
0x80: {  	_ =	swait.ge @!p0 [sflag:s0], s1  }
0x81: {  	s1 =	ssub.s32 @!p0 $0x0, s1;
	[sflag:s0] =	ssyncset.done @!p0 $0x0  }
0x82: {  	[sflag:s0] =	ssyncadd.s32 @!p0 s1  }
0x83: {  	[bflag:$0x3] =	sbarrier.arrive $0xFFFF  }
0x84: {  	_ =	shalt  }

</sc_bundles>
